<compile_context>
chip_gen: v7x
topology: tpu7x:2x2x1
jax: 0.10.2.dev20260603
libtpu: 0.0.44.dev20260713+nightly
codegen_flags: <defaults>
</compile_context>

<pallas_src>
import functools

import jax
import jax.numpy as jnp
from jax import lax
from jax.experimental import pallas as pl
from jax.experimental.pallas import tpu as pltpu
from jax.experimental.pallas import tpu_sc as plsc

B = 16384
N_CAT = 26
N_NUM = 13
V = 100000
D = 32
H = 32
SEQ = N_CAT + N_NUM + 1
F = N_NUM * H
NP = N_CAT * D
FOUT = SEQ * D
NCLS = D + F

_NC = 2
_NS = 16
_NW = _NC * _NS
PPW = NP // _NW
RPW = NCLS // _NW
HALF = B // 2


def _make_sc_gather():
  mesh = plsc.VectorSubcoreMesh(core_axis_name="c", subcore_axis_name="s")

  @functools.partial(
      pl.kernel,
      mesh=mesh,
      out_type=jax.ShapeDtypeStruct((FOUT, B), jnp.float32),
      compiler_params=pltpu.CompilerParams(
          use_tc_tiling_on_sc=True, needs_layout_passes=False),
      scratch_types=[
          pltpu.VMEM((V,), jnp.float32),
          pltpu.VMEM((B,), jnp.int32),
          pltpu.VMEM((HALF,), jnp.float32),
          pltpu.VMEM((FOUT,), jnp.float32),
          pltpu.SemaphoreType.DMA,
          pltpu.SemaphoreType.DMA,
      ],
  )
  def sc_kernel(tt2, idx_t, ncls, posf, out, plane_v, idx_v, out_v, pos_v,
                sem, wsem):
    wid = lax.axis_index("s") * _NC + lax.axis_index("c")
    base = wid * PPW

    pltpu.sync_copy(posf, pos_v)

    def plane_step(k, prev_c):
      p = base + k
      c = p // D

      stream = pltpu.async_copy(tt2.at[p], plane_v, sem)

      @pl.when(k < RPW)
      def _():
        src = wid * RPW + k
        dst = jnp.where(src < D, src, src + NP)
        for h in range(2):
          pltpu.sync_copy(ncls.at[src, pl.ds(h * HALF, HALF)], out_v)
          pltpu.sync_copy(out_v, out.at[dst, pl.ds(h * HALF, HALF)])

      @pl.when(c != prev_c)
      def _():
        pltpu.sync_copy(idx_t.at[c], idx_v)

      stream.wait()
      pv = plsc.load_gather(pos_v, [jnp.full((16,), D + p, jnp.int32)])

      CH = B // 8
      handles = [None] * 8
      for i in range(8):
        if i >= 4:
          handles[i - 4].wait()
        bo = (i % 4) * CH

        def gstep(j, carry, _i=i, _bo=bo):
          ivs = []
          for u in range(8):
            off = j * 128 + u * 16
            ivs.append(idx_v[pl.ds(_i * CH + off, 16)])
          gs = [plsc.load_gather(plane_v, [iv]) for iv in ivs]
          for u in range(8):
            off = j * 128 + u * 16
            out_v[pl.ds(_bo + off, 16)] = gs[u] + pv
          return carry

        lax.fori_loop(0, CH // 128, gstep, 0)
        handles[i] = pltpu.async_copy(
            out_v.at[pl.ds(bo, CH)], out.at[D + p, pl.ds(i * CH, CH)], wsem)
      for i in range(4, 8):
        handles[i].wait()

      return c

    lax.fori_loop(0, PPW, plane_step, jnp.int32(-1))

  return sc_kernel


_sc_gather = _make_sc_gather()

BT = 2048
GRID = B // BT


def _mlp_body(x_ref, nf_ref, mf_ref, st_ref, w1_ref, b1_ref, w2_ref, b2_ref,
              maskc_ref, nullc_ref, clsp_ref, posn_ref, out_ref):
  xr = jnp.dot(st_ref[...], x_ref[...], preferred_element_type=jnp.float32)
  h = jnp.maximum(xr * w1_ref[...] + b1_ref[...], 0.0)
  y = jnp.dot(w2_ref[...], h, preferred_element_type=jnp.float32) + b2_ref[...]
  nfr = jnp.dot(st_ref[...], nf_ref[...], preferred_element_type=jnp.float32)
  mfr = jnp.dot(st_ref[...], mf_ref[...], preferred_element_type=jnp.float32)
  num = nfr * nullc_ref[...] + (1.0 - nfr) * (
      mfr * maskc_ref[...] + (1.0 - mfr) * y)
  clsb = jnp.broadcast_to(clsp_ref[...], (D, BT))
  out_ref[...] = jnp.concatenate([clsb, num + posn_ref[...]], axis=0)


def _mlp(xt, nft, mft, st, w1c, b1c, w2t, b2c, maskc, nullc, clspc, posnc):
  return pl.pallas_call(
      _mlp_body,
      grid=(GRID,),
      in_specs=[
          pl.BlockSpec((N_NUM, BT), lambda i: (0, i)),
          pl.BlockSpec((N_NUM, BT), lambda i: (0, i)),
          pl.BlockSpec((N_NUM, BT), lambda i: (0, i)),
          pl.BlockSpec((F, N_NUM), lambda i: (0, 0)),
          pl.BlockSpec((F, 1), lambda i: (0, 0)),
          pl.BlockSpec((F, 1), lambda i: (0, 0)),
          pl.BlockSpec((F, F), lambda i: (0, 0)),
          pl.BlockSpec((F, 1), lambda i: (0, 0)),
          pl.BlockSpec((F, 1), lambda i: (0, 0)),
          pl.BlockSpec((F, 1), lambda i: (0, 0)),
          pl.BlockSpec((D, 1), lambda i: (0, 0)),
          pl.BlockSpec((F, 1), lambda i: (0, 0)),
      ],
      out_specs=pl.BlockSpec((NCLS, BT), lambda i: (0, i)),
      out_shape=jax.ShapeDtypeStruct((NCLS, B), jnp.float32),
  )(xt, nft, mft, st, w1c, b1c, w2t, b2c, maskc, nullc, clspc, posnc)


def kernel(cat_indices, num_values, mask_flags, null_flags, emb_tables, W1,
           b1, W2, b2, mask_emb, null_emb, cls_token, pos_table):
  tt2 = emb_tables.transpose(0, 2, 1).reshape(NP, V)
  idx_t = cat_indices.T.astype(jnp.int32)

  xt = num_values.T
  nft = null_flags.T.astype(jnp.float32)
  mft = mask_flags.T.astype(jnp.float32)
  st = jnp.repeat(jnp.eye(N_NUM, dtype=jnp.float32), H, axis=0)
  w1c = W1.reshape(F, 1)
  b1c = b1.reshape(F, 1)
  w2t = jnp.einsum("nm,nhd->mdnh", jnp.eye(N_NUM, dtype=W2.dtype),
                   W2).reshape(F, F)
  b2c = b2.reshape(F, 1)
  maskc = mask_emb.reshape(F, 1)
  nullc = null_emb.reshape(F, 1)
  posf = pos_table.reshape(FOUT)
  clspc = (cls_token + pos_table[0]).reshape(D, 1)
  posnc = posf[D + NP:].reshape(F, 1)

  ncls = _mlp(xt, nft, mft, st, w1c, b1c, w2t, b2c, maskc, nullc, clspc,
              posnc)
  out_t = _sc_gather(tt2, idx_t, ncls, posf)
  return out_t.T.reshape(B, SEQ, D)

# --- scband reference (transcript-rebuilt; emitter-appended) ---
"""Pipeline reference for scband-tabular-embedder-63024350101782 (READ-ONLY COPY).

The authoritative reference and input builder live on the scoring server;
editing this copy changes nothing except your own understanding.
"""

import jax, jax.numpy as jnp
import numpy as np

B = 16384
N_CAT = 26
N_NUM = 13
V = 100000
D = 32
H = 32
SEQ = N_CAT + N_NUM + 1


def setup_inputs(seed: int = 0) -> dict:
    key = jax.random.key(seed)
    ks = jax.random.split(key, 12)
    cat_indices = jax.random.randint(ks[0], (B, N_CAT), 0, V)
    num_values = jax.random.normal(ks[1], (B, N_NUM), dtype=jnp.float32)
    mask_flags = jax.random.randint(ks[2], (B, N_NUM), 0, 2).astype(bool)
    null_flags = jax.random.randint(ks[3], (B, N_NUM), 0, 2).astype(bool)
    emb_tables = jax.random.normal(ks[4], (N_CAT, V, D), dtype=jnp.float32) * 0.02
    W1 = jax.random.normal(ks[5], (N_NUM, H), dtype=jnp.float32) * 0.1
    b1 = jnp.zeros((N_NUM, H), dtype=jnp.float32)
    W2 = jax.random.normal(ks[6], (N_NUM, H, D), dtype=jnp.float32) * 0.1
    b2 = jnp.zeros((N_NUM, D), dtype=jnp.float32)
    mask_emb = jax.random.normal(ks[7], (N_NUM, D), dtype=jnp.float32)
    null_emb = jax.random.normal(ks[8], (N_NUM, D), dtype=jnp.float32)
    cls_token = jax.random.normal(ks[9], (D,), dtype=jnp.float32)
    pos_table = jax.random.normal(ks[10], (SEQ, D), dtype=jnp.float32)
    return {
        "cat_indices": cat_indices,
        "num_values": num_values,
        "mask_flags": mask_flags,
        "null_flags": null_flags,
        "emb_tables": emb_tables,
        "W1": W1,
        "b1": b1,
        "W2": W2,
        "b2": b2,
        "mask_emb": mask_emb,
        "null_emb": null_emb,
        "cls_token": cls_token,
        "pos_table": pos_table,
    }


def reference(cat_indices, num_values, mask_flags, null_flags, emb_tables, W1, b1, W2, b2, mask_emb, null_emb, cls_token, pos_table):
    # 1) Categorical embeddings: one table per column, gathered per row.
    col_ids = jnp.arange(N_CAT)[None, :]
    cat_emb = emb_tables[col_ids, cat_indices]  # [B, N_CAT, D]

    # 2) Numerical columns: per-column MLP(1 -> H -> D) on the raw value,
    #    overridden by special [MASK]/[NULL] embeddings. In the original,
    #    [NULL] is written after [MASK], so NULL takes precedence.
    h = jax.nn.relu(num_values[:, :, None] * W1[None, :, :] + b1[None, :, :])  # [B, N_NUM, H]
    mlp_out = jnp.einsum('bnh,nhd->bnd', h, W2) + b2[None, :, :]  # [B, N_NUM, D]
    num_emb = jnp.where(
        null_flags[:, :, None],
        jnp.broadcast_to(null_emb[None, :, :], mlp_out.shape),
        jnp.where(
            mask_flags[:, :, None],
            jnp.broadcast_to(mask_emb[None, :, :], mlp_out.shape),
            mlp_out,
        ),
    )

    # 3) Concatenate categorical + numerical tokens.
    tokens = jnp.concatenate([cat_emb, num_emb], axis=1)  # [B, N_CAT+N_NUM, D]

    # 4) Prepend [CLS] token.
    bsz = tokens.shape[0]
    cls = jnp.broadcast_to(cls_token[None, None, :], (bsz, 1, D))
    tokens = jnp.concatenate([cls, tokens], axis=1)  # [B, SEQ, D]

    # 5) Add positional embeddings.
    pos_indices = jnp.arange(tokens.shape[1])
    pos_embeds = jnp.take(pos_table, pos_indices, axis=0)[None, :, :]
    return tokens + pos_embeds

if __name__ == "__main__":
    import jax
    _d = setup_inputs()
    print(jax.jit(kernel)(*tuple(_d.values())))

</pallas_src>

<mosaic_0001>
#map = affine_map<(d0, d1) -> (0, 0)>
#map1 = affine_map<(d0, d1) -> (0)>
module attributes {stable_mosaic.version = 14 : i64} {
  func.func @sc_kernel(%arg0: i32, %arg1: i32, %arg2: memref<832x100000xf32, #tpu.memory_space<hbm>>, %arg3: memref<26x16384xi32, #tpu.memory_space<hbm>>, %arg4: memref<448x16384xf32, #tpu.memory_space<hbm>>, %arg5: memref<1280xf32, #tpu.memory_space<hbm>>, %arg6: memref<1280x16384xf32, #tpu.memory_space<hbm>>, %arg7: memref<100000xf32, #tpu.memory_space<vmem>>, %arg8: memref<16384xi32, #tpu.memory_space<vmem>>, %arg9: memref<8192xf32, #tpu.memory_space<vmem>>, %arg10: memref<1280xf32, #tpu.memory_space<vmem>>, %arg11: memref<!tpu.dma_semaphore, #tpu.memory_space<semaphore_mem>>, %arg12: memref<!tpu.dma_semaphore, #tpu.memory_space<semaphore_mem>>) attributes {dimension_semantics = [#tpu.dimension_semantics<core_parallel>, #tpu.dimension_semantics<subcore_parallel>], iteration_bounds = array<i64: 2, 16>, scalar_prefetch = 0 : i64, scratch_operands = 6 : i64, tpu.core_type = #tpu.core_type<sc_vector_subcore>, window_params = [{transform_indices = #map}, {transform_indices = #map}, {transform_indices = #map}, {transform_indices = #map1}, {transform_indices = #map}]} {
    %mul3A = arith.constant 2 : i32
    %mul3A_0 = arith.muli %arg1, %mul3A : i32
    %add3A = arith.addi %mul3A_0, %arg0 : i32
    %mul3A_1 = arith.constant 26 : i32
    %mul3A_2 = arith.muli %add3A, %mul3A_1 : i32
    "tpu.region"() ({
      %run_scoped3A = tpu.sem_alloc : memref<!tpu.dma_semaphore, #tpu.memory_space<semaphore_mem>>
      tpu.enqueue_dma source(%arg5 : memref<1280xf32, #tpu.memory_space<hbm>>) target(%arg10 : memref<1280xf32, #tpu.memory_space<vmem>>) target_semaphore(%run_scoped3A : memref<!tpu.dma_semaphore, #tpu.memory_space<semaphore_mem>>)
      tpu.wait_dma2 semaphore(%run_scoped3A : memref<!tpu.dma_semaphore, #tpu.memory_space<semaphore_mem>>) src(%arg5 : memref<1280xf32, #tpu.memory_space<hbm>>) dst(%arg10 : memref<1280xf32, #tpu.memory_space<vmem>>)
      tpu.yield
    }) : () -> ()
    %scan3A = arith.constant -1 : i32
    %scan3A_3 = arith.constant 0 : i32
    %scan3A_4 = arith.constant 26 : i32
    %scan3A_5 = arith.addi %scan3A_3, %scan3A_4 : i32
    %scan3A_6 = arith.constant 1 : i32
    %scan3A_7 = scf.for %scan3A_9 = %scan3A_3 to %scan3A_5 step %scan3A_6 iter_args(%scan3A_10 = %scan3A) -> (i32)  : i32 {
      %add3A_11 = arith.addi %mul3A_2, %scan3A_9 : i32
      %jit3A = arith.constant 32 : i32
      %div3A = arith.divsi %add3A_11, %jit3A : i32
      %sign3A = arith.constant 0 : i32
      %sign3A_12 = arith.cmpi sgt, %add3A_11, %sign3A : i32
      %sign3A_13 = arith.extui %sign3A_12 : i1 to i32
      %sign3A_14 = arith.constant 0 : i32
      %sign3A_15 = arith.cmpi slt, %add3A_11, %sign3A_14 : i32
      %sign3A_16 = arith.extui %sign3A_15 : i1 to i32
      %sign3A_17 = arith.subi %sign3A_13, %sign3A_16 : i32
      %sign3A_18 = arith.constant 0 : i32
      %sign3A_19 = arith.cmpi sgt, %jit3A, %sign3A_18 : i32
      %sign3A_20 = arith.extui %sign3A_19 : i1 to i32
      %sign3A_21 = arith.constant 0 : i32
      %sign3A_22 = arith.cmpi slt, %jit3A, %sign3A_21 : i32
      %sign3A_23 = arith.extui %sign3A_22 : i1 to i32
      %sign3A_24 = arith.subi %sign3A_20, %sign3A_23 : i32
      %ne3A = arith.cmpi ne, %sign3A_17, %sign3A_24 : i32
      %rem3A = arith.remsi %add3A_11, %jit3A : i32
      %ne3A_25 = arith.constant 0 : i32
      %ne3A_26 = arith.cmpi ne, %rem3A, %ne3A_25 : i32
      %and3A = arith.andi %ne3A, %ne3A_26 : i1
      %sub3A = arith.constant 1 : i32
      %sub3A_27 = arith.subi %div3A, %sub3A : i32
      %select_n3A = arith.select %and3A, %sub3A_27, %div3A : i32
      %dma_start3A = arith.constant 0 : i32
      %dma_start3A_28 = tpu.memref_slice %arg2[%add3A_11, %dma_start3A] : memref<832x100000xf32, #tpu.memory_space<hbm>> -> memref<1x100000xf32, #tpu.memory_space<hbm>>
      %dma_start3A_29 = tpu.memref_squeeze %dma_start3A_28 : memref<1x100000xf32, #tpu.memory_space<hbm>> -> memref<100000xf32, #tpu.memory_space<hbm>>
      %dma_start3A_30 = arith.constant 0 : i32
      %dma_start3A_31 = tpu.memref_slice %arg2[%add3A_11, %dma_start3A_30] : memref<832x100000xf32, #tpu.memory_space<hbm>> -> memref<1x100000xf32, #tpu.memory_space<hbm>>
      %dma_start3A_32 = tpu.memref_squeeze %dma_start3A_31 : memref<1x100000xf32, #tpu.memory_space<hbm>> -> memref<100000xf32, #tpu.memory_space<hbm>>
      tpu.enqueue_dma source(%dma_start3A_32 : memref<100000xf32, #tpu.memory_space<hbm>>) target(%arg7 : memref<100000xf32, #tpu.memory_space<vmem>>) target_semaphore(%arg11 : memref<!tpu.dma_semaphore, #tpu.memory_space<semaphore_mem>>)
      %lt3A = arith.constant 14 : i32
      %lt3A_33 = arith.cmpi slt, %scan3A_9, %lt3A : i32
      %convert_element_type3A = arith.extui %lt3A_33 : i1 to i32
      %cond3A = arith.constant 0 : i32
      %cond3A_34 = arith.cmpi ne, %convert_element_type3A, %cond3A : i32
      scf.if %cond3A_34 {
        %mul3A_270 = arith.constant 14 : i32
        %mul3A_271 = arith.muli %add3A, %mul3A_270 : i32
        %add3A_272 = arith.addi %mul3A_271, %scan3A_9 : i32
        %lt3A_273 = arith.constant 32 : i32
        %lt3A_274 = arith.cmpi slt, %add3A_272, %lt3A_273 : i32
        %add3A_275 = arith.constant 832 : i32
        %add3A_276 = arith.addi %add3A_272, %add3A_275 : i32
        %select_n3A_277 = arith.select %lt3A_274, %add3A_272, %add3A_276 : i32
        "tpu.region"() ({
          %run_scoped3A = tpu.sem_alloc : memref<!tpu.dma_semaphore, #tpu.memory_space<semaphore_mem>>
          %dma_start3A_278 = arith.constant 0 : i32
          %dma_start3A_279 = tpu.memref_slice %arg4[%add3A_272, %dma_start3A_278] : memref<448x16384xf32, #tpu.memory_space<hbm>> -> memref<1x8192xf32, #tpu.memory_space<hbm>>
          %dma_start3A_280 = tpu.memref_squeeze %dma_start3A_279 : memref<1x8192xf32, #tpu.memory_space<hbm>> -> memref<8192xf32, #tpu.memory_space<hbm>>
          %dma_start3A_281 = arith.constant 0 : i32
          %dma_start3A_282 = tpu.memref_slice %arg4[%add3A_272, %dma_start3A_281] : memref<448x16384xf32, #tpu.memory_space<hbm>> -> memref<1x8192xf32, #tpu.memory_space<hbm>>
          %dma_start3A_283 = tpu.memref_squeeze %dma_start3A_282 : memref<1x8192xf32, #tpu.memory_space<hbm>> -> memref<8192xf32, #tpu.memory_space<hbm>>
          tpu.enqueue_dma source(%dma_start3A_283 : memref<8192xf32, #tpu.memory_space<hbm>>) target(%arg9 : memref<8192xf32, #tpu.memory_space<vmem>>) target_semaphore(%run_scoped3A : memref<!tpu.dma_semaphore, #tpu.memory_space<semaphore_mem>>)
          %dma_wait3A_284 = arith.constant 0 : i32
          %dma_wait3A_285 = tpu.memref_slice %arg4[%add3A_272, %dma_wait3A_284] : memref<448x16384xf32, #tpu.memory_space<hbm>> -> memref<1x8192xf32, #tpu.memory_space<hbm>>
          %dma_wait3A_286 = tpu.memref_squeeze %dma_wait3A_285 : memref<1x8192xf32, #tpu.memory_space<hbm>> -> memref<8192xf32, #tpu.memory_space<hbm>>
          %dma_wait3A_287 = arith.constant 0 : i32
          %dma_wait3A_288 = tpu.memref_slice %arg4[%add3A_272, %dma_wait3A_287] : memref<448x16384xf32, #tpu.memory_space<hbm>> -> memref<1x8192xf32, #tpu.memory_space<hbm>>
          %dma_wait3A_289 = tpu.memref_squeeze %dma_wait3A_288 : memref<1x8192xf32, #tpu.memory_space<hbm>> -> memref<8192xf32, #tpu.memory_space<hbm>>
          tpu.wait_dma2 semaphore(%run_scoped3A : memref<!tpu.dma_semaphore, #tpu.memory_space<semaphore_mem>>) src(%dma_wait3A_289 : memref<8192xf32, #tpu.memory_space<hbm>>) dst(%arg9 : memref<8192xf32, #tpu.memory_space<vmem>>)
          tpu.yield
        }) : () -> ()
        "tpu.region"() ({
          %run_scoped3A = tpu.sem_alloc : memref<!tpu.dma_semaphore, #tpu.memory_space<semaphore_mem>>
          %dma_start3A_278 = arith.constant 0 : i32
          %dma_start3A_279 = tpu.memref_slice %arg6[%select_n3A_277, %dma_start3A_278] : memref<1280x16384xf32, #tpu.memory_space<hbm>> -> memref<1x8192xf32, #tpu.memory_space<hbm>>
          %dma_start3A_280 = tpu.memref_squeeze %dma_start3A_279 : memref<1x8192xf32, #tpu.memory_space<hbm>> -> memref<8192xf32, #tpu.memory_space<hbm>>
          %dma_start3A_281 = arith.constant 0 : i32
          %dma_start3A_282 = tpu.memref_slice %arg6[%select_n3A_277, %dma_start3A_281] : memref<1280x16384xf32, #tpu.memory_space<hbm>> -> memref<1x8192xf32, #tpu.memory_space<hbm>>
          %dma_start3A_283 = tpu.memref_squeeze %dma_start3A_282 : memref<1x8192xf32, #tpu.memory_space<hbm>> -> memref<8192xf32, #tpu.memory_space<hbm>>
          tpu.enqueue_dma source(%arg9 : memref<8192xf32, #tpu.memory_space<vmem>>) target(%dma_start3A_283 : memref<8192xf32, #tpu.memory_space<hbm>>) target_semaphore(%run_scoped3A : memref<!tpu.dma_semaphore, #tpu.memory_space<semaphore_mem>>)
          %dma_wait3A_284 = arith.constant 0 : i32
          %dma_wait3A_285 = tpu.memref_slice %arg6[%select_n3A_277, %dma_wait3A_284] : memref<1280x16384xf32, #tpu.memory_space<hbm>> -> memref<1x8192xf32, #tpu.memory_space<hbm>>
          %dma_wait3A_286 = tpu.memref_squeeze %dma_wait3A_285 : memref<1x8192xf32, #tpu.memory_space<hbm>> -> memref<8192xf32, #tpu.memory_space<hbm>>
          %dma_wait3A_287 = arith.constant 0 : i32
          %dma_wait3A_288 = tpu.memref_slice %arg6[%select_n3A_277, %dma_wait3A_287] : memref<1280x16384xf32, #tpu.memory_space<hbm>> -> memref<1x8192xf32, #tpu.memory_space<hbm>>
          %dma_wait3A_289 = tpu.memref_squeeze %dma_wait3A_288 : memref<1x8192xf32, #tpu.memory_space<hbm>> -> memref<8192xf32, #tpu.memory_space<hbm>>
          tpu.wait_dma2 semaphore(%run_scoped3A : memref<!tpu.dma_semaphore, #tpu.memory_space<semaphore_mem>>) src(%arg9 : memref<8192xf32, #tpu.memory_space<vmem>>) dst(%dma_wait3A_289 : memref<8192xf32, #tpu.memory_space<hbm>>)
          tpu.yield
        }) : () -> ()
        "tpu.region"() ({
          %run_scoped3A = tpu.sem_alloc : memref<!tpu.dma_semaphore, #tpu.memory_space<semaphore_mem>>
          %dma_start3A_278 = arith.constant 8192 : i32
          %dma_start3A_279 = tpu.memref_slice %arg4[%add3A_272, %dma_start3A_278] : memref<448x16384xf32, #tpu.memory_space<hbm>> -> memref<1x8192xf32, #tpu.memory_space<hbm>>
          %dma_start3A_280 = tpu.memref_squeeze %dma_start3A_279 : memref<1x8192xf32, #tpu.memory_space<hbm>> -> memref<8192xf32, #tpu.memory_space<hbm>>
          %dma_start3A_281 = arith.constant 8192 : i32
          %dma_start3A_282 = tpu.memref_slice %arg4[%add3A_272, %dma_start3A_281] : memref<448x16384xf32, #tpu.memory_space<hbm>> -> memref<1x8192xf32, #tpu.memory_space<hbm>>
          %dma_start3A_283 = tpu.memref_squeeze %dma_start3A_282 : memref<1x8192xf32, #tpu.memory_space<hbm>> -> memref<8192xf32, #tpu.memory_space<hbm>>
          tpu.enqueue_dma source(%dma_start3A_283 : memref<8192xf32, #tpu.memory_space<hbm>>) target(%arg9 : memref<8192xf32, #tpu.memory_space<vmem>>) target_semaphore(%run_scoped3A : memref<!tpu.dma_semaphore, #tpu.memory_space<semaphore_mem>>)
          %dma_wait3A_284 = arith.constant 8192 : i32
          %dma_wait3A_285 = tpu.memref_slice %arg4[%add3A_272, %dma_wait3A_284] : memref<448x16384xf32, #tpu.memory_space<hbm>> -> memref<1x8192xf32, #tpu.memory_space<hbm>>
          %dma_wait3A_286 = tpu.memref_squeeze %dma_wait3A_285 : memref<1x8192xf32, #tpu.memory_space<hbm>> -> memref<8192xf32, #tpu.memory_space<hbm>>
          %dma_wait3A_287 = arith.constant 8192 : i32
          %dma_wait3A_288 = tpu.memref_slice %arg4[%add3A_272, %dma_wait3A_287] : memref<448x16384xf32, #tpu.memory_space<hbm>> -> memref<1x8192xf32, #tpu.memory_space<hbm>>
          %dma_wait3A_289 = tpu.memref_squeeze %dma_wait3A_288 : memref<1x8192xf32, #tpu.memory_space<hbm>> -> memref<8192xf32, #tpu.memory_space<hbm>>
          tpu.wait_dma2 semaphore(%run_scoped3A : memref<!tpu.dma_semaphore, #tpu.memory_space<semaphore_mem>>) src(%dma_wait3A_289 : memref<8192xf32, #tpu.memory_space<hbm>>) dst(%arg9 : memref<8192xf32, #tpu.memory_space<vmem>>)
          tpu.yield
        }) : () -> ()
        "tpu.region"() ({
          %run_scoped3A = tpu.sem_alloc : memref<!tpu.dma_semaphore, #tpu.memory_space<semaphore_mem>>
          %dma_start3A_278 = arith.constant 8192 : i32
          %dma_start3A_279 = tpu.memref_slice %arg6[%select_n3A_277, %dma_start3A_278] : memref<1280x16384xf32, #tpu.memory_space<hbm>> -> memref<1x8192xf32, #tpu.memory_space<hbm>>
          %dma_start3A_280 = tpu.memref_squeeze %dma_start3A_279 : memref<1x8192xf32, #tpu.memory_space<hbm>> -> memref<8192xf32, #tpu.memory_space<hbm>>
          %dma_start3A_281 = arith.constant 8192 : i32
          %dma_start3A_282 = tpu.memref_slice %arg6[%select_n3A_277, %dma_start3A_281] : memref<1280x16384xf32, #tpu.memory_space<hbm>> -> memref<1x8192xf32, #tpu.memory_space<hbm>>
          %dma_start3A_283 = tpu.memref_squeeze %dma_start3A_282 : memref<1x8192xf32, #tpu.memory_space<hbm>> -> memref<8192xf32, #tpu.memory_space<hbm>>
          tpu.enqueue_dma source(%arg9 : memref<8192xf32, #tpu.memory_space<vmem>>) target(%dma_start3A_283 : memref<8192xf32, #tpu.memory_space<hbm>>) target_semaphore(%run_scoped3A : memref<!tpu.dma_semaphore, #tpu.memory_space<semaphore_mem>>)
          %dma_wait3A_284 = arith.constant 8192 : i32
          %dma_wait3A_285 = tpu.memref_slice %arg6[%select_n3A_277, %dma_wait3A_284] : memref<1280x16384xf32, #tpu.memory_space<hbm>> -> memref<1x8192xf32, #tpu.memory_space<hbm>>
          %dma_wait3A_286 = tpu.memref_squeeze %dma_wait3A_285 : memref<1x8192xf32, #tpu.memory_space<hbm>> -> memref<8192xf32, #tpu.memory_space<hbm>>
          %dma_wait3A_287 = arith.constant 8192 : i32
          %dma_wait3A_288 = tpu.memref_slice %arg6[%select_n3A_277, %dma_wait3A_287] : memref<1280x16384xf32, #tpu.memory_space<hbm>> -> memref<1x8192xf32, #tpu.memory_space<hbm>>
          %dma_wait3A_289 = tpu.memref_squeeze %dma_wait3A_288 : memref<1x8192xf32, #tpu.memory_space<hbm>> -> memref<8192xf32, #tpu.memory_space<hbm>>
          tpu.wait_dma2 semaphore(%run_scoped3A : memref<!tpu.dma_semaphore, #tpu.memory_space<semaphore_mem>>) src(%arg9 : memref<8192xf32, #tpu.memory_space<vmem>>) dst(%dma_wait3A_289 : memref<8192xf32, #tpu.memory_space<hbm>>)
          tpu.yield
        }) : () -> ()
      } else {
      }
      %ne3A_35 = arith.cmpi ne, %select_n3A, %scan3A_10 : i32
      %convert_element_type3A_36 = arith.extui %ne3A_35 : i1 to i32
      %cond3A_37 = arith.constant 0 : i32
      %cond3A_38 = arith.cmpi ne, %convert_element_type3A_36, %cond3A_37 : i32
      scf.if %cond3A_38 {
        "tpu.region"() ({
          %run_scoped3A = tpu.sem_alloc : memref<!tpu.dma_semaphore, #tpu.memory_space<semaphore_mem>>
          %dma_start3A_270 = arith.constant 0 : i32
          %dma_start3A_271 = tpu.memref_slice %arg3[%select_n3A, %dma_start3A_270] : memref<26x16384xi32, #tpu.memory_space<hbm>> -> memref<1x16384xi32, #tpu.memory_space<hbm>>
          %dma_start3A_272 = tpu.memref_squeeze %dma_start3A_271 : memref<1x16384xi32, #tpu.memory_space<hbm>> -> memref<16384xi32, #tpu.memory_space<hbm>>
          %dma_start3A_273 = arith.constant 0 : i32
          %dma_start3A_274 = tpu.memref_slice %arg3[%select_n3A, %dma_start3A_273] : memref<26x16384xi32, #tpu.memory_space<hbm>> -> memref<1x16384xi32, #tpu.memory_space<hbm>>
          %dma_start3A_275 = tpu.memref_squeeze %dma_start3A_274 : memref<1x16384xi32, #tpu.memory_space<hbm>> -> memref<16384xi32, #tpu.memory_space<hbm>>
          tpu.enqueue_dma source(%dma_start3A_275 : memref<16384xi32, #tpu.memory_space<hbm>>) target(%arg8 : memref<16384xi32, #tpu.memory_space<vmem>>) target_semaphore(%run_scoped3A : memref<!tpu.dma_semaphore, #tpu.memory_space<semaphore_mem>>)
          %dma_wait3A_276 = arith.constant 0 : i32
          %dma_wait3A_277 = tpu.memref_slice %arg3[%select_n3A, %dma_wait3A_276] : memref<26x16384xi32, #tpu.memory_space<hbm>> -> memref<1x16384xi32, #tpu.memory_space<hbm>>
          %dma_wait3A_278 = tpu.memref_squeeze %dma_wait3A_277 : memref<1x16384xi32, #tpu.memory_space<hbm>> -> memref<16384xi32, #tpu.memory_space<hbm>>
          %dma_wait3A_279 = arith.constant 0 : i32
          %dma_wait3A_280 = tpu.memref_slice %arg3[%select_n3A, %dma_wait3A_279] : memref<26x16384xi32, #tpu.memory_space<hbm>> -> memref<1x16384xi32, #tpu.memory_space<hbm>>
          %dma_wait3A_281 = tpu.memref_squeeze %dma_wait3A_280 : memref<1x16384xi32, #tpu.memory_space<hbm>> -> memref<16384xi32, #tpu.memory_space<hbm>>
          tpu.wait_dma2 semaphore(%run_scoped3A : memref<!tpu.dma_semaphore, #tpu.memory_space<semaphore_mem>>) src(%dma_wait3A_281 : memref<16384xi32, #tpu.memory_space<hbm>>) dst(%arg8 : memref<16384xi32, #tpu.memory_space<vmem>>)
          tpu.yield
        }) : () -> ()
      } else {
      }
      %dma_wait3A = arith.constant 0 : i32
      %dma_wait3A_39 = tpu.memref_slice %arg2[%add3A_11, %dma_wait3A] : memref<832x100000xf32, #tpu.memory_space<hbm>> -> memref<1x100000xf32, #tpu.memory_space<hbm>>
      %dma_wait3A_40 = tpu.memref_squeeze %dma_wait3A_39 : memref<1x100000xf32, #tpu.memory_space<hbm>> -> memref<100000xf32, #tpu.memory_space<hbm>>
      %dma_wait3A_41 = arith.constant 0 : i32
      %dma_wait3A_42 = tpu.memref_slice %arg2[%add3A_11, %dma_wait3A_41] : memref<832x100000xf32, #tpu.memory_space<hbm>> -> memref<1x100000xf32, #tpu.memory_space<hbm>>
      %dma_wait3A_43 = tpu.memref_squeeze %dma_wait3A_42 : memref<1x100000xf32, #tpu.memory_space<hbm>> -> memref<100000xf32, #tpu.memory_space<hbm>>
      tpu.wait_dma2 semaphore(%arg11 : memref<!tpu.dma_semaphore, #tpu.memory_space<semaphore_mem>>) src(%dma_wait3A_43 : memref<100000xf32, #tpu.memory_space<hbm>>) dst(%arg7 : memref<100000xf32, #tpu.memory_space<vmem>>)
      %add3A_44 = arith.constant 32 : i32
      %add3A_45 = arith.addi %add3A_44, %add3A_11 : i32
      %broadcast_in_dim3A = vector.broadcast %add3A_45 : i32 to vector<16xi32>
      %gather3A = tpu.vector_load_idx %arg10[%broadcast_in_dim3A] : memref<1280xf32, #tpu.memory_space<vmem>>[vector<16xi32>], vector<16xf32>,
      %scan3A_46 = arith.constant 0 : i32
      %scan3A_47 = arith.constant 0 : i32
      %scan3A_48 = arith.constant 16 : i32
      %scan3A_49 = arith.addi %scan3A_47, %scan3A_48 : i32
      %scan3A_50 = arith.constant 1 : i32
      scf.for %scan3A_270 = %scan3A_47 to %scan3A_49 step %scan3A_50  : i32 {
        %mul3A_271 = arith.constant 128 : i32
        %mul3A_272 = arith.muli %scan3A_270, %mul3A_271 : i32
        %add3A_273 = arith.constant 0 : i32
        %add3A_274 = arith.addi %mul3A_272, %add3A_273 : i32
        %add3A_275 = arith.constant 0 : i32
        %add3A_276 = arith.addi %add3A_275, %add3A_274 : i32
        %get3A = arith.index_cast %add3A_276 : i32 to index
        %get3A_277 = tpu.vector_load %arg8[%get3A] {strides = array<i32>} : memref<16384xi32, #tpu.memory_space<vmem>>, vector<16xi32>,
        %mul3A_278 = arith.constant 128 : i32
        %mul3A_279 = arith.muli %scan3A_270, %mul3A_278 : i32
        %add3A_280 = arith.constant 16 : i32
        %add3A_281 = arith.addi %mul3A_279, %add3A_280 : i32
        %add3A_282 = arith.constant 0 : i32
        %add3A_283 = arith.addi %add3A_282, %add3A_281 : i32
        %get3A_284 = arith.index_cast %add3A_283 : i32 to index
        %get3A_285 = tpu.vector_load %arg8[%get3A_284] {strides = array<i32>} : memref<16384xi32, #tpu.memory_space<vmem>>, vector<16xi32>,
        %mul3A_286 = arith.constant 128 : i32
        %mul3A_287 = arith.muli %scan3A_270, %mul3A_286 : i32
        %add3A_288 = arith.constant 32 : i32
        %add3A_289 = arith.addi %mul3A_287, %add3A_288 : i32
        %add3A_290 = arith.constant 0 : i32
        %add3A_291 = arith.addi %add3A_290, %add3A_289 : i32
        %get3A_292 = arith.index_cast %add3A_291 : i32 to index
        %get3A_293 = tpu.vector_load %arg8[%get3A_292] {strides = array<i32>} : memref<16384xi32, #tpu.memory_space<vmem>>, vector<16xi32>,
        %mul3A_294 = arith.constant 128 : i32
        %mul3A_295 = arith.muli %scan3A_270, %mul3A_294 : i32
        %add3A_296 = arith.constant 48 : i32
        %add3A_297 = arith.addi %mul3A_295, %add3A_296 : i32
        %add3A_298 = arith.constant 0 : i32
        %add3A_299 = arith.addi %add3A_298, %add3A_297 : i32
        %get3A_300 = arith.index_cast %add3A_299 : i32 to index
        %get3A_301 = tpu.vector_load %arg8[%get3A_300] {strides = array<i32>} : memref<16384xi32, #tpu.memory_space<vmem>>, vector<16xi32>,
        %mul3A_302 = arith.constant 128 : i32
        %mul3A_303 = arith.muli %scan3A_270, %mul3A_302 : i32
        %add3A_304 = arith.constant 64 : i32
        %add3A_305 = arith.addi %mul3A_303, %add3A_304 : i32
        %add3A_306 = arith.constant 0 : i32
        %add3A_307 = arith.addi %add3A_306, %add3A_305 : i32
        %get3A_308 = arith.index_cast %add3A_307 : i32 to index
        %get3A_309 = tpu.vector_load %arg8[%get3A_308] {strides = array<i32>} : memref<16384xi32, #tpu.memory_space<vmem>>, vector<16xi32>,
        %mul3A_310 = arith.constant 128 : i32
        %mul3A_311 = arith.muli %scan3A_270, %mul3A_310 : i32
        %add3A_312 = arith.constant 80 : i32
        %add3A_313 = arith.addi %mul3A_311, %add3A_312 : i32
        %add3A_314 = arith.constant 0 : i32
        %add3A_315 = arith.addi %add3A_314, %add3A_313 : i32
        %get3A_316 = arith.index_cast %add3A_315 : i32 to index
        %get3A_317 = tpu.vector_load %arg8[%get3A_316] {strides = array<i32>} : memref<16384xi32, #tpu.memory_space<vmem>>, vector<16xi32>,
        %mul3A_318 = arith.constant 128 : i32
        %mul3A_319 = arith.muli %scan3A_270, %mul3A_318 : i32
        %add3A_320 = arith.constant 96 : i32
        %add3A_321 = arith.addi %mul3A_319, %add3A_320 : i32
        %add3A_322 = arith.constant 0 : i32
        %add3A_323 = arith.addi %add3A_322, %add3A_321 : i32
        %get3A_324 = arith.index_cast %add3A_323 : i32 to index
        %get3A_325 = tpu.vector_load %arg8[%get3A_324] {strides = array<i32>} : memref<16384xi32, #tpu.memory_space<vmem>>, vector<16xi32>,
        %mul3A_326 = arith.constant 128 : i32
        %mul3A_327 = arith.muli %scan3A_270, %mul3A_326 : i32
        %add3A_328 = arith.constant 112 : i32
        %add3A_329 = arith.addi %mul3A_327, %add3A_328 : i32
        %add3A_330 = arith.constant 0 : i32
        %add3A_331 = arith.addi %add3A_330, %add3A_329 : i32
        %get3A_332 = arith.index_cast %add3A_331 : i32 to index
        %get3A_333 = tpu.vector_load %arg8[%get3A_332] {strides = array<i32>} : memref<16384xi32, #tpu.memory_space<vmem>>, vector<16xi32>,
        %gather3A_334 = tpu.vector_load_idx %arg7[%get3A_277] : memref<100000xf32, #tpu.memory_space<vmem>>[vector<16xi32>], vector<16xf32>,
        %gather3A_335 = tpu.vector_load_idx %arg7[%get3A_285] : memref<100000xf32, #tpu.memory_space<vmem>>[vector<16xi32>], vector<16xf32>,
        %gather3A_336 = tpu.vector_load_idx %arg7[%get3A_293] : memref<100000xf32, #tpu.memory_space<vmem>>[vector<16xi32>], vector<16xf32>,
        %gather3A_337 = tpu.vector_load_idx %arg7[%get3A_301] : memref<100000xf32, #tpu.memory_space<vmem>>[vector<16xi32>], vector<16xf32>,
        %gather3A_338 = tpu.vector_load_idx %arg7[%get3A_309] : memref<100000xf32, #tpu.memory_space<vmem>>[vector<16xi32>], vector<16xf32>,
        %gather3A_339 = tpu.vector_load_idx %arg7[%get3A_317] : memref<100000xf32, #tpu.memory_space<vmem>>[vector<16xi32>], vector<16xf32>,
        %gather3A_340 = tpu.vector_load_idx %arg7[%get3A_325] : memref<100000xf32, #tpu.memory_space<vmem>>[vector<16xi32>], vector<16xf32>,
        %gather3A_341 = tpu.vector_load_idx %arg7[%get3A_333] : memref<100000xf32, #tpu.memory_space<vmem>>[vector<16xi32>], vector<16xf32>,
        %mul3A_342 = arith.constant 128 : i32
        %mul3A_343 = arith.muli %scan3A_270, %mul3A_342 : i32
        %add3A_344 = arith.constant 0 : i32
        %add3A_345 = arith.addi %mul3A_343, %add3A_344 : i32
        %add3A_346 = arith.addf %gather3A_334, %gather3A : vector<16xf32>
        %add3A_347 = arith.constant 0 : i32
        %add3A_348 = arith.addi %add3A_347, %add3A_345 : i32
        %swap3A = arith.index_cast %add3A_348 : i32 to index
        %swap3A_349 = tpu.vector_load %arg9[%swap3A] {strides = array<i32>} : memref<8192xf32, #tpu.memory_space<vmem>>, vector<16xf32>,
        tpu.vector_store %arg9[%swap3A], %add3A_346 {strides = array<i32>} : memref<8192xf32, #tpu.memory_space<vmem>>, vector<16xf32>,
        %mul3A_350 = arith.constant 128 : i32
        %mul3A_351 = arith.muli %scan3A_270, %mul3A_350 : i32
        %add3A_352 = arith.constant 16 : i32
        %add3A_353 = arith.addi %mul3A_351, %add3A_352 : i32
        %add3A_354 = arith.addf %gather3A_335, %gather3A : vector<16xf32>
        %add3A_355 = arith.constant 0 : i32
        %add3A_356 = arith.addi %add3A_355, %add3A_353 : i32
        %swap3A_357 = arith.index_cast %add3A_356 : i32 to index
        %swap3A_358 = tpu.vector_load %arg9[%swap3A_357] {strides = array<i32>} : memref<8192xf32, #tpu.memory_space<vmem>>, vector<16xf32>,
        tpu.vector_store %arg9[%swap3A_357], %add3A_354 {strides = array<i32>} : memref<8192xf32, #tpu.memory_space<vmem>>, vector<16xf32>,
        %mul3A_359 = arith.constant 128 : i32
        %mul3A_360 = arith.muli %scan3A_270, %mul3A_359 : i32
        %add3A_361 = arith.constant 32 : i32
        %add3A_362 = arith.addi %mul3A_360, %add3A_361 : i32
        %add3A_363 = arith.addf %gather3A_336, %gather3A : vector<16xf32>
        %add3A_364 = arith.constant 0 : i32
        %add3A_365 = arith.addi %add3A_364, %add3A_362 : i32
        %swap3A_366 = arith.index_cast %add3A_365 : i32 to index
        %swap3A_367 = tpu.vector_load %arg9[%swap3A_366] {strides = array<i32>} : memref<8192xf32, #tpu.memory_space<vmem>>, vector<16xf32>,
        tpu.vector_store %arg9[%swap3A_366], %add3A_363 {strides = array<i32>} : memref<8192xf32, #tpu.memory_space<vmem>>, vector<16xf32>,
        %mul3A_368 = arith.constant 128 : i32
        %mul3A_369 = arith.muli %scan3A_270, %mul3A_368 : i32
        %add3A_370 = arith.constant 48 : i32
        %add3A_371 = arith.addi %mul3A_369, %add3A_370 : i32
        %add3A_372 = arith.addf %gather3A_337, %gather3A : vector<16xf32>
        %add3A_373 = arith.constant 0 : i32
        %add3A_374 = arith.addi %add3A_373, %add3A_371 : i32
        %swap3A_375 = arith.index_cast %add3A_374 : i32 to index
        %swap3A_376 = tpu.vector_load %arg9[%swap3A_375] {strides = array<i32>} : memref<8192xf32, #tpu.memory_space<vmem>>, vector<16xf32>,
        tpu.vector_store %arg9[%swap3A_375], %add3A_372 {strides = array<i32>} : memref<8192xf32, #tpu.memory_space<vmem>>, vector<16xf32>,
        %mul3A_377 = arith.constant 128 : i32
        %mul3A_378 = arith.muli %scan3A_270, %mul3A_377 : i32
        %add3A_379 = arith.constant 64 : i32
        %add3A_380 = arith.addi %mul3A_378, %add3A_379 : i32
        %add3A_381 = arith.addf %gather3A_338, %gather3A : vector<16xf32>
        %add3A_382 = arith.constant 0 : i32
        %add3A_383 = arith.addi %add3A_382, %add3A_380 : i32
        %swap3A_384 = arith.index_cast %add3A_383 : i32 to index
        %swap3A_385 = tpu.vector_load %arg9[%swap3A_384] {strides = array<i32>} : memref<8192xf32, #tpu.memory_space<vmem>>, vector<16xf32>,
        tpu.vector_store %arg9[%swap3A_384], %add3A_381 {strides = array<i32>} : memref<8192xf32, #tpu.memory_space<vmem>>, vector<16xf32>,
        %mul3A_386 = arith.constant 128 : i32
        %mul3A_387 = arith.muli %scan3A_270, %mul3A_386 : i32
        %add3A_388 = arith.constant 80 : i32
        %add3A_389 = arith.addi %mul3A_387, %add3A_388 : i32
        %add3A_390 = arith.addf %gather3A_339, %gather3A : vector<16xf32>
        %add3A_391 = arith.constant 0 : i32
        %add3A_392 = arith.addi %add3A_391, %add3A_389 : i32
        %swap3A_393 = arith.index_cast %add3A_392 : i32 to index
        %swap3A_394 = tpu.vector_load %arg9[%swap3A_393] {strides = array<i32>} : memref<8192xf32, #tpu.memory_space<vmem>>, vector<16xf32>,
        tpu.vector_store %arg9[%swap3A_393], %add3A_390 {strides = array<i32>} : memref<8192xf32, #tpu.memory_space<vmem>>, vector<16xf32>,
        %mul3A_395 = arith.constant 128 : i32
        %mul3A_396 = arith.muli %scan3A_270, %mul3A_395 : i32
        %add3A_397 = arith.constant 96 : i32
        %add3A_398 = arith.addi %mul3A_396, %add3A_397 : i32
        %add3A_399 = arith.addf %gather3A_340, %gather3A : vector<16xf32>
        %add3A_400 = arith.constant 0 : i32
        %add3A_401 = arith.addi %add3A_400, %add3A_398 : i32
        %swap3A_402 = arith.index_cast %add3A_401 : i32 to index
        %swap3A_403 = tpu.vector_load %arg9[%swap3A_402] {strides = array<i32>} : memref<8192xf32, #tpu.memory_space<vmem>>, vector<16xf32>,
        tpu.vector_store %arg9[%swap3A_402], %add3A_399 {strides = array<i32>} : memref<8192xf32, #tpu.memory_space<vmem>>, vector<16xf32>,
        %mul3A_404 = arith.constant 128 : i32
        %mul3A_405 = arith.muli %scan3A_270, %mul3A_404 : i32
        %add3A_406 = arith.constant 112 : i32
        %add3A_407 = arith.addi %mul3A_405, %add3A_406 : i32
        %add3A_408 = arith.addf %gather3A_341, %gather3A : vector<16xf32>
        %add3A_409 = arith.constant 0 : i32
        %add3A_410 = arith.addi %add3A_409, %add3A_407 : i32
        %swap3A_411 = arith.index_cast %add3A_410 : i32 to index
        %swap3A_412 = tpu.vector_load %arg9[%swap3A_411] {strides = array<i32>} : memref<8192xf32, #tpu.memory_space<vmem>>, vector<16xf32>,
        tpu.vector_store %arg9[%swap3A_411], %add3A_408 {strides = array<i32>} : memref<8192xf32, #tpu.memory_space<vmem>>, vector<16xf32>,
      }
      %scan3A_51 = arith.constant 16 : i32
      %add3A_52 = arith.constant 32 : i32
      %add3A_53 = arith.addi %add3A_52, %add3A_11 : i32
      %dma_start3A_54 = arith.constant 0 : i32
      %dma_start3A_55 = tpu.memref_slice %arg9[%dma_start3A_54] : memref<8192xf32, #tpu.memory_space<vmem>> -> memref<2048xf32, #tpu.memory_space<vmem>>
      %dma_start3A_56 = arith.constant 0 : i32
      %dma_start3A_57 = tpu.memref_slice %arg6[%add3A_53, %dma_start3A_56] : memref<1280x16384xf32, #tpu.memory_space<hbm>> -> memref<1x2048xf32, #tpu.memory_space<hbm>>
      %dma_start3A_58 = tpu.memref_squeeze %dma_start3A_57 : memref<1x2048xf32, #tpu.memory_space<hbm>> -> memref<2048xf32, #tpu.memory_space<hbm>>
      %dma_start3A_59 = arith.constant 0 : i32
      %dma_start3A_60 = tpu.memref_slice %arg6[%add3A_53, %dma_start3A_59] : memref<1280x16384xf32, #tpu.memory_space<hbm>> -> memref<1x2048xf32, #tpu.memory_space<hbm>>
      %dma_start3A_61 = tpu.memref_squeeze %dma_start3A_60 : memref<1x2048xf32, #tpu.memory_space<hbm>> -> memref<2048xf32, #tpu.memory_space<hbm>>
      %dma_start3A_62 = arith.constant 0 : i32
      %dma_start3A_63 = tpu.memref_slice %arg9[%dma_start3A_62] : memref<8192xf32, #tpu.memory_space<vmem>> -> memref<2048xf32, #tpu.memory_space<vmem>>
      tpu.enqueue_dma source(%dma_start3A_63 : memref<2048xf32, #tpu.memory_space<vmem>>) target(%dma_start3A_61 : memref<2048xf32, #tpu.memory_space<hbm>>) target_semaphore(%arg12 : memref<!tpu.dma_semaphore, #tpu.memory_space<semaphore_mem>>)
      %scan3A_64 = arith.constant 0 : i32
      %scan3A_65 = arith.constant 0 : i32
      %scan3A_66 = arith.constant 16 : i32
      %scan3A_67 = arith.addi %scan3A_65, %scan3A_66 : i32
      %scan3A_68 = arith.constant 1 : i32
      scf.for %scan3A_270 = %scan3A_65 to %scan3A_67 step %scan3A_68  : i32 {
        %mul3A_271 = arith.constant 128 : i32
        %mul3A_272 = arith.muli %scan3A_270, %mul3A_271 : i32
        %add3A_273 = arith.constant 0 : i32
        %add3A_274 = arith.addi %mul3A_272, %add3A_273 : i32
        %add3A_275 = arith.constant 2048 : i32
        %add3A_276 = arith.addi %add3A_275, %add3A_274 : i32
        %get3A = arith.index_cast %add3A_276 : i32 to index
        %get3A_277 = tpu.vector_load %arg8[%get3A] {strides = array<i32>} : memref<16384xi32, #tpu.memory_space<vmem>>, vector<16xi32>,
        %mul3A_278 = arith.constant 128 : i32
        %mul3A_279 = arith.muli %scan3A_270, %mul3A_278 : i32
        %add3A_280 = arith.constant 16 : i32
        %add3A_281 = arith.addi %mul3A_279, %add3A_280 : i32
        %add3A_282 = arith.constant 2048 : i32
        %add3A_283 = arith.addi %add3A_282, %add3A_281 : i32
        %get3A_284 = arith.index_cast %add3A_283 : i32 to index
        %get3A_285 = tpu.vector_load %arg8[%get3A_284] {strides = array<i32>} : memref<16384xi32, #tpu.memory_space<vmem>>, vector<16xi32>,
        %mul3A_286 = arith.constant 128 : i32
        %mul3A_287 = arith.muli %scan3A_270, %mul3A_286 : i32
        %add3A_288 = arith.constant 32 : i32
        %add3A_289 = arith.addi %mul3A_287, %add3A_288 : i32
        %add3A_290 = arith.constant 2048 : i32
        %add3A_291 = arith.addi %add3A_290, %add3A_289 : i32
        %get3A_292 = arith.index_cast %add3A_291 : i32 to index
        %get3A_293 = tpu.vector_load %arg8[%get3A_292] {strides = array<i32>} : memref<16384xi32, #tpu.memory_space<vmem>>, vector<16xi32>,
        %mul3A_294 = arith.constant 128 : i32
        %mul3A_295 = arith.muli %scan3A_270, %mul3A_294 : i32
        %add3A_296 = arith.constant 48 : i32
        %add3A_297 = arith.addi %mul3A_295, %add3A_296 : i32
        %add3A_298 = arith.constant 2048 : i32
        %add3A_299 = arith.addi %add3A_298, %add3A_297 : i32
        %get3A_300 = arith.index_cast %add3A_299 : i32 to index
        %get3A_301 = tpu.vector_load %arg8[%get3A_300] {strides = array<i32>} : memref<16384xi32, #tpu.memory_space<vmem>>, vector<16xi32>,
        %mul3A_302 = arith.constant 128 : i32
        %mul3A_303 = arith.muli %scan3A_270, %mul3A_302 : i32
        %add3A_304 = arith.constant 64 : i32
        %add3A_305 = arith.addi %mul3A_303, %add3A_304 : i32
        %add3A_306 = arith.constant 2048 : i32
        %add3A_307 = arith.addi %add3A_306, %add3A_305 : i32
        %get3A_308 = arith.index_cast %add3A_307 : i32 to index
        %get3A_309 = tpu.vector_load %arg8[%get3A_308] {strides = array<i32>} : memref<16384xi32, #tpu.memory_space<vmem>>, vector<16xi32>,
        %mul3A_310 = arith.constant 128 : i32
        %mul3A_311 = arith.muli %scan3A_270, %mul3A_310 : i32
        %add3A_312 = arith.constant 80 : i32
        %add3A_313 = arith.addi %mul3A_311, %add3A_312 : i32
        %add3A_314 = arith.constant 2048 : i32
        %add3A_315 = arith.addi %add3A_314, %add3A_313 : i32
        %get3A_316 = arith.index_cast %add3A_315 : i32 to index
        %get3A_317 = tpu.vector_load %arg8[%get3A_316] {strides = array<i32>} : memref<16384xi32, #tpu.memory_space<vmem>>, vector<16xi32>,
        %mul3A_318 = arith.constant 128 : i32
        %mul3A_319 = arith.muli %scan3A_270, %mul3A_318 : i32
        %add3A_320 = arith.constant 96 : i32
        %add3A_321 = arith.addi %mul3A_319, %add3A_320 : i32
        %add3A_322 = arith.constant 2048 : i32
        %add3A_323 = arith.addi %add3A_322, %add3A_321 : i32
        %get3A_324 = arith.index_cast %add3A_323 : i32 to index
        %get3A_325 = tpu.vector_load %arg8[%get3A_324] {strides = array<i32>} : memref<16384xi32, #tpu.memory_space<vmem>>, vector<16xi32>,
        %mul3A_326 = arith.constant 128 : i32
        %mul3A_327 = arith.muli %scan3A_270, %mul3A_326 : i32
        %add3A_328 = arith.constant 112 : i32
        %add3A_329 = arith.addi %mul3A_327, %add3A_328 : i32
        %add3A_330 = arith.constant 2048 : i32
        %add3A_331 = arith.addi %add3A_330, %add3A_329 : i32
        %get3A_332 = arith.index_cast %add3A_331 : i32 to index
        %get3A_333 = tpu.vector_load %arg8[%get3A_332] {strides = array<i32>} : memref<16384xi32, #tpu.memory_space<vmem>>, vector<16xi32>,
        %gather3A_334 = tpu.vector_load_idx %arg7[%get3A_277] : memref<100000xf32, #tpu.memory_space<vmem>>[vector<16xi32>], vector<16xf32>,
        %gather3A_335 = tpu.vector_load_idx %arg7[%get3A_285] : memref<100000xf32, #tpu.memory_space<vmem>>[vector<16xi32>], vector<16xf32>,
        %gather3A_336 = tpu.vector_load_idx %arg7[%get3A_293] : memref<100000xf32, #tpu.memory_space<vmem>>[vector<16xi32>], vector<16xf32>,
        %gather3A_337 = tpu.vector_load_idx %arg7[%get3A_301] : memref<100000xf32, #tpu.memory_space<vmem>>[vector<16xi32>], vector<16xf32>,
        %gather3A_338 = tpu.vector_load_idx %arg7[%get3A_309] : memref<100000xf32, #tpu.memory_space<vmem>>[vector<16xi32>], vector<16xf32>,
        %gather3A_339 = tpu.vector_load_idx %arg7[%get3A_317] : memref<100000xf32, #tpu.memory_space<vmem>>[vector<16xi32>], vector<16xf32>,
        %gather3A_340 = tpu.vector_load_idx %arg7[%get3A_325] : memref<100000xf32, #tpu.memory_space<vmem>>[vector<16xi32>], vector<16xf32>,
        %gather3A_341 = tpu.vector_load_idx %arg7[%get3A_333] : memref<100000xf32, #tpu.memory_space<vmem>>[vector<16xi32>], vector<16xf32>,
        %mul3A_342 = arith.constant 128 : i32
        %mul3A_343 = arith.muli %scan3A_270, %mul3A_342 : i32
        %add3A_344 = arith.constant 0 : i32
        %add3A_345 = arith.addi %mul3A_343, %add3A_344 : i32
        %add3A_346 = arith.addf %gather3A_334, %gather3A : vector<16xf32>
        %add3A_347 = arith.constant 2048 : i32
        %add3A_348 = arith.addi %add3A_347, %add3A_345 : i32
        %swap3A = arith.index_cast %add3A_348 : i32 to index
        %swap3A_349 = tpu.vector_load %arg9[%swap3A] {strides = array<i32>} : memref<8192xf32, #tpu.memory_space<vmem>>, vector<16xf32>,
        tpu.vector_store %arg9[%swap3A], %add3A_346 {strides = array<i32>} : memref<8192xf32, #tpu.memory_space<vmem>>, vector<16xf32>,
        %mul3A_350 = arith.constant 128 : i32
        %mul3A_351 = arith.muli %scan3A_270, %mul3A_350 : i32
        %add3A_352 = arith.constant 16 : i32
        %add3A_353 = arith.addi %mul3A_351, %add3A_352 : i32
        %add3A_354 = arith.addf %gather3A_335, %gather3A : vector<16xf32>
        %add3A_355 = arith.constant 2048 : i32
        %add3A_356 = arith.addi %add3A_355, %add3A_353 : i32
        %swap3A_357 = arith.index_cast %add3A_356 : i32 to index
        %swap3A_358 = tpu.vector_load %arg9[%swap3A_357] {strides = array<i32>} : memref<8192xf32, #tpu.memory_space<vmem>>, vector<16xf32>,
        tpu.vector_store %arg9[%swap3A_357], %add3A_354 {strides = array<i32>} : memref<8192xf32, #tpu.memory_space<vmem>>, vector<16xf32>,
        %mul3A_359 = arith.constant 128 : i32
        %mul3A_360 = arith.muli %scan3A_270, %mul3A_359 : i32
        %add3A_361 = arith.constant 32 : i32
        %add3A_362 = arith.addi %mul3A_360, %add3A_361 : i32
        %add3A_363 = arith.addf %gather3A_336, %gather3A : vector<16xf32>
        %add3A_364 = arith.constant 2048 : i32
        %add3A_365 = arith.addi %add3A_364, %add3A_362 : i32
        %swap3A_366 = arith.index_cast %add3A_365 : i32 to index
        %swap3A_367 = tpu.vector_load %arg9[%swap3A_366] {strides = array<i32>} : memref<8192xf32, #tpu.memory_space<vmem>>, vector<16xf32>,
        tpu.vector_store %arg9[%swap3A_366], %add3A_363 {strides = array<i32>} : memref<8192xf32, #tpu.memory_space<vmem>>, vector<16xf32>,
        %mul3A_368 = arith.constant 128 : i32
        %mul3A_369 = arith.muli %scan3A_270, %mul3A_368 : i32
        %add3A_370 = arith.constant 48 : i32
        %add3A_371 = arith.addi %mul3A_369, %add3A_370 : i32
        %add3A_372 = arith.addf %gather3A_337, %gather3A : vector<16xf32>
        %add3A_373 = arith.constant 2048 : i32
        %add3A_374 = arith.addi %add3A_373, %add3A_371 : i32
        %swap3A_375 = arith.index_cast %add3A_374 : i32 to index
        %swap3A_376 = tpu.vector_load %arg9[%swap3A_375] {strides = array<i32>} : memref<8192xf32, #tpu.memory_space<vmem>>, vector<16xf32>,
        tpu.vector_store %arg9[%swap3A_375], %add3A_372 {strides = array<i32>} : memref<8192xf32, #tpu.memory_space<vmem>>, vector<16xf32>,
        %mul3A_377 = arith.constant 128 : i32
        %mul3A_378 = arith.muli %scan3A_270, %mul3A_377 : i32
        %add3A_379 = arith.constant 64 : i32
        %add3A_380 = arith.addi %mul3A_378, %add3A_379 : i32
        %add3A_381 = arith.addf %gather3A_338, %gather3A : vector<16xf32>
        %add3A_382 = arith.constant 2048 : i32
        %add3A_383 = arith.addi %add3A_382, %add3A_380 : i32
        %swap3A_384 = arith.index_cast %add3A_383 : i32 to index
        %swap3A_385 = tpu.vector_load %arg9[%swap3A_384] {strides = array<i32>} : memref<8192xf32, #tpu.memory_space<vmem>>, vector<16xf32>,
        tpu.vector_store %arg9[%swap3A_384], %add3A_381 {strides = array<i32>} : memref<8192xf32, #tpu.memory_space<vmem>>, vector<16xf32>,
        %mul3A_386 = arith.constant 128 : i32
        %mul3A_387 = arith.muli %scan3A_270, %mul3A_386 : i32
        %add3A_388 = arith.constant 80 : i32
        %add3A_389 = arith.addi %mul3A_387, %add3A_388 : i32
        %add3A_390 = arith.addf %gather3A_339, %gather3A : vector<16xf32>
        %add3A_391 = arith.constant 2048 : i32
        %add3A_392 = arith.addi %add3A_391, %add3A_389 : i32
        %swap3A_393 = arith.index_cast %add3A_392 : i32 to index
        %swap3A_394 = tpu.vector_load %arg9[%swap3A_393] {strides = array<i32>} : memref<8192xf32, #tpu.memory_space<vmem>>, vector<16xf32>,
        tpu.vector_store %arg9[%swap3A_393], %add3A_390 {strides = array<i32>} : memref<8192xf32, #tpu.memory_space<vmem>>, vector<16xf32>,
        %mul3A_395 = arith.constant 128 : i32
        %mul3A_396 = arith.muli %scan3A_270, %mul3A_395 : i32
        %add3A_397 = arith.constant 96 : i32
        %add3A_398 = arith.addi %mul3A_396, %add3A_397 : i32
        %add3A_399 = arith.addf %gather3A_340, %gather3A : vector<16xf32>
        %add3A_400 = arith.constant 2048 : i32
        %add3A_401 = arith.addi %add3A_400, %add3A_398 : i32
        %swap3A_402 = arith.index_cast %add3A_401 : i32 to index
        %swap3A_403 = tpu.vector_load %arg9[%swap3A_402] {strides = array<i32>} : memref<8192xf32, #tpu.memory_space<vmem>>, vector<16xf32>,
        tpu.vector_store %arg9[%swap3A_402], %add3A_399 {strides = array<i32>} : memref<8192xf32, #tpu.memory_space<vmem>>, vector<16xf32>,
        %mul3A_404 = arith.constant 128 : i32
        %mul3A_405 = arith.muli %scan3A_270, %mul3A_404 : i32
        %add3A_406 = arith.constant 112 : i32
        %add3A_407 = arith.addi %mul3A_405, %add3A_406 : i32
        %add3A_408 = arith.addf %gather3A_341, %gather3A : vector<16xf32>
        %add3A_409 = arith.constant 2048 : i32
        %add3A_410 = arith.addi %add3A_409, %add3A_407 : i32
        %swap3A_411 = arith.index_cast %add3A_410 : i32 to index
        %swap3A_412 = tpu.vector_load %arg9[%swap3A_411] {strides = array<i32>} : memref<8192xf32, #tpu.memory_space<vmem>>, vector<16xf32>,
        tpu.vector_store %arg9[%swap3A_411], %add3A_408 {strides = array<i32>} : memref<8192xf32, #tpu.memory_space<vmem>>, vector<16xf32>,
      }
      %scan3A_69 = arith.constant 16 : i32
      %add3A_70 = arith.constant 32 : i32
      %add3A_71 = arith.addi %add3A_70, %add3A_11 : i32
      %dma_start3A_72 = arith.constant 2048 : i32
      %dma_start3A_73 = tpu.memref_slice %arg9[%dma_start3A_72] : memref<8192xf32, #tpu.memory_space<vmem>> -> memref<2048xf32, #tpu.memory_space<vmem>>
      %dma_start3A_74 = arith.constant 2048 : i32
      %dma_start3A_75 = tpu.memref_slice %arg6[%add3A_71, %dma_start3A_74] : memref<1280x16384xf32, #tpu.memory_space<hbm>> -> memref<1x2048xf32, #tpu.memory_space<hbm>>
      %dma_start3A_76 = tpu.memref_squeeze %dma_start3A_75 : memref<1x2048xf32, #tpu.memory_space<hbm>> -> memref<2048xf32, #tpu.memory_space<hbm>>
      %dma_start3A_77 = arith.constant 2048 : i32
      %dma_start3A_78 = tpu.memref_slice %arg6[%add3A_71, %dma_start3A_77] : memref<1280x16384xf32, #tpu.memory_space<hbm>> -> memref<1x2048xf32, #tpu.memory_space<hbm>>
      %dma_start3A_79 = tpu.memref_squeeze %dma_start3A_78 : memref<1x2048xf32, #tpu.memory_space<hbm>> -> memref<2048xf32, #tpu.memory_space<hbm>>
      %dma_start3A_80 = arith.constant 2048 : i32
      %dma_start3A_81 = tpu.memref_slice %arg9[%dma_start3A_80] : memref<8192xf32, #tpu.memory_space<vmem>> -> memref<2048xf32, #tpu.memory_space<vmem>>
      tpu.enqueue_dma source(%dma_start3A_81 : memref<2048xf32, #tpu.memory_space<vmem>>) target(%dma_start3A_79 : memref<2048xf32, #tpu.memory_space<hbm>>) target_semaphore(%arg12 : memref<!tpu.dma_semaphore, #tpu.memory_space<semaphore_mem>>)
      %scan3A_82 = arith.constant 0 : i32
      %scan3A_83 = arith.constant 0 : i32
      %scan3A_84 = arith.constant 16 : i32
      %scan3A_85 = arith.addi %scan3A_83, %scan3A_84 : i32
      %scan3A_86 = arith.constant 1 : i32
      scf.for %scan3A_270 = %scan3A_83 to %scan3A_85 step %scan3A_86  : i32 {
        %mul3A_271 = arith.constant 128 : i32
        %mul3A_272 = arith.muli %scan3A_270, %mul3A_271 : i32
        %add3A_273 = arith.constant 0 : i32
        %add3A_274 = arith.addi %mul3A_272, %add3A_273 : i32
        %add3A_275 = arith.constant 4096 : i32
        %add3A_276 = arith.addi %add3A_275, %add3A_274 : i32
        %get3A = arith.index_cast %add3A_276 : i32 to index
        %get3A_277 = tpu.vector_load %arg8[%get3A] {strides = array<i32>} : memref<16384xi32, #tpu.memory_space<vmem>>, vector<16xi32>,
        %mul3A_278 = arith.constant 128 : i32
        %mul3A_279 = arith.muli %scan3A_270, %mul3A_278 : i32
        %add3A_280 = arith.constant 16 : i32
        %add3A_281 = arith.addi %mul3A_279, %add3A_280 : i32
        %add3A_282 = arith.constant 4096 : i32
        %add3A_283 = arith.addi %add3A_282, %add3A_281 : i32
        %get3A_284 = arith.index_cast %add3A_283 : i32 to index
        %get3A_285 = tpu.vector_load %arg8[%get3A_284] {strides = array<i32>} : memref<16384xi32, #tpu.memory_space<vmem>>, vector<16xi32>,
        %mul3A_286 = arith.constant 128 : i32
        %mul3A_287 = arith.muli %scan3A_270, %mul3A_286 : i32
        %add3A_288 = arith.constant 32 : i32
        %add3A_289 = arith.addi %mul3A_287, %add3A_288 : i32
        %add3A_290 = arith.constant 4096 : i32
        %add3A_291 = arith.addi %add3A_290, %add3A_289 : i32
        %get3A_292 = arith.index_cast %add3A_291 : i32 to index
        %get3A_293 = tpu.vector_load %arg8[%get3A_292] {strides = array<i32>} : memref<16384xi32, #tpu.memory_space<vmem>>, vector<16xi32>,
        %mul3A_294 = arith.constant 128 : i32
        %mul3A_295 = arith.muli %scan3A_270, %mul3A_294 : i32
        %add3A_296 = arith.constant 48 : i32
        %add3A_297 = arith.addi %mul3A_295, %add3A_296 : i32
        %add3A_298 = arith.constant 4096 : i32
        %add3A_299 = arith.addi %add3A_298, %add3A_297 : i32
        %get3A_300 = arith.index_cast %add3A_299 : i32 to index
        %get3A_301 = tpu.vector_load %arg8[%get3A_300] {strides = array<i32>} : memref<16384xi32, #tpu.memory_space<vmem>>, vector<16xi32>,
        %mul3A_302 = arith.constant 128 : i32
        %mul3A_303 = arith.muli %scan3A_270, %mul3A_302 : i32
        %add3A_304 = arith.constant 64 : i32
        %add3A_305 = arith.addi %mul3A_303, %add3A_304 : i32
        %add3A_306 = arith.constant 4096 : i32
        %add3A_307 = arith.addi %add3A_306, %add3A_305 : i32
        %get3A_308 = arith.index_cast %add3A_307 : i32 to index
        %get3A_309 = tpu.vector_load %arg8[%get3A_308] {strides = array<i32>} : memref<16384xi32, #tpu.memory_space<vmem>>, vector<16xi32>,
        %mul3A_310 = arith.constant 128 : i32
        %mul3A_311 = arith.muli %scan3A_270, %mul3A_310 : i32
        %add3A_312 = arith.constant 80 : i32
        %add3A_313 = arith.addi %mul3A_311, %add3A_312 : i32
        %add3A_314 = arith.constant 4096 : i32
        %add3A_315 = arith.addi %add3A_314, %add3A_313 : i32
        %get3A_316 = arith.index_cast %add3A_315 : i32 to index
        %get3A_317 = tpu.vector_load %arg8[%get3A_316] {strides = array<i32>} : memref<16384xi32, #tpu.memory_space<vmem>>, vector<16xi32>,
        %mul3A_318 = arith.constant 128 : i32
        %mul3A_319 = arith.muli %scan3A_270, %mul3A_318 : i32
        %add3A_320 = arith.constant 96 : i32
        %add3A_321 = arith.addi %mul3A_319, %add3A_320 : i32
        %add3A_322 = arith.constant 4096 : i32
        %add3A_323 = arith.addi %add3A_322, %add3A_321 : i32
        %get3A_324 = arith.index_cast %add3A_323 : i32 to index
        %get3A_325 = tpu.vector_load %arg8[%get3A_324] {strides = array<i32>} : memref<16384xi32, #tpu.memory_space<vmem>>, vector<16xi32>,
        %mul3A_326 = arith.constant 128 : i32
        %mul3A_327 = arith.muli %scan3A_270, %mul3A_326 : i32
        %add3A_328 = arith.constant 112 : i32
        %add3A_329 = arith.addi %mul3A_327, %add3A_328 : i32
        %add3A_330 = arith.constant 4096 : i32
        %add3A_331 = arith.addi %add3A_330, %add3A_329 : i32
        %get3A_332 = arith.index_cast %add3A_331 : i32 to index
        %get3A_333 = tpu.vector_load %arg8[%get3A_332] {strides = array<i32>} : memref<16384xi32, #tpu.memory_space<vmem>>, vector<16xi32>,
        %gather3A_334 = tpu.vector_load_idx %arg7[%get3A_277] : memref<100000xf32, #tpu.memory_space<vmem>>[vector<16xi32>], vector<16xf32>,
        %gather3A_335 = tpu.vector_load_idx %arg7[%get3A_285] : memref<100000xf32, #tpu.memory_space<vmem>>[vector<16xi32>], vector<16xf32>,
        %gather3A_336 = tpu.vector_load_idx %arg7[%get3A_293] : memref<100000xf32, #tpu.memory_space<vmem>>[vector<16xi32>], vector<16xf32>,
        %gather3A_337 = tpu.vector_load_idx %arg7[%get3A_301] : memref<100000xf32, #tpu.memory_space<vmem>>[vector<16xi32>], vector<16xf32>,
        %gather3A_338 = tpu.vector_load_idx %arg7[%get3A_309] : memref<100000xf32, #tpu.memory_space<vmem>>[vector<16xi32>], vector<16xf32>,
        %gather3A_339 = tpu.vector_load_idx %arg7[%get3A_317] : memref<100000xf32, #tpu.memory_space<vmem>>[vector<16xi32>], vector<16xf32>,
        %gather3A_340 = tpu.vector_load_idx %arg7[%get3A_325] : memref<100000xf32, #tpu.memory_space<vmem>>[vector<16xi32>], vector<16xf32>,
        %gather3A_341 = tpu.vector_load_idx %arg7[%get3A_333] : memref<100000xf32, #tpu.memory_space<vmem>>[vector<16xi32>], vector<16xf32>,
        %mul3A_342 = arith.constant 128 : i32
        %mul3A_343 = arith.muli %scan3A_270, %mul3A_342 : i32
        %add3A_344 = arith.constant 0 : i32
        %add3A_345 = arith.addi %mul3A_343, %add3A_344 : i32
        %add3A_346 = arith.addf %gather3A_334, %gather3A : vector<16xf32>
        %add3A_347 = arith.constant 4096 : i32
        %add3A_348 = arith.addi %add3A_347, %add3A_345 : i32
        %swap3A = arith.index_cast %add3A_348 : i32 to index
        %swap3A_349 = tpu.vector_load %arg9[%swap3A] {strides = array<i32>} : memref<8192xf32, #tpu.memory_space<vmem>>, vector<16xf32>,
        tpu.vector_store %arg9[%swap3A], %add3A_346 {strides = array<i32>} : memref<8192xf32, #tpu.memory_space<vmem>>, vector<16xf32>,
        %mul3A_350 = arith.constant 128 : i32
        %mul3A_351 = arith.muli %scan3A_270, %mul3A_350 : i32
        %add3A_352 = arith.constant 16 : i32
        %add3A_353 = arith.addi %mul3A_351, %add3A_352 : i32
        %add3A_354 = arith.addf %gather3A_335, %gather3A : vector<16xf32>
        %add3A_355 = arith.constant 4096 : i32
        %add3A_356 = arith.addi %add3A_355, %add3A_353 : i32
        %swap3A_357 = arith.index_cast %add3A_356 : i32 to index
        %swap3A_358 = tpu.vector_load %arg9[%swap3A_357] {strides = array<i32>} : memref<8192xf32, #tpu.memory_space<vmem>>, vector<16xf32>,
        tpu.vector_store %arg9[%swap3A_357], %add3A_354 {strides = array<i32>} : memref<8192xf32, #tpu.memory_space<vmem>>, vector<16xf32>,
        %mul3A_359 = arith.constant 128 : i32
        %mul3A_360 = arith.muli %scan3A_270, %mul3A_359 : i32
        %add3A_361 = arith.constant 32 : i32
        %add3A_362 = arith.addi %mul3A_360, %add3A_361 : i32
        %add3A_363 = arith.addf %gather3A_336, %gather3A : vector<16xf32>
        %add3A_364 = arith.constant 4096 : i32
        %add3A_365 = arith.addi %add3A_364, %add3A_362 : i32
        %swap3A_366 = arith.index_cast %add3A_365 : i32 to index
        %swap3A_367 = tpu.vector_load %arg9[%swap3A_366] {strides = array<i32>} : memref<8192xf32, #tpu.memory_space<vmem>>, vector<16xf32>,
        tpu.vector_store %arg9[%swap3A_366], %add3A_363 {strides = array<i32>} : memref<8192xf32, #tpu.memory_space<vmem>>, vector<16xf32>,
        %mul3A_368 = arith.constant 128 : i32
        %mul3A_369 = arith.muli %scan3A_270, %mul3A_368 : i32
        %add3A_370 = arith.constant 48 : i32
        %add3A_371 = arith.addi %mul3A_369, %add3A_370 : i32
        %add3A_372 = arith.addf %gather3A_337, %gather3A : vector<16xf32>
        %add3A_373 = arith.constant 4096 : i32
        %add3A_374 = arith.addi %add3A_373, %add3A_371 : i32
        %swap3A_375 = arith.index_cast %add3A_374 : i32 to index
        %swap3A_376 = tpu.vector_load %arg9[%swap3A_375] {strides = array<i32>} : memref<8192xf32, #tpu.memory_space<vmem>>, vector<16xf32>,
        tpu.vector_store %arg9[%swap3A_375], %add3A_372 {strides = array<i32>} : memref<8192xf32, #tpu.memory_space<vmem>>, vector<16xf32>,
        %mul3A_377 = arith.constant 128 : i32
        %mul3A_378 = arith.muli %scan3A_270, %mul3A_377 : i32
        %add3A_379 = arith.constant 64 : i32
        %add3A_380 = arith.addi %mul3A_378, %add3A_379 : i32
        %add3A_381 = arith.addf %gather3A_338, %gather3A : vector<16xf32>
        %add3A_382 = arith.constant 4096 : i32
        %add3A_383 = arith.addi %add3A_382, %add3A_380 : i32
        %swap3A_384 = arith.index_cast %add3A_383 : i32 to index
        %swap3A_385 = tpu.vector_load %arg9[%swap3A_384] {strides = array<i32>} : memref<8192xf32, #tpu.memory_space<vmem>>, vector<16xf32>,
        tpu.vector_store %arg9[%swap3A_384], %add3A_381 {strides = array<i32>} : memref<8192xf32, #tpu.memory_space<vmem>>, vector<16xf32>,
        %mul3A_386 = arith.constant 128 : i32
        %mul3A_387 = arith.muli %scan3A_270, %mul3A_386 : i32
        %add3A_388 = arith.constant 80 : i32
        %add3A_389 = arith.addi %mul3A_387, %add3A_388 : i32
        %add3A_390 = arith.addf %gather3A_339, %gather3A : vector<16xf32>
        %add3A_391 = arith.constant 4096 : i32
        %add3A_392 = arith.addi %add3A_391, %add3A_389 : i32
        %swap3A_393 = arith.index_cast %add3A_392 : i32 to index
        %swap3A_394 = tpu.vector_load %arg9[%swap3A_393] {strides = array<i32>} : memref<8192xf32, #tpu.memory_space<vmem>>, vector<16xf32>,
        tpu.vector_store %arg9[%swap3A_393], %add3A_390 {strides = array<i32>} : memref<8192xf32, #tpu.memory_space<vmem>>, vector<16xf32>,
        %mul3A_395 = arith.constant 128 : i32
        %mul3A_396 = arith.muli %scan3A_270, %mul3A_395 : i32
        %add3A_397 = arith.constant 96 : i32
        %add3A_398 = arith.addi %mul3A_396, %add3A_397 : i32
        %add3A_399 = arith.addf %gather3A_340, %gather3A : vector<16xf32>
        %add3A_400 = arith.constant 4096 : i32
        %add3A_401 = arith.addi %add3A_400, %add3A_398 : i32
        %swap3A_402 = arith.index_cast %add3A_401 : i32 to index
        %swap3A_403 = tpu.vector_load %arg9[%swap3A_402] {strides = array<i32>} : memref<8192xf32, #tpu.memory_space<vmem>>, vector<16xf32>,
        tpu.vector_store %arg9[%swap3A_402], %add3A_399 {strides = array<i32>} : memref<8192xf32, #tpu.memory_space<vmem>>, vector<16xf32>,
        %mul3A_404 = arith.constant 128 : i32
        %mul3A_405 = arith.muli %scan3A_270, %mul3A_404 : i32
        %add3A_406 = arith.constant 112 : i32
        %add3A_407 = arith.addi %mul3A_405, %add3A_406 : i32
        %add3A_408 = arith.addf %gather3A_341, %gather3A : vector<16xf32>
        %add3A_409 = arith.constant 4096 : i32
        %add3A_410 = arith.addi %add3A_409, %add3A_407 : i32
        %swap3A_411 = arith.index_cast %add3A_410 : i32 to index
        %swap3A_412 = tpu.vector_load %arg9[%swap3A_411] {strides = array<i32>} : memref<8192xf32, #tpu.memory_space<vmem>>, vector<16xf32>,
        tpu.vector_store %arg9[%swap3A_411], %add3A_408 {strides = array<i32>} : memref<8192xf32, #tpu.memory_space<vmem>>, vector<16xf32>,
      }
      %scan3A_87 = arith.constant 16 : i32
      %add3A_88 = arith.constant 32 : i32
      %add3A_89 = arith.addi %add3A_88, %add3A_11 : i32
      %dma_start3A_90 = arith.constant 4096 : i32
      %dma_start3A_91 = tpu.memref_slice %arg9[%dma_start3A_90] : memref<8192xf32, #tpu.memory_space<vmem>> -> memref<2048xf32, #tpu.memory_space<vmem>>
      %dma_start3A_92 = arith.constant 4096 : i32
      %dma_start3A_93 = tpu.memref_slice %arg6[%add3A_89, %dma_start3A_92] : memref<1280x16384xf32, #tpu.memory_space<hbm>> -> memref<1x2048xf32, #tpu.memory_space<hbm>>
      %dma_start3A_94 = tpu.memref_squeeze %dma_start3A_93 : memref<1x2048xf32, #tpu.memory_space<hbm>> -> memref<2048xf32, #tpu.memory_space<hbm>>
      %dma_start3A_95 = arith.constant 4096 : i32
      %dma_start3A_96 = tpu.memref_slice %arg6[%add3A_89, %dma_start3A_95] : memref<1280x16384xf32, #tpu.memory_space<hbm>> -> memref<1x2048xf32, #tpu.memory_space<hbm>>
      %dma_start3A_97 = tpu.memref_squeeze %dma_start3A_96 : memref<1x2048xf32, #tpu.memory_space<hbm>> -> memref<2048xf32, #tpu.memory_space<hbm>>
      %dma_start3A_98 = arith.constant 4096 : i32
      %dma_start3A_99 = tpu.memref_slice %arg9[%dma_start3A_98] : memref<8192xf32, #tpu.memory_space<vmem>> -> memref<2048xf32, #tpu.memory_space<vmem>>
      tpu.enqueue_dma source(%dma_start3A_99 : memref<2048xf32, #tpu.memory_space<vmem>>) target(%dma_start3A_97 : memref<2048xf32, #tpu.memory_space<hbm>>) target_semaphore(%arg12 : memref<!tpu.dma_semaphore, #tpu.memory_space<semaphore_mem>>)
      %scan3A_100 = arith.constant 0 : i32
      %scan3A_101 = arith.constant 0 : i32
      %scan3A_102 = arith.constant 16 : i32
      %scan3A_103 = arith.addi %scan3A_101, %scan3A_102 : i32
      %scan3A_104 = arith.constant 1 : i32
      scf.for %scan3A_270 = %scan3A_101 to %scan3A_103 step %scan3A_104  : i32 {
        %mul3A_271 = arith.constant 128 : i32
        %mul3A_272 = arith.muli %scan3A_270, %mul3A_271 : i32
        %add3A_273 = arith.constant 0 : i32
        %add3A_274 = arith.addi %mul3A_272, %add3A_273 : i32
        %add3A_275 = arith.constant 6144 : i32
        %add3A_276 = arith.addi %add3A_275, %add3A_274 : i32
        %get3A = arith.index_cast %add3A_276 : i32 to index
        %get3A_277 = tpu.vector_load %arg8[%get3A] {strides = array<i32>} : memref<16384xi32, #tpu.memory_space<vmem>>, vector<16xi32>,
        %mul3A_278 = arith.constant 128 : i32
        %mul3A_279 = arith.muli %scan3A_270, %mul3A_278 : i32
        %add3A_280 = arith.constant 16 : i32
        %add3A_281 = arith.addi %mul3A_279, %add3A_280 : i32
        %add3A_282 = arith.constant 6144 : i32
        %add3A_283 = arith.addi %add3A_282, %add3A_281 : i32
        %get3A_284 = arith.index_cast %add3A_283 : i32 to index
        %get3A_285 = tpu.vector_load %arg8[%get3A_284] {strides = array<i32>} : memref<16384xi32, #tpu.memory_space<vmem>>, vector<16xi32>,
        %mul3A_286 = arith.constant 128 : i32
        %mul3A_287 = arith.muli %scan3A_270, %mul3A_286 : i32
        %add3A_288 = arith.constant 32 : i32
        %add3A_289 = arith.addi %mul3A_287, %add3A_288 : i32
        %add3A_290 = arith.constant 6144 : i32
        %add3A_291 = arith.addi %add3A_290, %add3A_289 : i32
        %get3A_292 = arith.index_cast %add3A_291 : i32 to index
        %get3A_293 = tpu.vector_load %arg8[%get3A_292] {strides = array<i32>} : memref<16384xi32, #tpu.memory_space<vmem>>, vector<16xi32>,
        %mul3A_294 = arith.constant 128 : i32
        %mul3A_295 = arith.muli %scan3A_270, %mul3A_294 : i32
        %add3A_296 = arith.constant 48 : i32
        %add3A_297 = arith.addi %mul3A_295, %add3A_296 : i32
        %add3A_298 = arith.constant 6144 : i32
        %add3A_299 = arith.addi %add3A_298, %add3A_297 : i32
        %get3A_300 = arith.index_cast %add3A_299 : i32 to index
        %get3A_301 = tpu.vector_load %arg8[%get3A_300] {strides = array<i32>} : memref<16384xi32, #tpu.memory_space<vmem>>, vector<16xi32>,
        %mul3A_302 = arith.constant 128 : i32
        %mul3A_303 = arith.muli %scan3A_270, %mul3A_302 : i32
        %add3A_304 = arith.constant 64 : i32
        %add3A_305 = arith.addi %mul3A_303, %add3A_304 : i32
        %add3A_306 = arith.constant 6144 : i32
        %add3A_307 = arith.addi %add3A_306, %add3A_305 : i32
        %get3A_308 = arith.index_cast %add3A_307 : i32 to index
        %get3A_309 = tpu.vector_load %arg8[%get3A_308] {strides = array<i32>} : memref<16384xi32, #tpu.memory_space<vmem>>, vector<16xi32>,
        %mul3A_310 = arith.constant 128 : i32
        %mul3A_311 = arith.muli %scan3A_270, %mul3A_310 : i32
        %add3A_312 = arith.constant 80 : i32
        %add3A_313 = arith.addi %mul3A_311, %add3A_312 : i32
        %add3A_314 = arith.constant 6144 : i32
        %add3A_315 = arith.addi %add3A_314, %add3A_313 : i32
        %get3A_316 = arith.index_cast %add3A_315 : i32 to index
        %get3A_317 = tpu.vector_load %arg8[%get3A_316] {strides = array<i32>} : memref<16384xi32, #tpu.memory_space<vmem>>, vector<16xi32>,
        %mul3A_318 = arith.constant 128 : i32
        %mul3A_319 = arith.muli %scan3A_270, %mul3A_318 : i32
        %add3A_320 = arith.constant 96 : i32
        %add3A_321 = arith.addi %mul3A_319, %add3A_320 : i32
        %add3A_322 = arith.constant 6144 : i32
        %add3A_323 = arith.addi %add3A_322, %add3A_321 : i32
        %get3A_324 = arith.index_cast %add3A_323 : i32 to index
        %get3A_325 = tpu.vector_load %arg8[%get3A_324] {strides = array<i32>} : memref<16384xi32, #tpu.memory_space<vmem>>, vector<16xi32>,
        %mul3A_326 = arith.constant 128 : i32
        %mul3A_327 = arith.muli %scan3A_270, %mul3A_326 : i32
        %add3A_328 = arith.constant 112 : i32
        %add3A_329 = arith.addi %mul3A_327, %add3A_328 : i32
        %add3A_330 = arith.constant 6144 : i32
        %add3A_331 = arith.addi %add3A_330, %add3A_329 : i32
        %get3A_332 = arith.index_cast %add3A_331 : i32 to index
        %get3A_333 = tpu.vector_load %arg8[%get3A_332] {strides = array<i32>} : memref<16384xi32, #tpu.memory_space<vmem>>, vector<16xi32>,
        %gather3A_334 = tpu.vector_load_idx %arg7[%get3A_277] : memref<100000xf32, #tpu.memory_space<vmem>>[vector<16xi32>], vector<16xf32>,
        %gather3A_335 = tpu.vector_load_idx %arg7[%get3A_285] : memref<100000xf32, #tpu.memory_space<vmem>>[vector<16xi32>], vector<16xf32>,
        %gather3A_336 = tpu.vector_load_idx %arg7[%get3A_293] : memref<100000xf32, #tpu.memory_space<vmem>>[vector<16xi32>], vector<16xf32>,
        %gather3A_337 = tpu.vector_load_idx %arg7[%get3A_301] : memref<100000xf32, #tpu.memory_space<vmem>>[vector<16xi32>], vector<16xf32>,
        %gather3A_338 = tpu.vector_load_idx %arg7[%get3A_309] : memref<100000xf32, #tpu.memory_space<vmem>>[vector<16xi32>], vector<16xf32>,
        %gather3A_339 = tpu.vector_load_idx %arg7[%get3A_317] : memref<100000xf32, #tpu.memory_space<vmem>>[vector<16xi32>], vector<16xf32>,
        %gather3A_340 = tpu.vector_load_idx %arg7[%get3A_325] : memref<100000xf32, #tpu.memory_space<vmem>>[vector<16xi32>], vector<16xf32>,
        %gather3A_341 = tpu.vector_load_idx %arg7[%get3A_333] : memref<100000xf32, #tpu.memory_space<vmem>>[vector<16xi32>], vector<16xf32>,
        %mul3A_342 = arith.constant 128 : i32
        %mul3A_343 = arith.muli %scan3A_270, %mul3A_342 : i32
        %add3A_344 = arith.constant 0 : i32
        %add3A_345 = arith.addi %mul3A_343, %add3A_344 : i32
        %add3A_346 = arith.addf %gather3A_334, %gather3A : vector<16xf32>
        %add3A_347 = arith.constant 6144 : i32
        %add3A_348 = arith.addi %add3A_347, %add3A_345 : i32
        %swap3A = arith.index_cast %add3A_348 : i32 to index
        %swap3A_349 = tpu.vector_load %arg9[%swap3A] {strides = array<i32>} : memref<8192xf32, #tpu.memory_space<vmem>>, vector<16xf32>,
        tpu.vector_store %arg9[%swap3A], %add3A_346 {strides = array<i32>} : memref<8192xf32, #tpu.memory_space<vmem>>, vector<16xf32>,
        %mul3A_350 = arith.constant 128 : i32
        %mul3A_351 = arith.muli %scan3A_270, %mul3A_350 : i32
        %add3A_352 = arith.constant 16 : i32
        %add3A_353 = arith.addi %mul3A_351, %add3A_352 : i32
        %add3A_354 = arith.addf %gather3A_335, %gather3A : vector<16xf32>
        %add3A_355 = arith.constant 6144 : i32
        %add3A_356 = arith.addi %add3A_355, %add3A_353 : i32
        %swap3A_357 = arith.index_cast %add3A_356 : i32 to index
        %swap3A_358 = tpu.vector_load %arg9[%swap3A_357] {strides = array<i32>} : memref<8192xf32, #tpu.memory_space<vmem>>, vector<16xf32>,
        tpu.vector_store %arg9[%swap3A_357], %add3A_354 {strides = array<i32>} : memref<8192xf32, #tpu.memory_space<vmem>>, vector<16xf32>,
        %mul3A_359 = arith.constant 128 : i32
        %mul3A_360 = arith.muli %scan3A_270, %mul3A_359 : i32
        %add3A_361 = arith.constant 32 : i32
        %add3A_362 = arith.addi %mul3A_360, %add3A_361 : i32
        %add3A_363 = arith.addf %gather3A_336, %gather3A : vector<16xf32>
        %add3A_364 = arith.constant 6144 : i32
        %add3A_365 = arith.addi %add3A_364, %add3A_362 : i32
        %swap3A_366 = arith.index_cast %add3A_365 : i32 to index
        %swap3A_367 = tpu.vector_load %arg9[%swap3A_366] {strides = array<i32>} : memref<8192xf32, #tpu.memory_space<vmem>>, vector<16xf32>,
        tpu.vector_store %arg9[%swap3A_366], %add3A_363 {strides = array<i32>} : memref<8192xf32, #tpu.memory_space<vmem>>, vector<16xf32>,
        %mul3A_368 = arith.constant 128 : i32
        %mul3A_369 = arith.muli %scan3A_270, %mul3A_368 : i32
        %add3A_370 = arith.constant 48 : i32
        %add3A_371 = arith.addi %mul3A_369, %add3A_370 : i32
        %add3A_372 = arith.addf %gather3A_337, %gather3A : vector<16xf32>
        %add3A_373 = arith.constant 6144 : i32
        %add3A_374 = arith.addi %add3A_373, %add3A_371 : i32
        %swap3A_375 = arith.index_cast %add3A_374 : i32 to index
        %swap3A_376 = tpu.vector_load %arg9[%swap3A_375] {strides = array<i32>} : memref<8192xf32, #tpu.memory_space<vmem>>, vector<16xf32>,
        tpu.vector_store %arg9[%swap3A_375], %add3A_372 {strides = array<i32>} : memref<8192xf32, #tpu.memory_space<vmem>>, vector<16xf32>,
        %mul3A_377 = arith.constant 128 : i32
        %mul3A_378 = arith.muli %scan3A_270, %mul3A_377 : i32
        %add3A_379 = arith.constant 64 : i32
        %add3A_380 = arith.addi %mul3A_378, %add3A_379 : i32
        %add3A_381 = arith.addf %gather3A_338, %gather3A : vector<16xf32>
        %add3A_382 = arith.constant 6144 : i32
        %add3A_383 = arith.addi %add3A_382, %add3A_380 : i32
        %swap3A_384 = arith.index_cast %add3A_383 : i32 to index
        %swap3A_385 = tpu.vector_load %arg9[%swap3A_384] {strides = array<i32>} : memref<8192xf32, #tpu.memory_space<vmem>>, vector<16xf32>,
        tpu.vector_store %arg9[%swap3A_384], %add3A_381 {strides = array<i32>} : memref<8192xf32, #tpu.memory_space<vmem>>, vector<16xf32>,
        %mul3A_386 = arith.constant 128 : i32
        %mul3A_387 = arith.muli %scan3A_270, %mul3A_386 : i32
        %add3A_388 = arith.constant 80 : i32
        %add3A_389 = arith.addi %mul3A_387, %add3A_388 : i32
        %add3A_390 = arith.addf %gather3A_339, %gather3A : vector<16xf32>
        %add3A_391 = arith.constant 6144 : i32
        %add3A_392 = arith.addi %add3A_391, %add3A_389 : i32
        %swap3A_393 = arith.index_cast %add3A_392 : i32 to index
        %swap3A_394 = tpu.vector_load %arg9[%swap3A_393] {strides = array<i32>} : memref<8192xf32, #tpu.memory_space<vmem>>, vector<16xf32>,
        tpu.vector_store %arg9[%swap3A_393], %add3A_390 {strides = array<i32>} : memref<8192xf32, #tpu.memory_space<vmem>>, vector<16xf32>,
        %mul3A_395 = arith.constant 128 : i32
        %mul3A_396 = arith.muli %scan3A_270, %mul3A_395 : i32
        %add3A_397 = arith.constant 96 : i32
        %add3A_398 = arith.addi %mul3A_396, %add3A_397 : i32
        %add3A_399 = arith.addf %gather3A_340, %gather3A : vector<16xf32>
        %add3A_400 = arith.constant 6144 : i32
        %add3A_401 = arith.addi %add3A_400, %add3A_398 : i32
        %swap3A_402 = arith.index_cast %add3A_401 : i32 to index
        %swap3A_403 = tpu.vector_load %arg9[%swap3A_402] {strides = array<i32>} : memref<8192xf32, #tpu.memory_space<vmem>>, vector<16xf32>,
        tpu.vector_store %arg9[%swap3A_402], %add3A_399 {strides = array<i32>} : memref<8192xf32, #tpu.memory_space<vmem>>, vector<16xf32>,
        %mul3A_404 = arith.constant 128 : i32
        %mul3A_405 = arith.muli %scan3A_270, %mul3A_404 : i32
        %add3A_406 = arith.constant 112 : i32
        %add3A_407 = arith.addi %mul3A_405, %add3A_406 : i32
        %add3A_408 = arith.addf %gather3A_341, %gather3A : vector<16xf32>
        %add3A_409 = arith.constant 6144 : i32
        %add3A_410 = arith.addi %add3A_409, %add3A_407 : i32
        %swap3A_411 = arith.index_cast %add3A_410 : i32 to index
        %swap3A_412 = tpu.vector_load %arg9[%swap3A_411] {strides = array<i32>} : memref<8192xf32, #tpu.memory_space<vmem>>, vector<16xf32>,
        tpu.vector_store %arg9[%swap3A_411], %add3A_408 {strides = array<i32>} : memref<8192xf32, #tpu.memory_space<vmem>>, vector<16xf32>,
      }
      %scan3A_105 = arith.constant 16 : i32
      %add3A_106 = arith.constant 32 : i32
      %add3A_107 = arith.addi %add3A_106, %add3A_11 : i32
      %dma_start3A_108 = arith.constant 6144 : i32
      %dma_start3A_109 = tpu.memref_slice %arg9[%dma_start3A_108] : memref<8192xf32, #tpu.memory_space<vmem>> -> memref<2048xf32, #tpu.memory_space<vmem>>
      %dma_start3A_110 = arith.constant 6144 : i32
      %dma_start3A_111 = tpu.memref_slice %arg6[%add3A_107, %dma_start3A_110] : memref<1280x16384xf32, #tpu.memory_space<hbm>> -> memref<1x2048xf32, #tpu.memory_space<hbm>>
      %dma_start3A_112 = tpu.memref_squeeze %dma_start3A_111 : memref<1x2048xf32, #tpu.memory_space<hbm>> -> memref<2048xf32, #tpu.memory_space<hbm>>
      %dma_start3A_113 = arith.constant 6144 : i32
      %dma_start3A_114 = tpu.memref_slice %arg6[%add3A_107, %dma_start3A_113] : memref<1280x16384xf32, #tpu.memory_space<hbm>> -> memref<1x2048xf32, #tpu.memory_space<hbm>>
      %dma_start3A_115 = tpu.memref_squeeze %dma_start3A_114 : memref<1x2048xf32, #tpu.memory_space<hbm>> -> memref<2048xf32, #tpu.memory_space<hbm>>
      %dma_start3A_116 = arith.constant 6144 : i32
      %dma_start3A_117 = tpu.memref_slice %arg9[%dma_start3A_116] : memref<8192xf32, #tpu.memory_space<vmem>> -> memref<2048xf32, #tpu.memory_space<vmem>>
      tpu.enqueue_dma source(%dma_start3A_117 : memref<2048xf32, #tpu.memory_space<vmem>>) target(%dma_start3A_115 : memref<2048xf32, #tpu.memory_space<hbm>>) target_semaphore(%arg12 : memref<!tpu.dma_semaphore, #tpu.memory_space<semaphore_mem>>)
      %dma_wait3A_118 = arith.constant 0 : i32
      %dma_wait3A_119 = tpu.memref_slice %arg9[%dma_wait3A_118] : memref<8192xf32, #tpu.memory_space<vmem>> -> memref<2048xf32, #tpu.memory_space<vmem>>
      %dma_wait3A_120 = arith.constant 0 : i32
      %dma_wait3A_121 = tpu.memref_slice %arg6[%add3A_53, %dma_wait3A_120] : memref<1280x16384xf32, #tpu.memory_space<hbm>> -> memref<1x2048xf32, #tpu.memory_space<hbm>>
      %dma_wait3A_122 = tpu.memref_squeeze %dma_wait3A_121 : memref<1x2048xf32, #tpu.memory_space<hbm>> -> memref<2048xf32, #tpu.memory_space<hbm>>
      %dma_wait3A_123 = arith.constant 0 : i32
      %dma_wait3A_124 = tpu.memref_slice %arg6[%add3A_53, %dma_wait3A_123] : memref<1280x16384xf32, #tpu.memory_space<hbm>> -> memref<1x2048xf32, #tpu.memory_space<hbm>>
      %dma_wait3A_125 = tpu.memref_squeeze %dma_wait3A_124 : memref<1x2048xf32, #tpu.memory_space<hbm>> -> memref<2048xf32, #tpu.memory_space<hbm>>
      %dma_wait3A_126 = arith.constant 0 : i32
      %dma_wait3A_127 = tpu.memref_slice %arg9[%dma_wait3A_126] : memref<8192xf32, #tpu.memory_space<vmem>> -> memref<2048xf32, #tpu.memory_space<vmem>>
      tpu.wait_dma2 semaphore(%arg12 : memref<!tpu.dma_semaphore, #tpu.memory_space<semaphore_mem>>) src(%dma_wait3A_127 : memref<2048xf32, #tpu.memory_space<vmem>>) dst(%dma_wait3A_125 : memref<2048xf32, #tpu.memory_space<hbm>>)
      %scan3A_128 = arith.constant 0 : i32
      %scan3A_129 = arith.constant 0 : i32
      %scan3A_130 = arith.constant 16 : i32
      %scan3A_131 = arith.addi %scan3A_129, %scan3A_130 : i32
      %scan3A_132 = arith.constant 1 : i32
      scf.for %scan3A_270 = %scan3A_129 to %scan3A_131 step %scan3A_132  : i32 {
        %mul3A_271 = arith.constant 128 : i32
        %mul3A_272 = arith.muli %scan3A_270, %mul3A_271 : i32
        %add3A_273 = arith.constant 0 : i32
        %add3A_274 = arith.addi %mul3A_272, %add3A_273 : i32
        %add3A_275 = arith.constant 8192 : i32
        %add3A_276 = arith.addi %add3A_275, %add3A_274 : i32
        %get3A = arith.index_cast %add3A_276 : i32 to index
        %get3A_277 = tpu.vector_load %arg8[%get3A] {strides = array<i32>} : memref<16384xi32, #tpu.memory_space<vmem>>, vector<16xi32>,
        %mul3A_278 = arith.constant 128 : i32
        %mul3A_279 = arith.muli %scan3A_270, %mul3A_278 : i32
        %add3A_280 = arith.constant 16 : i32
        %add3A_281 = arith.addi %mul3A_279, %add3A_280 : i32
        %add3A_282 = arith.constant 8192 : i32
        %add3A_283 = arith.addi %add3A_282, %add3A_281 : i32
        %get3A_284 = arith.index_cast %add3A_283 : i32 to index
        %get3A_285 = tpu.vector_load %arg8[%get3A_284] {strides = array<i32>} : memref<16384xi32, #tpu.memory_space<vmem>>, vector<16xi32>,
        %mul3A_286 = arith.constant 128 : i32
        %mul3A_287 = arith.muli %scan3A_270, %mul3A_286 : i32
        %add3A_288 = arith.constant 32 : i32
        %add3A_289 = arith.addi %mul3A_287, %add3A_288 : i32
        %add3A_290 = arith.constant 8192 : i32
        %add3A_291 = arith.addi %add3A_290, %add3A_289 : i32
        %get3A_292 = arith.index_cast %add3A_291 : i32 to index
        %get3A_293 = tpu.vector_load %arg8[%get3A_292] {strides = array<i32>} : memref<16384xi32, #tpu.memory_space<vmem>>, vector<16xi32>,
        %mul3A_294 = arith.constant 128 : i32
        %mul3A_295 = arith.muli %scan3A_270, %mul3A_294 : i32
        %add3A_296 = arith.constant 48 : i32
        %add3A_297 = arith.addi %mul3A_295, %add3A_296 : i32
        %add3A_298 = arith.constant 8192 : i32
        %add3A_299 = arith.addi %add3A_298, %add3A_297 : i32
        %get3A_300 = arith.index_cast %add3A_299 : i32 to index
        %get3A_301 = tpu.vector_load %arg8[%get3A_300] {strides = array<i32>} : memref<16384xi32, #tpu.memory_space<vmem>>, vector<16xi32>,
        %mul3A_302 = arith.constant 128 : i32
        %mul3A_303 = arith.muli %scan3A_270, %mul3A_302 : i32
        %add3A_304 = arith.constant 64 : i32
        %add3A_305 = arith.addi %mul3A_303, %add3A_304 : i32
        %add3A_306 = arith.constant 8192 : i32
        %add3A_307 = arith.addi %add3A_306, %add3A_305 : i32
        %get3A_308 = arith.index_cast %add3A_307 : i32 to index
        %get3A_309 = tpu.vector_load %arg8[%get3A_308] {strides = array<i32>} : memref<16384xi32, #tpu.memory_space<vmem>>, vector<16xi32>,
        %mul3A_310 = arith.constant 128 : i32
        %mul3A_311 = arith.muli %scan3A_270, %mul3A_310 : i32
        %add3A_312 = arith.constant 80 : i32
        %add3A_313 = arith.addi %mul3A_311, %add3A_312 : i32
        %add3A_314 = arith.constant 8192 : i32
        %add3A_315 = arith.addi %add3A_314, %add3A_313 : i32
        %get3A_316 = arith.index_cast %add3A_315 : i32 to index
        %get3A_317 = tpu.vector_load %arg8[%get3A_316] {strides = array<i32>} : memref<16384xi32, #tpu.memory_space<vmem>>, vector<16xi32>,
        %mul3A_318 = arith.constant 128 : i32
        %mul3A_319 = arith.muli %scan3A_270, %mul3A_318 : i32
        %add3A_320 = arith.constant 96 : i32
        %add3A_321 = arith.addi %mul3A_319, %add3A_320 : i32
        %add3A_322 = arith.constant 8192 : i32
        %add3A_323 = arith.addi %add3A_322, %add3A_321 : i32
        %get3A_324 = arith.index_cast %add3A_323 : i32 to index
        %get3A_325 = tpu.vector_load %arg8[%get3A_324] {strides = array<i32>} : memref<16384xi32, #tpu.memory_space<vmem>>, vector<16xi32>,
        %mul3A_326 = arith.constant 128 : i32
        %mul3A_327 = arith.muli %scan3A_270, %mul3A_326 : i32
        %add3A_328 = arith.constant 112 : i32
        %add3A_329 = arith.addi %mul3A_327, %add3A_328 : i32
        %add3A_330 = arith.constant 8192 : i32
        %add3A_331 = arith.addi %add3A_330, %add3A_329 : i32
        %get3A_332 = arith.index_cast %add3A_331 : i32 to index
        %get3A_333 = tpu.vector_load %arg8[%get3A_332] {strides = array<i32>} : memref<16384xi32, #tpu.memory_space<vmem>>, vector<16xi32>,
        %gather3A_334 = tpu.vector_load_idx %arg7[%get3A_277] : memref<100000xf32, #tpu.memory_space<vmem>>[vector<16xi32>], vector<16xf32>,
        %gather3A_335 = tpu.vector_load_idx %arg7[%get3A_285] : memref<100000xf32, #tpu.memory_space<vmem>>[vector<16xi32>], vector<16xf32>,
        %gather3A_336 = tpu.vector_load_idx %arg7[%get3A_293] : memref<100000xf32, #tpu.memory_space<vmem>>[vector<16xi32>], vector<16xf32>,
        %gather3A_337 = tpu.vector_load_idx %arg7[%get3A_301] : memref<100000xf32, #tpu.memory_space<vmem>>[vector<16xi32>], vector<16xf32>,
        %gather3A_338 = tpu.vector_load_idx %arg7[%get3A_309] : memref<100000xf32, #tpu.memory_space<vmem>>[vector<16xi32>], vector<16xf32>,
        %gather3A_339 = tpu.vector_load_idx %arg7[%get3A_317] : memref<100000xf32, #tpu.memory_space<vmem>>[vector<16xi32>], vector<16xf32>,
        %gather3A_340 = tpu.vector_load_idx %arg7[%get3A_325] : memref<100000xf32, #tpu.memory_space<vmem>>[vector<16xi32>], vector<16xf32>,
        %gather3A_341 = tpu.vector_load_idx %arg7[%get3A_333] : memref<100000xf32, #tpu.memory_space<vmem>>[vector<16xi32>], vector<16xf32>,
        %mul3A_342 = arith.constant 128 : i32
        %mul3A_343 = arith.muli %scan3A_270, %mul3A_342 : i32
        %add3A_344 = arith.constant 0 : i32
        %add3A_345 = arith.addi %mul3A_343, %add3A_344 : i32
        %add3A_346 = arith.addf %gather3A_334, %gather3A : vector<16xf32>
        %add3A_347 = arith.constant 0 : i32
        %add3A_348 = arith.addi %add3A_347, %add3A_345 : i32
        %swap3A = arith.index_cast %add3A_348 : i32 to index
        %swap3A_349 = tpu.vector_load %arg9[%swap3A] {strides = array<i32>} : memref<8192xf32, #tpu.memory_space<vmem>>, vector<16xf32>,
        tpu.vector_store %arg9[%swap3A], %add3A_346 {strides = array<i32>} : memref<8192xf32, #tpu.memory_space<vmem>>, vector<16xf32>,
        %mul3A_350 = arith.constant 128 : i32
        %mul3A_351 = arith.muli %scan3A_270, %mul3A_350 : i32
        %add3A_352 = arith.constant 16 : i32
        %add3A_353 = arith.addi %mul3A_351, %add3A_352 : i32
        %add3A_354 = arith.addf %gather3A_335, %gather3A : vector<16xf32>
        %add3A_355 = arith.constant 0 : i32
        %add3A_356 = arith.addi %add3A_355, %add3A_353 : i32
        %swap3A_357 = arith.index_cast %add3A_356 : i32 to index
        %swap3A_358 = tpu.vector_load %arg9[%swap3A_357] {strides = array<i32>} : memref<8192xf32, #tpu.memory_space<vmem>>, vector<16xf32>,
        tpu.vector_store %arg9[%swap3A_357], %add3A_354 {strides = array<i32>} : memref<8192xf32, #tpu.memory_space<vmem>>, vector<16xf32>,
        %mul3A_359 = arith.constant 128 : i32
        %mul3A_360 = arith.muli %scan3A_270, %mul3A_359 : i32
        %add3A_361 = arith.constant 32 : i32
        %add3A_362 = arith.addi %mul3A_360, %add3A_361 : i32
        %add3A_363 = arith.addf %gather3A_336, %gather3A : vector<16xf32>
        %add3A_364 = arith.constant 0 : i32
        %add3A_365 = arith.addi %add3A_364, %add3A_362 : i32
        %swap3A_366 = arith.index_cast %add3A_365 : i32 to index
        %swap3A_367 = tpu.vector_load %arg9[%swap3A_366] {strides = array<i32>} : memref<8192xf32, #tpu.memory_space<vmem>>, vector<16xf32>,
        tpu.vector_store %arg9[%swap3A_366], %add3A_363 {strides = array<i32>} : memref<8192xf32, #tpu.memory_space<vmem>>, vector<16xf32>,
        %mul3A_368 = arith.constant 128 : i32
        %mul3A_369 = arith.muli %scan3A_270, %mul3A_368 : i32
        %add3A_370 = arith.constant 48 : i32
        %add3A_371 = arith.addi %mul3A_369, %add3A_370 : i32
        %add3A_372 = arith.addf %gather3A_337, %gather3A : vector<16xf32>
        %add3A_373 = arith.constant 0 : i32
        %add3A_374 = arith.addi %add3A_373, %add3A_371 : i32
        %swap3A_375 = arith.index_cast %add3A_374 : i32 to index
        %swap3A_376 = tpu.vector_load %arg9[%swap3A_375] {strides = array<i32>} : memref<8192xf32, #tpu.memory_space<vmem>>, vector<16xf32>,
        tpu.vector_store %arg9[%swap3A_375], %add3A_372 {strides = array<i32>} : memref<8192xf32, #tpu.memory_space<vmem>>, vector<16xf32>,
        %mul3A_377 = arith.constant 128 : i32
        %mul3A_378 = arith.muli %scan3A_270, %mul3A_377 : i32
        %add3A_379 = arith.constant 64 : i32
        %add3A_380 = arith.addi %mul3A_378, %add3A_379 : i32
        %add3A_381 = arith.addf %gather3A_338, %gather3A : vector<16xf32>
        %add3A_382 = arith.constant 0 : i32
        %add3A_383 = arith.addi %add3A_382, %add3A_380 : i32
        %swap3A_384 = arith.index_cast %add3A_383 : i32 to index
        %swap3A_385 = tpu.vector_load %arg9[%swap3A_384] {strides = array<i32>} : memref<8192xf32, #tpu.memory_space<vmem>>, vector<16xf32>,
        tpu.vector_store %arg9[%swap3A_384], %add3A_381 {strides = array<i32>} : memref<8192xf32, #tpu.memory_space<vmem>>, vector<16xf32>,
        %mul3A_386 = arith.constant 128 : i32
        %mul3A_387 = arith.muli %scan3A_270, %mul3A_386 : i32
        %add3A_388 = arith.constant 80 : i32
        %add3A_389 = arith.addi %mul3A_387, %add3A_388 : i32
        %add3A_390 = arith.addf %gather3A_339, %gather3A : vector<16xf32>
        %add3A_391 = arith.constant 0 : i32
        %add3A_392 = arith.addi %add3A_391, %add3A_389 : i32
        %swap3A_393 = arith.index_cast %add3A_392 : i32 to index
        %swap3A_394 = tpu.vector_load %arg9[%swap3A_393] {strides = array<i32>} : memref<8192xf32, #tpu.memory_space<vmem>>, vector<16xf32>,
        tpu.vector_store %arg9[%swap3A_393], %add3A_390 {strides = array<i32>} : memref<8192xf32, #tpu.memory_space<vmem>>, vector<16xf32>,
        %mul3A_395 = arith.constant 128 : i32
        %mul3A_396 = arith.muli %scan3A_270, %mul3A_395 : i32
        %add3A_397 = arith.constant 96 : i32
        %add3A_398 = arith.addi %mul3A_396, %add3A_397 : i32
        %add3A_399 = arith.addf %gather3A_340, %gather3A : vector<16xf32>
        %add3A_400 = arith.constant 0 : i32
        %add3A_401 = arith.addi %add3A_400, %add3A_398 : i32
        %swap3A_402 = arith.index_cast %add3A_401 : i32 to index
        %swap3A_403 = tpu.vector_load %arg9[%swap3A_402] {strides = array<i32>} : memref<8192xf32, #tpu.memory_space<vmem>>, vector<16xf32>,
        tpu.vector_store %arg9[%swap3A_402], %add3A_399 {strides = array<i32>} : memref<8192xf32, #tpu.memory_space<vmem>>, vector<16xf32>,
        %mul3A_404 = arith.constant 128 : i32
        %mul3A_405 = arith.muli %scan3A_270, %mul3A_404 : i32
        %add3A_406 = arith.constant 112 : i32
        %add3A_407 = arith.addi %mul3A_405, %add3A_406 : i32
        %add3A_408 = arith.addf %gather3A_341, %gather3A : vector<16xf32>
        %add3A_409 = arith.constant 0 : i32
        %add3A_410 = arith.addi %add3A_409, %add3A_407 : i32
        %swap3A_411 = arith.index_cast %add3A_410 : i32 to index
        %swap3A_412 = tpu.vector_load %arg9[%swap3A_411] {strides = array<i32>} : memref<8192xf32, #tpu.memory_space<vmem>>, vector<16xf32>,
        tpu.vector_store %arg9[%swap3A_411], %add3A_408 {strides = array<i32>} : memref<8192xf32, #tpu.memory_space<vmem>>, vector<16xf32>,
      }
      %scan3A_133 = arith.constant 16 : i32
      %add3A_134 = arith.constant 32 : i32
      %add3A_135 = arith.addi %add3A_134, %add3A_11 : i32
      %dma_start3A_136 = arith.constant 0 : i32
      %dma_start3A_137 = tpu.memref_slice %arg9[%dma_start3A_136] : memref<8192xf32, #tpu.memory_space<vmem>> -> memref<2048xf32, #tpu.memory_space<vmem>>
      %dma_start3A_138 = arith.constant 8192 : i32
      %dma_start3A_139 = tpu.memref_slice %arg6[%add3A_135, %dma_start3A_138] : memref<1280x16384xf32, #tpu.memory_space<hbm>> -> memref<1x2048xf32, #tpu.memory_space<hbm>>
      %dma_start3A_140 = tpu.memref_squeeze %dma_start3A_139 : memref<1x2048xf32, #tpu.memory_space<hbm>> -> memref<2048xf32, #tpu.memory_space<hbm>>
      %dma_start3A_141 = arith.constant 8192 : i32
      %dma_start3A_142 = tpu.memref_slice %arg6[%add3A_135, %dma_start3A_141] : memref<1280x16384xf32, #tpu.memory_space<hbm>> -> memref<1x2048xf32, #tpu.memory_space<hbm>>
      %dma_start3A_143 = tpu.memref_squeeze %dma_start3A_142 : memref<1x2048xf32, #tpu.memory_space<hbm>> -> memref<2048xf32, #tpu.memory_space<hbm>>
      %dma_start3A_144 = arith.constant 0 : i32
      %dma_start3A_145 = tpu.memref_slice %arg9[%dma_start3A_144] : memref<8192xf32, #tpu.memory_space<vmem>> -> memref<2048xf32, #tpu.memory_space<vmem>>
      tpu.enqueue_dma source(%dma_start3A_145 : memref<2048xf32, #tpu.memory_space<vmem>>) target(%dma_start3A_143 : memref<2048xf32, #tpu.memory_space<hbm>>) target_semaphore(%arg12 : memref<!tpu.dma_semaphore, #tpu.memory_space<semaphore_mem>>)
      %dma_wait3A_146 = arith.constant 2048 : i32
      %dma_wait3A_147 = tpu.memref_slice %arg9[%dma_wait3A_146] : memref<8192xf32, #tpu.memory_space<vmem>> -> memref<2048xf32, #tpu.memory_space<vmem>>
      %dma_wait3A_148 = arith.constant 2048 : i32
      %dma_wait3A_149 = tpu.memref_slice %arg6[%add3A_71, %dma_wait3A_148] : memref<1280x16384xf32, #tpu.memory_space<hbm>> -> memref<1x2048xf32, #tpu.memory_space<hbm>>
      %dma_wait3A_150 = tpu.memref_squeeze %dma_wait3A_149 : memref<1x2048xf32, #tpu.memory_space<hbm>> -> memref<2048xf32, #tpu.memory_space<hbm>>
      %dma_wait3A_151 = arith.constant 2048 : i32
      %dma_wait3A_152 = tpu.memref_slice %arg6[%add3A_71, %dma_wait3A_151] : memref<1280x16384xf32, #tpu.memory_space<hbm>> -> memref<1x2048xf32, #tpu.memory_space<hbm>>
      %dma_wait3A_153 = tpu.memref_squeeze %dma_wait3A_152 : memref<1x2048xf32, #tpu.memory_space<hbm>> -> memref<2048xf32, #tpu.memory_space<hbm>>
      %dma_wait3A_154 = arith.constant 2048 : i32
      %dma_wait3A_155 = tpu.memref_slice %arg9[%dma_wait3A_154] : memref<8192xf32, #tpu.memory_space<vmem>> -> memref<2048xf32, #tpu.memory_space<vmem>>
      tpu.wait_dma2 semaphore(%arg12 : memref<!tpu.dma_semaphore, #tpu.memory_space<semaphore_mem>>) src(%dma_wait3A_155 : memref<2048xf32, #tpu.memory_space<vmem>>) dst(%dma_wait3A_153 : memref<2048xf32, #tpu.memory_space<hbm>>)
      %scan3A_156 = arith.constant 0 : i32
      %scan3A_157 = arith.constant 0 : i32
      %scan3A_158 = arith.constant 16 : i32
      %scan3A_159 = arith.addi %scan3A_157, %scan3A_158 : i32
      %scan3A_160 = arith.constant 1 : i32
      scf.for %scan3A_270 = %scan3A_157 to %scan3A_159 step %scan3A_160  : i32 {
        %mul3A_271 = arith.constant 128 : i32
        %mul3A_272 = arith.muli %scan3A_270, %mul3A_271 : i32
        %add3A_273 = arith.constant 0 : i32
        %add3A_274 = arith.addi %mul3A_272, %add3A_273 : i32
        %add3A_275 = arith.constant 10240 : i32
        %add3A_276 = arith.addi %add3A_275, %add3A_274 : i32
        %get3A = arith.index_cast %add3A_276 : i32 to index
        %get3A_277 = tpu.vector_load %arg8[%get3A] {strides = array<i32>} : memref<16384xi32, #tpu.memory_space<vmem>>, vector<16xi32>,
        %mul3A_278 = arith.constant 128 : i32
        %mul3A_279 = arith.muli %scan3A_270, %mul3A_278 : i32
        %add3A_280 = arith.constant 16 : i32
        %add3A_281 = arith.addi %mul3A_279, %add3A_280 : i32
        %add3A_282 = arith.constant 10240 : i32
        %add3A_283 = arith.addi %add3A_282, %add3A_281 : i32
        %get3A_284 = arith.index_cast %add3A_283 : i32 to index
        %get3A_285 = tpu.vector_load %arg8[%get3A_284] {strides = array<i32>} : memref<16384xi32, #tpu.memory_space<vmem>>, vector<16xi32>,
        %mul3A_286 = arith.constant 128 : i32
        %mul3A_287 = arith.muli %scan3A_270, %mul3A_286 : i32
        %add3A_288 = arith.constant 32 : i32
        %add3A_289 = arith.addi %mul3A_287, %add3A_288 : i32
        %add3A_290 = arith.constant 10240 : i32
        %add3A_291 = arith.addi %add3A_290, %add3A_289 : i32
        %get3A_292 = arith.index_cast %add3A_291 : i32 to index
        %get3A_293 = tpu.vector_load %arg8[%get3A_292] {strides = array<i32>} : memref<16384xi32, #tpu.memory_space<vmem>>, vector<16xi32>,
        %mul3A_294 = arith.constant 128 : i32
        %mul3A_295 = arith.muli %scan3A_270, %mul3A_294 : i32
        %add3A_296 = arith.constant 48 : i32
        %add3A_297 = arith.addi %mul3A_295, %add3A_296 : i32
        %add3A_298 = arith.constant 10240 : i32
        %add3A_299 = arith.addi %add3A_298, %add3A_297 : i32
        %get3A_300 = arith.index_cast %add3A_299 : i32 to index
        %get3A_301 = tpu.vector_load %arg8[%get3A_300] {strides = array<i32>} : memref<16384xi32, #tpu.memory_space<vmem>>, vector<16xi32>,
        %mul3A_302 = arith.constant 128 : i32
        %mul3A_303 = arith.muli %scan3A_270, %mul3A_302 : i32
        %add3A_304 = arith.constant 64 : i32
        %add3A_305 = arith.addi %mul3A_303, %add3A_304 : i32
        %add3A_306 = arith.constant 10240 : i32
        %add3A_307 = arith.addi %add3A_306, %add3A_305 : i32
        %get3A_308 = arith.index_cast %add3A_307 : i32 to index
        %get3A_309 = tpu.vector_load %arg8[%get3A_308] {strides = array<i32>} : memref<16384xi32, #tpu.memory_space<vmem>>, vector<16xi32>,
        %mul3A_310 = arith.constant 128 : i32
        %mul3A_311 = arith.muli %scan3A_270, %mul3A_310 : i32
        %add3A_312 = arith.constant 80 : i32
        %add3A_313 = arith.addi %mul3A_311, %add3A_312 : i32
        %add3A_314 = arith.constant 10240 : i32
        %add3A_315 = arith.addi %add3A_314, %add3A_313 : i32
        %get3A_316 = arith.index_cast %add3A_315 : i32 to index
        %get3A_317 = tpu.vector_load %arg8[%get3A_316] {strides = array<i32>} : memref<16384xi32, #tpu.memory_space<vmem>>, vector<16xi32>,
        %mul3A_318 = arith.constant 128 : i32
        %mul3A_319 = arith.muli %scan3A_270, %mul3A_318 : i32
        %add3A_320 = arith.constant 96 : i32
        %add3A_321 = arith.addi %mul3A_319, %add3A_320 : i32
        %add3A_322 = arith.constant 10240 : i32
        %add3A_323 = arith.addi %add3A_322, %add3A_321 : i32
        %get3A_324 = arith.index_cast %add3A_323 : i32 to index
        %get3A_325 = tpu.vector_load %arg8[%get3A_324] {strides = array<i32>} : memref<16384xi32, #tpu.memory_space<vmem>>, vector<16xi32>,
        %mul3A_326 = arith.constant 128 : i32
        %mul3A_327 = arith.muli %scan3A_270, %mul3A_326 : i32
        %add3A_328 = arith.constant 112 : i32
        %add3A_329 = arith.addi %mul3A_327, %add3A_328 : i32
        %add3A_330 = arith.constant 10240 : i32
        %add3A_331 = arith.addi %add3A_330, %add3A_329 : i32
        %get3A_332 = arith.index_cast %add3A_331 : i32 to index
        %get3A_333 = tpu.vector_load %arg8[%get3A_332] {strides = array<i32>} : memref<16384xi32, #tpu.memory_space<vmem>>, vector<16xi32>,
        %gather3A_334 = tpu.vector_load_idx %arg7[%get3A_277] : memref<100000xf32, #tpu.memory_space<vmem>>[vector<16xi32>], vector<16xf32>,
        %gather3A_335 = tpu.vector_load_idx %arg7[%get3A_285] : memref<100000xf32, #tpu.memory_space<vmem>>[vector<16xi32>], vector<16xf32>,
        %gather3A_336 = tpu.vector_load_idx %arg7[%get3A_293] : memref<100000xf32, #tpu.memory_space<vmem>>[vector<16xi32>], vector<16xf32>,
        %gather3A_337 = tpu.vector_load_idx %arg7[%get3A_301] : memref<100000xf32, #tpu.memory_space<vmem>>[vector<16xi32>], vector<16xf32>,
        %gather3A_338 = tpu.vector_load_idx %arg7[%get3A_309] : memref<100000xf32, #tpu.memory_space<vmem>>[vector<16xi32>], vector<16xf32>,
        %gather3A_339 = tpu.vector_load_idx %arg7[%get3A_317] : memref<100000xf32, #tpu.memory_space<vmem>>[vector<16xi32>], vector<16xf32>,
        %gather3A_340 = tpu.vector_load_idx %arg7[%get3A_325] : memref<100000xf32, #tpu.memory_space<vmem>>[vector<16xi32>], vector<16xf32>,
        %gather3A_341 = tpu.vector_load_idx %arg7[%get3A_333] : memref<100000xf32, #tpu.memory_space<vmem>>[vector<16xi32>], vector<16xf32>,
        %mul3A_342 = arith.constant 128 : i32
        %mul3A_343 = arith.muli %scan3A_270, %mul3A_342 : i32
        %add3A_344 = arith.constant 0 : i32
        %add3A_345 = arith.addi %mul3A_343, %add3A_344 : i32
        %add3A_346 = arith.addf %gather3A_334, %gather3A : vector<16xf32>
        %add3A_347 = arith.constant 2048 : i32
        %add3A_348 = arith.addi %add3A_347, %add3A_345 : i32
        %swap3A = arith.index_cast %add3A_348 : i32 to index
        %swap3A_349 = tpu.vector_load %arg9[%swap3A] {strides = array<i32>} : memref<8192xf32, #tpu.memory_space<vmem>>, vector<16xf32>,
        tpu.vector_store %arg9[%swap3A], %add3A_346 {strides = array<i32>} : memref<8192xf32, #tpu.memory_space<vmem>>, vector<16xf32>,
        %mul3A_350 = arith.constant 128 : i32
        %mul3A_351 = arith.muli %scan3A_270, %mul3A_350 : i32
        %add3A_352 = arith.constant 16 : i32
        %add3A_353 = arith.addi %mul3A_351, %add3A_352 : i32
        %add3A_354 = arith.addf %gather3A_335, %gather3A : vector<16xf32>
        %add3A_355 = arith.constant 2048 : i32
        %add3A_356 = arith.addi %add3A_355, %add3A_353 : i32
        %swap3A_357 = arith.index_cast %add3A_356 : i32 to index
        %swap3A_358 = tpu.vector_load %arg9[%swap3A_357] {strides = array<i32>} : memref<8192xf32, #tpu.memory_space<vmem>>, vector<16xf32>,
        tpu.vector_store %arg9[%swap3A_357], %add3A_354 {strides = array<i32>} : memref<8192xf32, #tpu.memory_space<vmem>>, vector<16xf32>,
        %mul3A_359 = arith.constant 128 : i32
        %mul3A_360 = arith.muli %scan3A_270, %mul3A_359 : i32
        %add3A_361 = arith.constant 32 : i32
        %add3A_362 = arith.addi %mul3A_360, %add3A_361 : i32
        %add3A_363 = arith.addf %gather3A_336, %gather3A : vector<16xf32>
        %add3A_364 = arith.constant 2048 : i32
        %add3A_365 = arith.addi %add3A_364, %add3A_362 : i32
        %swap3A_366 = arith.index_cast %add3A_365 : i32 to index
        %swap3A_367 = tpu.vector_load %arg9[%swap3A_366] {strides = array<i32>} : memref<8192xf32, #tpu.memory_space<vmem>>, vector<16xf32>,
        tpu.vector_store %arg9[%swap3A_366], %add3A_363 {strides = array<i32>} : memref<8192xf32, #tpu.memory_space<vmem>>, vector<16xf32>,
        %mul3A_368 = arith.constant 128 : i32
        %mul3A_369 = arith.muli %scan3A_270, %mul3A_368 : i32
        %add3A_370 = arith.constant 48 : i32
        %add3A_371 = arith.addi %mul3A_369, %add3A_370 : i32
        %add3A_372 = arith.addf %gather3A_337, %gather3A : vector<16xf32>
        %add3A_373 = arith.constant 2048 : i32
        %add3A_374 = arith.addi %add3A_373, %add3A_371 : i32
        %swap3A_375 = arith.index_cast %add3A_374 : i32 to index
        %swap3A_376 = tpu.vector_load %arg9[%swap3A_375] {strides = array<i32>} : memref<8192xf32, #tpu.memory_space<vmem>>, vector<16xf32>,
        tpu.vector_store %arg9[%swap3A_375], %add3A_372 {strides = array<i32>} : memref<8192xf32, #tpu.memory_space<vmem>>, vector<16xf32>,
        %mul3A_377 = arith.constant 128 : i32
        %mul3A_378 = arith.muli %scan3A_270, %mul3A_377 : i32
        %add3A_379 = arith.constant 64 : i32
        %add3A_380 = arith.addi %mul3A_378, %add3A_379 : i32
        %add3A_381 = arith.addf %gather3A_338, %gather3A : vector<16xf32>
        %add3A_382 = arith.constant 2048 : i32
        %add3A_383 = arith.addi %add3A_382, %add3A_380 : i32
        %swap3A_384 = arith.index_cast %add3A_383 : i32 to index
        %swap3A_385 = tpu.vector_load %arg9[%swap3A_384] {strides = array<i32>} : memref<8192xf32, #tpu.memory_space<vmem>>, vector<16xf32>,
        tpu.vector_store %arg9[%swap3A_384], %add3A_381 {strides = array<i32>} : memref<8192xf32, #tpu.memory_space<vmem>>, vector<16xf32>,
        %mul3A_386 = arith.constant 128 : i32
        %mul3A_387 = arith.muli %scan3A_270, %mul3A_386 : i32
        %add3A_388 = arith.constant 80 : i32
        %add3A_389 = arith.addi %mul3A_387, %add3A_388 : i32
        %add3A_390 = arith.addf %gather3A_339, %gather3A : vector<16xf32>
        %add3A_391 = arith.constant 2048 : i32
        %add3A_392 = arith.addi %add3A_391, %add3A_389 : i32
        %swap3A_393 = arith.index_cast %add3A_392 : i32 to index
        %swap3A_394 = tpu.vector_load %arg9[%swap3A_393] {strides = array<i32>} : memref<8192xf32, #tpu.memory_space<vmem>>, vector<16xf32>,
        tpu.vector_store %arg9[%swap3A_393], %add3A_390 {strides = array<i32>} : memref<8192xf32, #tpu.memory_space<vmem>>, vector<16xf32>,
        %mul3A_395 = arith.constant 128 : i32
        %mul3A_396 = arith.muli %scan3A_270, %mul3A_395 : i32
        %add3A_397 = arith.constant 96 : i32
        %add3A_398 = arith.addi %mul3A_396, %add3A_397 : i32
        %add3A_399 = arith.addf %gather3A_340, %gather3A : vector<16xf32>
        %add3A_400 = arith.constant 2048 : i32
        %add3A_401 = arith.addi %add3A_400, %add3A_398 : i32
        %swap3A_402 = arith.index_cast %add3A_401 : i32 to index
        %swap3A_403 = tpu.vector_load %arg9[%swap3A_402] {strides = array<i32>} : memref<8192xf32, #tpu.memory_space<vmem>>, vector<16xf32>,
        tpu.vector_store %arg9[%swap3A_402], %add3A_399 {strides = array<i32>} : memref<8192xf32, #tpu.memory_space<vmem>>, vector<16xf32>,
        %mul3A_404 = arith.constant 128 : i32
        %mul3A_405 = arith.muli %scan3A_270, %mul3A_404 : i32
        %add3A_406 = arith.constant 112 : i32
        %add3A_407 = arith.addi %mul3A_405, %add3A_406 : i32
        %add3A_408 = arith.addf %gather3A_341, %gather3A : vector<16xf32>
        %add3A_409 = arith.constant 2048 : i32
        %add3A_410 = arith.addi %add3A_409, %add3A_407 : i32
        %swap3A_411 = arith.index_cast %add3A_410 : i32 to index
        %swap3A_412 = tpu.vector_load %arg9[%swap3A_411] {strides = array<i32>} : memref<8192xf32, #tpu.memory_space<vmem>>, vector<16xf32>,
        tpu.vector_store %arg9[%swap3A_411], %add3A_408 {strides = array<i32>} : memref<8192xf32, #tpu.memory_space<vmem>>, vector<16xf32>,
      }
      %scan3A_161 = arith.constant 16 : i32
      %add3A_162 = arith.constant 32 : i32
      %add3A_163 = arith.addi %add3A_162, %add3A_11 : i32
      %dma_start3A_164 = arith.constant 2048 : i32
      %dma_start3A_165 = tpu.memref_slice %arg9[%dma_start3A_164] : memref<8192xf32, #tpu.memory_space<vmem>> -> memref<2048xf32, #tpu.memory_space<vmem>>
      %dma_start3A_166 = arith.constant 10240 : i32
      %dma_start3A_167 = tpu.memref_slice %arg6[%add3A_163, %dma_start3A_166] : memref<1280x16384xf32, #tpu.memory_space<hbm>> -> memref<1x2048xf32, #tpu.memory_space<hbm>>
      %dma_start3A_168 = tpu.memref_squeeze %dma_start3A_167 : memref<1x2048xf32, #tpu.memory_space<hbm>> -> memref<2048xf32, #tpu.memory_space<hbm>>
      %dma_start3A_169 = arith.constant 10240 : i32
      %dma_start3A_170 = tpu.memref_slice %arg6[%add3A_163, %dma_start3A_169] : memref<1280x16384xf32, #tpu.memory_space<hbm>> -> memref<1x2048xf32, #tpu.memory_space<hbm>>
      %dma_start3A_171 = tpu.memref_squeeze %dma_start3A_170 : memref<1x2048xf32, #tpu.memory_space<hbm>> -> memref<2048xf32, #tpu.memory_space<hbm>>
      %dma_start3A_172 = arith.constant 2048 : i32
      %dma_start3A_173 = tpu.memref_slice %arg9[%dma_start3A_172] : memref<8192xf32, #tpu.memory_space<vmem>> -> memref<2048xf32, #tpu.memory_space<vmem>>
      tpu.enqueue_dma source(%dma_start3A_173 : memref<2048xf32, #tpu.memory_space<vmem>>) target(%dma_start3A_171 : memref<2048xf32, #tpu.memory_space<hbm>>) target_semaphore(%arg12 : memref<!tpu.dma_semaphore, #tpu.memory_space<semaphore_mem>>)
      %dma_wait3A_174 = arith.constant 4096 : i32
      %dma_wait3A_175 = tpu.memref_slice %arg9[%dma_wait3A_174] : memref<8192xf32, #tpu.memory_space<vmem>> -> memref<2048xf32, #tpu.memory_space<vmem>>
      %dma_wait3A_176 = arith.constant 4096 : i32
      %dma_wait3A_177 = tpu.memref_slice %arg6[%add3A_89, %dma_wait3A_176] : memref<1280x16384xf32, #tpu.memory_space<hbm>> -> memref<1x2048xf32, #tpu.memory_space<hbm>>
      %dma_wait3A_178 = tpu.memref_squeeze %dma_wait3A_177 : memref<1x2048xf32, #tpu.memory_space<hbm>> -> memref<2048xf32, #tpu.memory_space<hbm>>
      %dma_wait3A_179 = arith.constant 4096 : i32
      %dma_wait3A_180 = tpu.memref_slice %arg6[%add3A_89, %dma_wait3A_179] : memref<1280x16384xf32, #tpu.memory_space<hbm>> -> memref<1x2048xf32, #tpu.memory_space<hbm>>
      %dma_wait3A_181 = tpu.memref_squeeze %dma_wait3A_180 : memref<1x2048xf32, #tpu.memory_space<hbm>> -> memref<2048xf32, #tpu.memory_space<hbm>>
      %dma_wait3A_182 = arith.constant 4096 : i32
      %dma_wait3A_183 = tpu.memref_slice %arg9[%dma_wait3A_182] : memref<8192xf32, #tpu.memory_space<vmem>> -> memref<2048xf32, #tpu.memory_space<vmem>>
      tpu.wait_dma2 semaphore(%arg12 : memref<!tpu.dma_semaphore, #tpu.memory_space<semaphore_mem>>) src(%dma_wait3A_183 : memref<2048xf32, #tpu.memory_space<vmem>>) dst(%dma_wait3A_181 : memref<2048xf32, #tpu.memory_space<hbm>>)
      %scan3A_184 = arith.constant 0 : i32
      %scan3A_185 = arith.constant 0 : i32
      %scan3A_186 = arith.constant 16 : i32
      %scan3A_187 = arith.addi %scan3A_185, %scan3A_186 : i32
      %scan3A_188 = arith.constant 1 : i32
      scf.for %scan3A_270 = %scan3A_185 to %scan3A_187 step %scan3A_188  : i32 {
        %mul3A_271 = arith.constant 128 : i32
        %mul3A_272 = arith.muli %scan3A_270, %mul3A_271 : i32
        %add3A_273 = arith.constant 0 : i32
        %add3A_274 = arith.addi %mul3A_272, %add3A_273 : i32
        %add3A_275 = arith.constant 12288 : i32
        %add3A_276 = arith.addi %add3A_275, %add3A_274 : i32
        %get3A = arith.index_cast %add3A_276 : i32 to index
        %get3A_277 = tpu.vector_load %arg8[%get3A] {strides = array<i32>} : memref<16384xi32, #tpu.memory_space<vmem>>, vector<16xi32>,
        %mul3A_278 = arith.constant 128 : i32
        %mul3A_279 = arith.muli %scan3A_270, %mul3A_278 : i32
        %add3A_280 = arith.constant 16 : i32
        %add3A_281 = arith.addi %mul3A_279, %add3A_280 : i32
        %add3A_282 = arith.constant 12288 : i32
        %add3A_283 = arith.addi %add3A_282, %add3A_281 : i32
        %get3A_284 = arith.index_cast %add3A_283 : i32 to index
        %get3A_285 = tpu.vector_load %arg8[%get3A_284] {strides = array<i32>} : memref<16384xi32, #tpu.memory_space<vmem>>, vector<16xi32>,
        %mul3A_286 = arith.constant 128 : i32
        %mul3A_287 = arith.muli %scan3A_270, %mul3A_286 : i32
        %add3A_288 = arith.constant 32 : i32
        %add3A_289 = arith.addi %mul3A_287, %add3A_288 : i32
        %add3A_290 = arith.constant 12288 : i32
        %add3A_291 = arith.addi %add3A_290, %add3A_289 : i32
        %get3A_292 = arith.index_cast %add3A_291 : i32 to index
        %get3A_293 = tpu.vector_load %arg8[%get3A_292] {strides = array<i32>} : memref<16384xi32, #tpu.memory_space<vmem>>, vector<16xi32>,
        %mul3A_294 = arith.constant 128 : i32
        %mul3A_295 = arith.muli %scan3A_270, %mul3A_294 : i32
        %add3A_296 = arith.constant 48 : i32
        %add3A_297 = arith.addi %mul3A_295, %add3A_296 : i32
        %add3A_298 = arith.constant 12288 : i32
        %add3A_299 = arith.addi %add3A_298, %add3A_297 : i32
        %get3A_300 = arith.index_cast %add3A_299 : i32 to index
        %get3A_301 = tpu.vector_load %arg8[%get3A_300] {strides = array<i32>} : memref<16384xi32, #tpu.memory_space<vmem>>, vector<16xi32>,
        %mul3A_302 = arith.constant 128 : i32
        %mul3A_303 = arith.muli %scan3A_270, %mul3A_302 : i32
        %add3A_304 = arith.constant 64 : i32
        %add3A_305 = arith.addi %mul3A_303, %add3A_304 : i32
        %add3A_306 = arith.constant 12288 : i32
        %add3A_307 = arith.addi %add3A_306, %add3A_305 : i32
        %get3A_308 = arith.index_cast %add3A_307 : i32 to index
        %get3A_309 = tpu.vector_load %arg8[%get3A_308] {strides = array<i32>} : memref<16384xi32, #tpu.memory_space<vmem>>, vector<16xi32>,
        %mul3A_310 = arith.constant 128 : i32
        %mul3A_311 = arith.muli %scan3A_270, %mul3A_310 : i32
        %add3A_312 = arith.constant 80 : i32
        %add3A_313 = arith.addi %mul3A_311, %add3A_312 : i32
        %add3A_314 = arith.constant 12288 : i32
        %add3A_315 = arith.addi %add3A_314, %add3A_313 : i32
        %get3A_316 = arith.index_cast %add3A_315 : i32 to index
        %get3A_317 = tpu.vector_load %arg8[%get3A_316] {strides = array<i32>} : memref<16384xi32, #tpu.memory_space<vmem>>, vector<16xi32>,
        %mul3A_318 = arith.constant 128 : i32
        %mul3A_319 = arith.muli %scan3A_270, %mul3A_318 : i32
        %add3A_320 = arith.constant 96 : i32
        %add3A_321 = arith.addi %mul3A_319, %add3A_320 : i32
        %add3A_322 = arith.constant 12288 : i32
        %add3A_323 = arith.addi %add3A_322, %add3A_321 : i32
        %get3A_324 = arith.index_cast %add3A_323 : i32 to index
        %get3A_325 = tpu.vector_load %arg8[%get3A_324] {strides = array<i32>} : memref<16384xi32, #tpu.memory_space<vmem>>, vector<16xi32>,
        %mul3A_326 = arith.constant 128 : i32
        %mul3A_327 = arith.muli %scan3A_270, %mul3A_326 : i32
        %add3A_328 = arith.constant 112 : i32
        %add3A_329 = arith.addi %mul3A_327, %add3A_328 : i32
        %add3A_330 = arith.constant 12288 : i32
        %add3A_331 = arith.addi %add3A_330, %add3A_329 : i32
        %get3A_332 = arith.index_cast %add3A_331 : i32 to index
        %get3A_333 = tpu.vector_load %arg8[%get3A_332] {strides = array<i32>} : memref<16384xi32, #tpu.memory_space<vmem>>, vector<16xi32>,
        %gather3A_334 = tpu.vector_load_idx %arg7[%get3A_277] : memref<100000xf32, #tpu.memory_space<vmem>>[vector<16xi32>], vector<16xf32>,
        %gather3A_335 = tpu.vector_load_idx %arg7[%get3A_285] : memref<100000xf32, #tpu.memory_space<vmem>>[vector<16xi32>], vector<16xf32>,
        %gather3A_336 = tpu.vector_load_idx %arg7[%get3A_293] : memref<100000xf32, #tpu.memory_space<vmem>>[vector<16xi32>], vector<16xf32>,
        %gather3A_337 = tpu.vector_load_idx %arg7[%get3A_301] : memref<100000xf32, #tpu.memory_space<vmem>>[vector<16xi32>], vector<16xf32>,
        %gather3A_338 = tpu.vector_load_idx %arg7[%get3A_309] : memref<100000xf32, #tpu.memory_space<vmem>>[vector<16xi32>], vector<16xf32>,
        %gather3A_339 = tpu.vector_load_idx %arg7[%get3A_317] : memref<100000xf32, #tpu.memory_space<vmem>>[vector<16xi32>], vector<16xf32>,
        %gather3A_340 = tpu.vector_load_idx %arg7[%get3A_325] : memref<100000xf32, #tpu.memory_space<vmem>>[vector<16xi32>], vector<16xf32>,
        %gather3A_341 = tpu.vector_load_idx %arg7[%get3A_333] : memref<100000xf32, #tpu.memory_space<vmem>>[vector<16xi32>], vector<16xf32>,
        %mul3A_342 = arith.constant 128 : i32
        %mul3A_343 = arith.muli %scan3A_270, %mul3A_342 : i32
        %add3A_344 = arith.constant 0 : i32
        %add3A_345 = arith.addi %mul3A_343, %add3A_344 : i32
        %add3A_346 = arith.addf %gather3A_334, %gather3A : vector<16xf32>
        %add3A_347 = arith.constant 4096 : i32
        %add3A_348 = arith.addi %add3A_347, %add3A_345 : i32
        %swap3A = arith.index_cast %add3A_348 : i32 to index
        %swap3A_349 = tpu.vector_load %arg9[%swap3A] {strides = array<i32>} : memref<8192xf32, #tpu.memory_space<vmem>>, vector<16xf32>,
        tpu.vector_store %arg9[%swap3A], %add3A_346 {strides = array<i32>} : memref<8192xf32, #tpu.memory_space<vmem>>, vector<16xf32>,
        %mul3A_350 = arith.constant 128 : i32
        %mul3A_351 = arith.muli %scan3A_270, %mul3A_350 : i32
        %add3A_352 = arith.constant 16 : i32
        %add3A_353 = arith.addi %mul3A_351, %add3A_352 : i32
        %add3A_354 = arith.addf %gather3A_335, %gather3A : vector<16xf32>
        %add3A_355 = arith.constant 4096 : i32
        %add3A_356 = arith.addi %add3A_355, %add3A_353 : i32
        %swap3A_357 = arith.index_cast %add3A_356 : i32 to index
        %swap3A_358 = tpu.vector_load %arg9[%swap3A_357] {strides = array<i32>} : memref<8192xf32, #tpu.memory_space<vmem>>, vector<16xf32>,
        tpu.vector_store %arg9[%swap3A_357], %add3A_354 {strides = array<i32>} : memref<8192xf32, #tpu.memory_space<vmem>>, vector<16xf32>,
        %mul3A_359 = arith.constant 128 : i32
        %mul3A_360 = arith.muli %scan3A_270, %mul3A_359 : i32
        %add3A_361 = arith.constant 32 : i32
        %add3A_362 = arith.addi %mul3A_360, %add3A_361 : i32
        %add3A_363 = arith.addf %gather3A_336, %gather3A : vector<16xf32>
        %add3A_364 = arith.constant 4096 : i32
        %add3A_365 = arith.addi %add3A_364, %add3A_362 : i32
        %swap3A_366 = arith.index_cast %add3A_365 : i32 to index
        %swap3A_367 = tpu.vector_load %arg9[%swap3A_366] {strides = array<i32>} : memref<8192xf32, #tpu.memory_space<vmem>>, vector<16xf32>,
        tpu.vector_store %arg9[%swap3A_366], %add3A_363 {strides = array<i32>} : memref<8192xf32, #tpu.memory_space<vmem>>, vector<16xf32>,
        %mul3A_368 = arith.constant 128 : i32
        %mul3A_369 = arith.muli %scan3A_270, %mul3A_368 : i32
        %add3A_370 = arith.constant 48 : i32
        %add3A_371 = arith.addi %mul3A_369, %add3A_370 : i32
        %add3A_372 = arith.addf %gather3A_337, %gather3A : vector<16xf32>
        %add3A_373 = arith.constant 4096 : i32
        %add3A_374 = arith.addi %add3A_373, %add3A_371 : i32
        %swap3A_375 = arith.index_cast %add3A_374 : i32 to index
        %swap3A_376 = tpu.vector_load %arg9[%swap3A_375] {strides = array<i32>} : memref<8192xf32, #tpu.memory_space<vmem>>, vector<16xf32>,
        tpu.vector_store %arg9[%swap3A_375], %add3A_372 {strides = array<i32>} : memref<8192xf32, #tpu.memory_space<vmem>>, vector<16xf32>,
        %mul3A_377 = arith.constant 128 : i32
        %mul3A_378 = arith.muli %scan3A_270, %mul3A_377 : i32
        %add3A_379 = arith.constant 64 : i32
        %add3A_380 = arith.addi %mul3A_378, %add3A_379 : i32
        %add3A_381 = arith.addf %gather3A_338, %gather3A : vector<16xf32>
        %add3A_382 = arith.constant 4096 : i32
        %add3A_383 = arith.addi %add3A_382, %add3A_380 : i32
        %swap3A_384 = arith.index_cast %add3A_383 : i32 to index
        %swap3A_385 = tpu.vector_load %arg9[%swap3A_384] {strides = array<i32>} : memref<8192xf32, #tpu.memory_space<vmem>>, vector<16xf32>,
        tpu.vector_store %arg9[%swap3A_384], %add3A_381 {strides = array<i32>} : memref<8192xf32, #tpu.memory_space<vmem>>, vector<16xf32>,
        %mul3A_386 = arith.constant 128 : i32
        %mul3A_387 = arith.muli %scan3A_270, %mul3A_386 : i32
        %add3A_388 = arith.constant 80 : i32
        %add3A_389 = arith.addi %mul3A_387, %add3A_388 : i32
        %add3A_390 = arith.addf %gather3A_339, %gather3A : vector<16xf32>
        %add3A_391 = arith.constant 4096 : i32
        %add3A_392 = arith.addi %add3A_391, %add3A_389 : i32
        %swap3A_393 = arith.index_cast %add3A_392 : i32 to index
        %swap3A_394 = tpu.vector_load %arg9[%swap3A_393] {strides = array<i32>} : memref<8192xf32, #tpu.memory_space<vmem>>, vector<16xf32>,
        tpu.vector_store %arg9[%swap3A_393], %add3A_390 {strides = array<i32>} : memref<8192xf32, #tpu.memory_space<vmem>>, vector<16xf32>,
        %mul3A_395 = arith.constant 128 : i32
        %mul3A_396 = arith.muli %scan3A_270, %mul3A_395 : i32
        %add3A_397 = arith.constant 96 : i32
        %add3A_398 = arith.addi %mul3A_396, %add3A_397 : i32
        %add3A_399 = arith.addf %gather3A_340, %gather3A : vector<16xf32>
        %add3A_400 = arith.constant 4096 : i32
        %add3A_401 = arith.addi %add3A_400, %add3A_398 : i32
        %swap3A_402 = arith.index_cast %add3A_401 : i32 to index
        %swap3A_403 = tpu.vector_load %arg9[%swap3A_402] {strides = array<i32>} : memref<8192xf32, #tpu.memory_space<vmem>>, vector<16xf32>,
        tpu.vector_store %arg9[%swap3A_402], %add3A_399 {strides = array<i32>} : memref<8192xf32, #tpu.memory_space<vmem>>, vector<16xf32>,
        %mul3A_404 = arith.constant 128 : i32
        %mul3A_405 = arith.muli %scan3A_270, %mul3A_404 : i32
        %add3A_406 = arith.constant 112 : i32
        %add3A_407 = arith.addi %mul3A_405, %add3A_406 : i32
        %add3A_408 = arith.addf %gather3A_341, %gather3A : vector<16xf32>
        %add3A_409 = arith.constant 4096 : i32
        %add3A_410 = arith.addi %add3A_409, %add3A_407 : i32
        %swap3A_411 = arith.index_cast %add3A_410 : i32 to index
        %swap3A_412 = tpu.vector_load %arg9[%swap3A_411] {strides = array<i32>} : memref<8192xf32, #tpu.memory_space<vmem>>, vector<16xf32>,
        tpu.vector_store %arg9[%swap3A_411], %add3A_408 {strides = array<i32>} : memref<8192xf32, #tpu.memory_space<vmem>>, vector<16xf32>,
      }
      %scan3A_189 = arith.constant 16 : i32
      %add3A_190 = arith.constant 32 : i32
      %add3A_191 = arith.addi %add3A_190, %add3A_11 : i32
      %dma_start3A_192 = arith.constant 4096 : i32
      %dma_start3A_193 = tpu.memref_slice %arg9[%dma_start3A_192] : memref<8192xf32, #tpu.memory_space<vmem>> -> memref<2048xf32, #tpu.memory_space<vmem>>
      %dma_start3A_194 = arith.constant 12288 : i32
      %dma_start3A_195 = tpu.memref_slice %arg6[%add3A_191, %dma_start3A_194] : memref<1280x16384xf32, #tpu.memory_space<hbm>> -> memref<1x2048xf32, #tpu.memory_space<hbm>>
      %dma_start3A_196 = tpu.memref_squeeze %dma_start3A_195 : memref<1x2048xf32, #tpu.memory_space<hbm>> -> memref<2048xf32, #tpu.memory_space<hbm>>
      %dma_start3A_197 = arith.constant 12288 : i32
      %dma_start3A_198 = tpu.memref_slice %arg6[%add3A_191, %dma_start3A_197] : memref<1280x16384xf32, #tpu.memory_space<hbm>> -> memref<1x2048xf32, #tpu.memory_space<hbm>>
      %dma_start3A_199 = tpu.memref_squeeze %dma_start3A_198 : memref<1x2048xf32, #tpu.memory_space<hbm>> -> memref<2048xf32, #tpu.memory_space<hbm>>
      %dma_start3A_200 = arith.constant 4096 : i32
      %dma_start3A_201 = tpu.memref_slice %arg9[%dma_start3A_200] : memref<8192xf32, #tpu.memory_space<vmem>> -> memref<2048xf32, #tpu.memory_space<vmem>>
      tpu.enqueue_dma source(%dma_start3A_201 : memref<2048xf32, #tpu.memory_space<vmem>>) target(%dma_start3A_199 : memref<2048xf32, #tpu.memory_space<hbm>>) target_semaphore(%arg12 : memref<!tpu.dma_semaphore, #tpu.memory_space<semaphore_mem>>)
      %dma_wait3A_202 = arith.constant 6144 : i32
      %dma_wait3A_203 = tpu.memref_slice %arg9[%dma_wait3A_202] : memref<8192xf32, #tpu.memory_space<vmem>> -> memref<2048xf32, #tpu.memory_space<vmem>>
      %dma_wait3A_204 = arith.constant 6144 : i32
      %dma_wait3A_205 = tpu.memref_slice %arg6[%add3A_107, %dma_wait3A_204] : memref<1280x16384xf32, #tpu.memory_space<hbm>> -> memref<1x2048xf32, #tpu.memory_space<hbm>>
      %dma_wait3A_206 = tpu.memref_squeeze %dma_wait3A_205 : memref<1x2048xf32, #tpu.memory_space<hbm>> -> memref<2048xf32, #tpu.memory_space<hbm>>
      %dma_wait3A_207 = arith.constant 6144 : i32
      %dma_wait3A_208 = tpu.memref_slice %arg6[%add3A_107, %dma_wait3A_207] : memref<1280x16384xf32, #tpu.memory_space<hbm>> -> memref<1x2048xf32, #tpu.memory_space<hbm>>
      %dma_wait3A_209 = tpu.memref_squeeze %dma_wait3A_208 : memref<1x2048xf32, #tpu.memory_space<hbm>> -> memref<2048xf32, #tpu.memory_space<hbm>>
      %dma_wait3A_210 = arith.constant 6144 : i32
      %dma_wait3A_211 = tpu.memref_slice %arg9[%dma_wait3A_210] : memref<8192xf32, #tpu.memory_space<vmem>> -> memref<2048xf32, #tpu.memory_space<vmem>>
      tpu.wait_dma2 semaphore(%arg12 : memref<!tpu.dma_semaphore, #tpu.memory_space<semaphore_mem>>) src(%dma_wait3A_211 : memref<2048xf32, #tpu.memory_space<vmem>>) dst(%dma_wait3A_209 : memref<2048xf32, #tpu.memory_space<hbm>>)
      %scan3A_212 = arith.constant 0 : i32
      %scan3A_213 = arith.constant 0 : i32
      %scan3A_214 = arith.constant 16 : i32
      %scan3A_215 = arith.addi %scan3A_213, %scan3A_214 : i32
      %scan3A_216 = arith.constant 1 : i32
      scf.for %scan3A_270 = %scan3A_213 to %scan3A_215 step %scan3A_216  : i32 {
        %mul3A_271 = arith.constant 128 : i32
        %mul3A_272 = arith.muli %scan3A_270, %mul3A_271 : i32
        %add3A_273 = arith.constant 0 : i32
        %add3A_274 = arith.addi %mul3A_272, %add3A_273 : i32
        %add3A_275 = arith.constant 14336 : i32
        %add3A_276 = arith.addi %add3A_275, %add3A_274 : i32
        %get3A = arith.index_cast %add3A_276 : i32 to index
        %get3A_277 = tpu.vector_load %arg8[%get3A] {strides = array<i32>} : memref<16384xi32, #tpu.memory_space<vmem>>, vector<16xi32>,
        %mul3A_278 = arith.constant 128 : i32
        %mul3A_279 = arith.muli %scan3A_270, %mul3A_278 : i32
        %add3A_280 = arith.constant 16 : i32
        %add3A_281 = arith.addi %mul3A_279, %add3A_280 : i32
        %add3A_282 = arith.constant 14336 : i32
        %add3A_283 = arith.addi %add3A_282, %add3A_281 : i32
        %get3A_284 = arith.index_cast %add3A_283 : i32 to index
        %get3A_285 = tpu.vector_load %arg8[%get3A_284] {strides = array<i32>} : memref<16384xi32, #tpu.memory_space<vmem>>, vector<16xi32>,
        %mul3A_286 = arith.constant 128 : i32
        %mul3A_287 = arith.muli %scan3A_270, %mul3A_286 : i32
        %add3A_288 = arith.constant 32 : i32
        %add3A_289 = arith.addi %mul3A_287, %add3A_288 : i32
        %add3A_290 = arith.constant 14336 : i32
        %add3A_291 = arith.addi %add3A_290, %add3A_289 : i32
        %get3A_292 = arith.index_cast %add3A_291 : i32 to index
        %get3A_293 = tpu.vector_load %arg8[%get3A_292] {strides = array<i32>} : memref<16384xi32, #tpu.memory_space<vmem>>, vector<16xi32>,
        %mul3A_294 = arith.constant 128 : i32
        %mul3A_295 = arith.muli %scan3A_270, %mul3A_294 : i32
        %add3A_296 = arith.constant 48 : i32
        %add3A_297 = arith.addi %mul3A_295, %add3A_296 : i32
        %add3A_298 = arith.constant 14336 : i32
        %add3A_299 = arith.addi %add3A_298, %add3A_297 : i32
        %get3A_300 = arith.index_cast %add3A_299 : i32 to index
        %get3A_301 = tpu.vector_load %arg8[%get3A_300] {strides = array<i32>} : memref<16384xi32, #tpu.memory_space<vmem>>, vector<16xi32>,
        %mul3A_302 = arith.constant 128 : i32
        %mul3A_303 = arith.muli %scan3A_270, %mul3A_302 : i32
        %add3A_304 = arith.constant 64 : i32
        %add3A_305 = arith.addi %mul3A_303, %add3A_304 : i32
        %add3A_306 = arith.constant 14336 : i32
        %add3A_307 = arith.addi %add3A_306, %add3A_305 : i32
        %get3A_308 = arith.index_cast %add3A_307 : i32 to index
        %get3A_309 = tpu.vector_load %arg8[%get3A_308] {strides = array<i32>} : memref<16384xi32, #tpu.memory_space<vmem>>, vector<16xi32>,
        %mul3A_310 = arith.constant 128 : i32
        %mul3A_311 = arith.muli %scan3A_270, %mul3A_310 : i32
        %add3A_312 = arith.constant 80 : i32
        %add3A_313 = arith.addi %mul3A_311, %add3A_312 : i32
        %add3A_314 = arith.constant 14336 : i32
        %add3A_315 = arith.addi %add3A_314, %add3A_313 : i32
        %get3A_316 = arith.index_cast %add3A_315 : i32 to index
        %get3A_317 = tpu.vector_load %arg8[%get3A_316] {strides = array<i32>} : memref<16384xi32, #tpu.memory_space<vmem>>, vector<16xi32>,
        %mul3A_318 = arith.constant 128 : i32
        %mul3A_319 = arith.muli %scan3A_270, %mul3A_318 : i32
        %add3A_320 = arith.constant 96 : i32
        %add3A_321 = arith.addi %mul3A_319, %add3A_320 : i32
        %add3A_322 = arith.constant 14336 : i32
        %add3A_323 = arith.addi %add3A_322, %add3A_321 : i32
        %get3A_324 = arith.index_cast %add3A_323 : i32 to index
        %get3A_325 = tpu.vector_load %arg8[%get3A_324] {strides = array<i32>} : memref<16384xi32, #tpu.memory_space<vmem>>, vector<16xi32>,
        %mul3A_326 = arith.constant 128 : i32
        %mul3A_327 = arith.muli %scan3A_270, %mul3A_326 : i32
        %add3A_328 = arith.constant 112 : i32
        %add3A_329 = arith.addi %mul3A_327, %add3A_328 : i32
        %add3A_330 = arith.constant 14336 : i32
        %add3A_331 = arith.addi %add3A_330, %add3A_329 : i32
        %get3A_332 = arith.index_cast %add3A_331 : i32 to index
        %get3A_333 = tpu.vector_load %arg8[%get3A_332] {strides = array<i32>} : memref<16384xi32, #tpu.memory_space<vmem>>, vector<16xi32>,
        %gather3A_334 = tpu.vector_load_idx %arg7[%get3A_277] : memref<100000xf32, #tpu.memory_space<vmem>>[vector<16xi32>], vector<16xf32>,
        %gather3A_335 = tpu.vector_load_idx %arg7[%get3A_285] : memref<100000xf32, #tpu.memory_space<vmem>>[vector<16xi32>], vector<16xf32>,
        %gather3A_336 = tpu.vector_load_idx %arg7[%get3A_293] : memref<100000xf32, #tpu.memory_space<vmem>>[vector<16xi32>], vector<16xf32>,
        %gather3A_337 = tpu.vector_load_idx %arg7[%get3A_301] : memref<100000xf32, #tpu.memory_space<vmem>>[vector<16xi32>], vector<16xf32>,
        %gather3A_338 = tpu.vector_load_idx %arg7[%get3A_309] : memref<100000xf32, #tpu.memory_space<vmem>>[vector<16xi32>], vector<16xf32>,
        %gather3A_339 = tpu.vector_load_idx %arg7[%get3A_317] : memref<100000xf32, #tpu.memory_space<vmem>>[vector<16xi32>], vector<16xf32>,
        %gather3A_340 = tpu.vector_load_idx %arg7[%get3A_325] : memref<100000xf32, #tpu.memory_space<vmem>>[vector<16xi32>], vector<16xf32>,
        %gather3A_341 = tpu.vector_load_idx %arg7[%get3A_333] : memref<100000xf32, #tpu.memory_space<vmem>>[vector<16xi32>], vector<16xf32>,
        %mul3A_342 = arith.constant 128 : i32
        %mul3A_343 = arith.muli %scan3A_270, %mul3A_342 : i32
        %add3A_344 = arith.constant 0 : i32
        %add3A_345 = arith.addi %mul3A_343, %add3A_344 : i32
        %add3A_346 = arith.addf %gather3A_334, %gather3A : vector<16xf32>
        %add3A_347 = arith.constant 6144 : i32
        %add3A_348 = arith.addi %add3A_347, %add3A_345 : i32
        %swap3A = arith.index_cast %add3A_348 : i32 to index
        %swap3A_349 = tpu.vector_load %arg9[%swap3A] {strides = array<i32>} : memref<8192xf32, #tpu.memory_space<vmem>>, vector<16xf32>,
        tpu.vector_store %arg9[%swap3A], %add3A_346 {strides = array<i32>} : memref<8192xf32, #tpu.memory_space<vmem>>, vector<16xf32>,
        %mul3A_350 = arith.constant 128 : i32
        %mul3A_351 = arith.muli %scan3A_270, %mul3A_350 : i32
        %add3A_352 = arith.constant 16 : i32
        %add3A_353 = arith.addi %mul3A_351, %add3A_352 : i32
        %add3A_354 = arith.addf %gather3A_335, %gather3A : vector<16xf32>
        %add3A_355 = arith.constant 6144 : i32
        %add3A_356 = arith.addi %add3A_355, %add3A_353 : i32
        %swap3A_357 = arith.index_cast %add3A_356 : i32 to index
        %swap3A_358 = tpu.vector_load %arg9[%swap3A_357] {strides = array<i32>} : memref<8192xf32, #tpu.memory_space<vmem>>, vector<16xf32>,
        tpu.vector_store %arg9[%swap3A_357], %add3A_354 {strides = array<i32>} : memref<8192xf32, #tpu.memory_space<vmem>>, vector<16xf32>,
        %mul3A_359 = arith.constant 128 : i32
        %mul3A_360 = arith.muli %scan3A_270, %mul3A_359 : i32
        %add3A_361 = arith.constant 32 : i32
        %add3A_362 = arith.addi %mul3A_360, %add3A_361 : i32
        %add3A_363 = arith.addf %gather3A_336, %gather3A : vector<16xf32>
        %add3A_364 = arith.constant 6144 : i32
        %add3A_365 = arith.addi %add3A_364, %add3A_362 : i32
        %swap3A_366 = arith.index_cast %add3A_365 : i32 to index
        %swap3A_367 = tpu.vector_load %arg9[%swap3A_366] {strides = array<i32>} : memref<8192xf32, #tpu.memory_space<vmem>>, vector<16xf32>,
        tpu.vector_store %arg9[%swap3A_366], %add3A_363 {strides = array<i32>} : memref<8192xf32, #tpu.memory_space<vmem>>, vector<16xf32>,
        %mul3A_368 = arith.constant 128 : i32
        %mul3A_369 = arith.muli %scan3A_270, %mul3A_368 : i32
        %add3A_370 = arith.constant 48 : i32
        %add3A_371 = arith.addi %mul3A_369, %add3A_370 : i32
        %add3A_372 = arith.addf %gather3A_337, %gather3A : vector<16xf32>
        %add3A_373 = arith.constant 6144 : i32
        %add3A_374 = arith.addi %add3A_373, %add3A_371 : i32
        %swap3A_375 = arith.index_cast %add3A_374 : i32 to index
        %swap3A_376 = tpu.vector_load %arg9[%swap3A_375] {strides = array<i32>} : memref<8192xf32, #tpu.memory_space<vmem>>, vector<16xf32>,
        tpu.vector_store %arg9[%swap3A_375], %add3A_372 {strides = array<i32>} : memref<8192xf32, #tpu.memory_space<vmem>>, vector<16xf32>,
        %mul3A_377 = arith.constant 128 : i32
        %mul3A_378 = arith.muli %scan3A_270, %mul3A_377 : i32
        %add3A_379 = arith.constant 64 : i32
        %add3A_380 = arith.addi %mul3A_378, %add3A_379 : i32
        %add3A_381 = arith.addf %gather3A_338, %gather3A : vector<16xf32>
        %add3A_382 = arith.constant 6144 : i32
        %add3A_383 = arith.addi %add3A_382, %add3A_380 : i32
        %swap3A_384 = arith.index_cast %add3A_383 : i32 to index
        %swap3A_385 = tpu.vector_load %arg9[%swap3A_384] {strides = array<i32>} : memref<8192xf32, #tpu.memory_space<vmem>>, vector<16xf32>,
        tpu.vector_store %arg9[%swap3A_384], %add3A_381 {strides = array<i32>} : memref<8192xf32, #tpu.memory_space<vmem>>, vector<16xf32>,
        %mul3A_386 = arith.constant 128 : i32
        %mul3A_387 = arith.muli %scan3A_270, %mul3A_386 : i32
        %add3A_388 = arith.constant 80 : i32
        %add3A_389 = arith.addi %mul3A_387, %add3A_388 : i32
        %add3A_390 = arith.addf %gather3A_339, %gather3A : vector<16xf32>
        %add3A_391 = arith.constant 6144 : i32
        %add3A_392 = arith.addi %add3A_391, %add3A_389 : i32
        %swap3A_393 = arith.index_cast %add3A_392 : i32 to index
        %swap3A_394 = tpu.vector_load %arg9[%swap3A_393] {strides = array<i32>} : memref<8192xf32, #tpu.memory_space<vmem>>, vector<16xf32>,
        tpu.vector_store %arg9[%swap3A_393], %add3A_390 {strides = array<i32>} : memref<8192xf32, #tpu.memory_space<vmem>>, vector<16xf32>,
        %mul3A_395 = arith.constant 128 : i32
        %mul3A_396 = arith.muli %scan3A_270, %mul3A_395 : i32
        %add3A_397 = arith.constant 96 : i32
        %add3A_398 = arith.addi %mul3A_396, %add3A_397 : i32
        %add3A_399 = arith.addf %gather3A_340, %gather3A : vector<16xf32>
        %add3A_400 = arith.constant 6144 : i32
        %add3A_401 = arith.addi %add3A_400, %add3A_398 : i32
        %swap3A_402 = arith.index_cast %add3A_401 : i32 to index
        %swap3A_403 = tpu.vector_load %arg9[%swap3A_402] {strides = array<i32>} : memref<8192xf32, #tpu.memory_space<vmem>>, vector<16xf32>,
        tpu.vector_store %arg9[%swap3A_402], %add3A_399 {strides = array<i32>} : memref<8192xf32, #tpu.memory_space<vmem>>, vector<16xf32>,
        %mul3A_404 = arith.constant 128 : i32
        %mul3A_405 = arith.muli %scan3A_270, %mul3A_404 : i32
        %add3A_406 = arith.constant 112 : i32
        %add3A_407 = arith.addi %mul3A_405, %add3A_406 : i32
        %add3A_408 = arith.addf %gather3A_341, %gather3A : vector<16xf32>
        %add3A_409 = arith.constant 6144 : i32
        %add3A_410 = arith.addi %add3A_409, %add3A_407 : i32
        %swap3A_411 = arith.index_cast %add3A_410 : i32 to index
        %swap3A_412 = tpu.vector_load %arg9[%swap3A_411] {strides = array<i32>} : memref<8192xf32, #tpu.memory_space<vmem>>, vector<16xf32>,
        tpu.vector_store %arg9[%swap3A_411], %add3A_408 {strides = array<i32>} : memref<8192xf32, #tpu.memory_space<vmem>>, vector<16xf32>,
      }
      %scan3A_217 = arith.constant 16 : i32
      %add3A_218 = arith.constant 32 : i32
      %add3A_219 = arith.addi %add3A_218, %add3A_11 : i32
      %dma_start3A_220 = arith.constant 6144 : i32
      %dma_start3A_221 = tpu.memref_slice %arg9[%dma_start3A_220] : memref<8192xf32, #tpu.memory_space<vmem>> -> memref<2048xf32, #tpu.memory_space<vmem>>
      %dma_start3A_222 = arith.constant 14336 : i32
      %dma_start3A_223 = tpu.memref_slice %arg6[%add3A_219, %dma_start3A_222] : memref<1280x16384xf32, #tpu.memory_space<hbm>> -> memref<1x2048xf32, #tpu.memory_space<hbm>>
      %dma_start3A_224 = tpu.memref_squeeze %dma_start3A_223 : memref<1x2048xf32, #tpu.memory_space<hbm>> -> memref<2048xf32, #tpu.memory_space<hbm>>
      %dma_start3A_225 = arith.constant 14336 : i32
      %dma_start3A_226 = tpu.memref_slice %arg6[%add3A_219, %dma_start3A_225] : memref<1280x16384xf32, #tpu.memory_space<hbm>> -> memref<1x2048xf32, #tpu.memory_space<hbm>>
      %dma_start3A_227 = tpu.memref_squeeze %dma_start3A_226 : memref<1x2048xf32, #tpu.memory_space<hbm>> -> memref<2048xf32, #tpu.memory_space<hbm>>
      %dma_start3A_228 = arith.constant 6144 : i32
      %dma_start3A_229 = tpu.memref_slice %arg9[%dma_start3A_228] : memref<8192xf32, #tpu.memory_space<vmem>> -> memref<2048xf32, #tpu.memory_space<vmem>>
      tpu.enqueue_dma source(%dma_start3A_229 : memref<2048xf32, #tpu.memory_space<vmem>>) target(%dma_start3A_227 : memref<2048xf32, #tpu.memory_space<hbm>>) target_semaphore(%arg12 : memref<!tpu.dma_semaphore, #tpu.memory_space<semaphore_mem>>)
      %dma_wait3A_230 = arith.constant 0 : i32
      %dma_wait3A_231 = tpu.memref_slice %arg9[%dma_wait3A_230] : memref<8192xf32, #tpu.memory_space<vmem>> -> memref<2048xf32, #tpu.memory_space<vmem>>
      %dma_wait3A_232 = arith.constant 8192 : i32
      %dma_wait3A_233 = tpu.memref_slice %arg6[%add3A_135, %dma_wait3A_232] : memref<1280x16384xf32, #tpu.memory_space<hbm>> -> memref<1x2048xf32, #tpu.memory_space<hbm>>
      %dma_wait3A_234 = tpu.memref_squeeze %dma_wait3A_233 : memref<1x2048xf32, #tpu.memory_space<hbm>> -> memref<2048xf32, #tpu.memory_space<hbm>>
      %dma_wait3A_235 = arith.constant 8192 : i32
      %dma_wait3A_236 = tpu.memref_slice %arg6[%add3A_135, %dma_wait3A_235] : memref<1280x16384xf32, #tpu.memory_space<hbm>> -> memref<1x2048xf32, #tpu.memory_space<hbm>>
      %dma_wait3A_237 = tpu.memref_squeeze %dma_wait3A_236 : memref<1x2048xf32, #tpu.memory_space<hbm>> -> memref<2048xf32, #tpu.memory_space<hbm>>
      %dma_wait3A_238 = arith.constant 0 : i32
      %dma_wait3A_239 = tpu.memref_slice %arg9[%dma_wait3A_238] : memref<8192xf32, #tpu.memory_space<vmem>> -> memref<2048xf32, #tpu.memory_space<vmem>>
      tpu.wait_dma2 semaphore(%arg12 : memref<!tpu.dma_semaphore, #tpu.memory_space<semaphore_mem>>) src(%dma_wait3A_239 : memref<2048xf32, #tpu.memory_space<vmem>>) dst(%dma_wait3A_237 : memref<2048xf32, #tpu.memory_space<hbm>>)
      %dma_wait3A_240 = arith.constant 2048 : i32
      %dma_wait3A_241 = tpu.memref_slice %arg9[%dma_wait3A_240] : memref<8192xf32, #tpu.memory_space<vmem>> -> memref<2048xf32, #tpu.memory_space<vmem>>
      %dma_wait3A_242 = arith.constant 10240 : i32
      %dma_wait3A_243 = tpu.memref_slice %arg6[%add3A_163, %dma_wait3A_242] : memref<1280x16384xf32, #tpu.memory_space<hbm>> -> memref<1x2048xf32, #tpu.memory_space<hbm>>
      %dma_wait3A_244 = tpu.memref_squeeze %dma_wait3A_243 : memref<1x2048xf32, #tpu.memory_space<hbm>> -> memref<2048xf32, #tpu.memory_space<hbm>>
      %dma_wait3A_245 = arith.constant 10240 : i32
      %dma_wait3A_246 = tpu.memref_slice %arg6[%add3A_163, %dma_wait3A_245] : memref<1280x16384xf32, #tpu.memory_space<hbm>> -> memref<1x2048xf32, #tpu.memory_space<hbm>>
      %dma_wait3A_247 = tpu.memref_squeeze %dma_wait3A_246 : memref<1x2048xf32, #tpu.memory_space<hbm>> -> memref<2048xf32, #tpu.memory_space<hbm>>
      %dma_wait3A_248 = arith.constant 2048 : i32
      %dma_wait3A_249 = tpu.memref_slice %arg9[%dma_wait3A_248] : memref<8192xf32, #tpu.memory_space<vmem>> -> memref<2048xf32, #tpu.memory_space<vmem>>
      tpu.wait_dma2 semaphore(%arg12 : memref<!tpu.dma_semaphore, #tpu.memory_space<semaphore_mem>>) src(%dma_wait3A_249 : memref<2048xf32, #tpu.memory_space<vmem>>) dst(%dma_wait3A_247 : memref<2048xf32, #tpu.memory_space<hbm>>)
      %dma_wait3A_250 = arith.constant 4096 : i32
      %dma_wait3A_251 = tpu.memref_slice %arg9[%dma_wait3A_250] : memref<8192xf32, #tpu.memory_space<vmem>> -> memref<2048xf32, #tpu.memory_space<vmem>>
      %dma_wait3A_252 = arith.constant 12288 : i32
      %dma_wait3A_253 = tpu.memref_slice %arg6[%add3A_191, %dma_wait3A_252] : memref<1280x16384xf32, #tpu.memory_space<hbm>> -> memref<1x2048xf32, #tpu.memory_space<hbm>>
      %dma_wait3A_254 = tpu.memref_squeeze %dma_wait3A_253 : memref<1x2048xf32, #tpu.memory_space<hbm>> -> memref<2048xf32, #tpu.memory_space<hbm>>
      %dma_wait3A_255 = arith.constant 12288 : i32
      %dma_wait3A_256 = tpu.memref_slice %arg6[%add3A_191, %dma_wait3A_255] : memref<1280x16384xf32, #tpu.memory_space<hbm>> -> memref<1x2048xf32, #tpu.memory_space<hbm>>
      %dma_wait3A_257 = tpu.memref_squeeze %dma_wait3A_256 : memref<1x2048xf32, #tpu.memory_space<hbm>> -> memref<2048xf32, #tpu.memory_space<hbm>>
      %dma_wait3A_258 = arith.constant 4096 : i32
      %dma_wait3A_259 = tpu.memref_slice %arg9[%dma_wait3A_258] : memref<8192xf32, #tpu.memory_space<vmem>> -> memref<2048xf32, #tpu.memory_space<vmem>>
      tpu.wait_dma2 semaphore(%arg12 : memref<!tpu.dma_semaphore, #tpu.memory_space<semaphore_mem>>) src(%dma_wait3A_259 : memref<2048xf32, #tpu.memory_space<vmem>>) dst(%dma_wait3A_257 : memref<2048xf32, #tpu.memory_space<hbm>>)
      %dma_wait3A_260 = arith.constant 6144 : i32
      %dma_wait3A_261 = tpu.memref_slice %arg9[%dma_wait3A_260] : memref<8192xf32, #tpu.memory_space<vmem>> -> memref<2048xf32, #tpu.memory_space<vmem>>
      %dma_wait3A_262 = arith.constant 14336 : i32
      %dma_wait3A_263 = tpu.memref_slice %arg6[%add3A_219, %dma_wait3A_262] : memref<1280x16384xf32, #tpu.memory_space<hbm>> -> memref<1x2048xf32, #tpu.memory_space<hbm>>
      %dma_wait3A_264 = tpu.memref_squeeze %dma_wait3A_263 : memref<1x2048xf32, #tpu.memory_space<hbm>> -> memref<2048xf32, #tpu.memory_space<hbm>>
      %dma_wait3A_265 = arith.constant 14336 : i32
      %dma_wait3A_266 = tpu.memref_slice %arg6[%add3A_219, %dma_wait3A_265] : memref<1280x16384xf32, #tpu.memory_space<hbm>> -> memref<1x2048xf32, #tpu.memory_space<hbm>>
      %dma_wait3A_267 = tpu.memref_squeeze %dma_wait3A_266 : memref<1x2048xf32, #tpu.memory_space<hbm>> -> memref<2048xf32, #tpu.memory_space<hbm>>
      %dma_wait3A_268 = arith.constant 6144 : i32
      %dma_wait3A_269 = tpu.memref_slice %arg9[%dma_wait3A_268] : memref<8192xf32, #tpu.memory_space<vmem>> -> memref<2048xf32, #tpu.memory_space<vmem>>
      tpu.wait_dma2 semaphore(%arg12 : memref<!tpu.dma_semaphore, #tpu.memory_space<semaphore_mem>>) src(%dma_wait3A_269 : memref<2048xf32, #tpu.memory_space<vmem>>) dst(%dma_wait3A_267 : memref<2048xf32, #tpu.memory_space<hbm>>)
      scf.yield %select_n3A : i32
    }
    %scan3A_8 = arith.constant 26 : i32
    return
  }
}

module attributes {stable_mosaic.version = 14 : i64} {
  func.func @_mlp_body(%arg0: i32, %arg1: memref<13x2048xf32, #tpu.memory_space<vmem>>, %arg2: memref<13x2048xf32, #tpu.memory_space<vmem>>, %arg3: memref<13x2048xf32, #tpu.memory_space<vmem>>, %arg4: memref<416x13xf32, #tpu.memory_space<vmem>>, %arg5: memref<416x1xf32, #tpu.memory_space<vmem>>, %arg6: memref<416x1xf32, #tpu.memory_space<vmem>>, %arg7: memref<416x416xf32, #tpu.memory_space<vmem>>, %arg8: memref<416x1xf32, #tpu.memory_space<vmem>>, %arg9: memref<416x1xf32, #tpu.memory_space<vmem>>, %arg10: memref<416x1xf32, #tpu.memory_space<vmem>>, %arg11: memref<32x1xf32, #tpu.memory_space<vmem>>, %arg12: memref<416x1xf32, #tpu.memory_space<vmem>>, %arg13: memref<448x2048xf32, #tpu.memory_space<vmem>>) attributes {dimension_semantics = [#tpu.dimension_semantics<arbitrary>], iteration_bounds = array<i64: 8>, scalar_prefetch = 0 : i64, scratch_operands = 0 : i64, tpu.core_type = #tpu.core_type<tc>, window_params = [{transform_indices = @transform_0, window_bounds = array<i64: 13, 2048>}, {transform_indices = @transform_1, window_bounds = array<i64: 13, 2048>}, {transform_indices = @transform_2, window_bounds = array<i64: 13, 2048>}, {pipeline_mode = #tpu.pipeline_mode<synchronous>, transform_indices = @transform_3, window_bounds = array<i64: 416, 13>}, {pipeline_mode = #tpu.pipeline_mode<synchronous>, transform_indices = @transform_4, window_bounds = array<i64: 416, 1>}, {pipeline_mode = #tpu.pipeline_mode<synchronous>, transform_indices = @transform_5, window_bounds = array<i64: 416, 1>}, {pipeline_mode = #tpu.pipeline_mode<synchronous>, transform_indices = @transform_6, window_bounds = array<i64: 416, 416>}, {pipeline_mode = #tpu.pipeline_mode<synchronous>, transform_indices = @transform_7, window_bounds = array<i64: 416, 1>}, {pipeline_mode = #tpu.pipeline_mode<synchronous>, transform_indices = @transform_8, window_bounds = array<i64: 416, 1>}, {pipeline_mode = #tpu.pipeline_mode<synchronous>, transform_indices = @transform_9, window_bounds = array<i64: 416, 1>}, {pipeline_mode = #tpu.pipeline_mode<synchronous>, transform_indices = @transform_10, window_bounds = array<i64: 32, 1>}, {pipeline_mode = #tpu.pipeline_mode<synchronous>, transform_indices = @transform_11, window_bounds = array<i64: 416, 1>}, {transform_indices = @transform_12, window_bounds = array<i64: 448, 2048>}]} {
    %get3A = arith.constant 0 : index
    %get3A_0 = arith.constant 0 : index
    %get3A_1 = vector.load %arg4[%get3A, %get3A_0] : memref<416x13xf32, #tpu.memory_space<vmem>>, vector<416x13xf32>
    %get3A_2 = arith.constant 0 : index
    %get3A_3 = arith.constant 0 : index
    %get3A_4 = vector.load %arg1[%get3A_2, %get3A_3] : memref<13x2048xf32, #tpu.memory_space<vmem>>, vector<13x2048xf32>
    %dot_general3A = arith.constant dense<0.000000e+00> : vector<416x2048xf32>
    %dot_general3A_5 = tpu.matmul %get3A_1, %get3A_4, %dot_general3A {dimension_numbers = #tpu.dot_dimension_numbers<[1], [0], [0], [1], [0, 0, 1, 1], [], []>, transpose_lhs_hint = false} : vector<416x13xf32>, vector<13x2048xf32>, vector<416x2048xf32> -> vector<416x2048xf32>
    %get3A_6 = arith.constant 0 : index
    %get3A_7 = arith.constant 0 : index
    %get3A_8 = vector.load %arg5[%get3A_6, %get3A_7] : memref<416x1xf32, #tpu.memory_space<vmem>>, vector<416x1xf32>
    %mul3A = vector.broadcast %get3A_8 : vector<416x1xf32> to vector<416x2048xf32>
    %mul3A_9 = arith.mulf %dot_general3A_5, %mul3A : vector<416x2048xf32>
    %get3A_10 = arith.constant 0 : index
    %get3A_11 = arith.constant 0 : index
    %get3A_12 = vector.load %arg6[%get3A_10, %get3A_11] : memref<416x1xf32, #tpu.memory_space<vmem>>, vector<416x1xf32>
    %add3A = vector.broadcast %get3A_12 : vector<416x1xf32> to vector<416x2048xf32>
    %add3A_13 = arith.addf %mul3A_9, %add3A : vector<416x2048xf32>
    %max3A = arith.constant 0.000000e+00 : f32
    %max3A_14 = vector.broadcast %max3A : f32 to vector<416x2048xf32>
    %max3A_15 = arith.maximumf %add3A_13, %max3A_14 : vector<416x2048xf32>
    %get3A_16 = arith.constant 0 : index
    %get3A_17 = arith.constant 0 : index
    %get3A_18 = vector.load %arg7[%get3A_16, %get3A_17] : memref<416x416xf32, #tpu.memory_space<vmem>>, vector<416x416xf32>
    %dot_general3A_19 = arith.constant dense<0.000000e+00> : vector<416x2048xf32>
    %dot_general3A_20 = tpu.matmul %get3A_18, %max3A_15, %dot_general3A_19 {dimension_numbers = #tpu.dot_dimension_numbers<[1], [0], [0], [1], [0, 0, 1, 1], [], []>, transpose_lhs_hint = false} : vector<416x416xf32>, vector<416x2048xf32>, vector<416x2048xf32> -> vector<416x2048xf32>
    %get3A_21 = arith.constant 0 : index
    %get3A_22 = arith.constant 0 : index
    %get3A_23 = vector.load %arg8[%get3A_21, %get3A_22] : memref<416x1xf32, #tpu.memory_space<vmem>>, vector<416x1xf32>
    %add3A_24 = vector.broadcast %get3A_23 : vector<416x1xf32> to vector<416x2048xf32>
    %add3A_25 = arith.addf %dot_general3A_20, %add3A_24 : vector<416x2048xf32>
    %get3A_26 = arith.constant 0 : index
    %get3A_27 = arith.constant 0 : index
    %get3A_28 = vector.load %arg4[%get3A_26, %get3A_27] : memref<416x13xf32, #tpu.memory_space<vmem>>, vector<416x13xf32>
    %get3A_29 = arith.constant 0 : index
    %get3A_30 = arith.constant 0 : index
    %get3A_31 = vector.load %arg2[%get3A_29, %get3A_30] : memref<13x2048xf32, #tpu.memory_space<vmem>>, vector<13x2048xf32>
    %dot_general3A_32 = arith.constant dense<0.000000e+00> : vector<416x2048xf32>
    %dot_general3A_33 = tpu.matmul %get3A_28, %get3A_31, %dot_general3A_32 {dimension_numbers = #tpu.dot_dimension_numbers<[1], [0], [0], [1], [0, 0, 1, 1], [], []>, transpose_lhs_hint = false} : vector<416x13xf32>, vector<13x2048xf32>, vector<416x2048xf32> -> vector<416x2048xf32>
    %get3A_34 = arith.constant 0 : index
    %get3A_35 = arith.constant 0 : index
    %get3A_36 = vector.load %arg4[%get3A_34, %get3A_35] : memref<416x13xf32, #tpu.memory_space<vmem>>, vector<416x13xf32>
    %get3A_37 = arith.constant 0 : index
    %get3A_38 = arith.constant 0 : index
    %get3A_39 = vector.load %arg3[%get3A_37, %get3A_38] : memref<13x2048xf32, #tpu.memory_space<vmem>>, vector<13x2048xf32>
    %dot_general3A_40 = arith.constant dense<0.000000e+00> : vector<416x2048xf32>
    %dot_general3A_41 = tpu.matmul %get3A_36, %get3A_39, %dot_general3A_40 {dimension_numbers = #tpu.dot_dimension_numbers<[1], [0], [0], [1], [0, 0, 1, 1], [], []>, transpose_lhs_hint = false} : vector<416x13xf32>, vector<13x2048xf32>, vector<416x2048xf32> -> vector<416x2048xf32>
    %get3A_42 = arith.constant 0 : index
    %get3A_43 = arith.constant 0 : index
    %get3A_44 = vector.load %arg10[%get3A_42, %get3A_43] : memref<416x1xf32, #tpu.memory_space<vmem>>, vector<416x1xf32>
    %mul3A_45 = vector.broadcast %get3A_44 : vector<416x1xf32> to vector<416x2048xf32>
    %mul3A_46 = arith.mulf %dot_general3A_33, %mul3A_45 : vector<416x2048xf32>
    %sub3A = arith.constant 1.000000e+00 : f32
    %sub3A_47 = vector.broadcast %sub3A : f32 to vector<416x2048xf32>
    %sub3A_48 = arith.subf %sub3A_47, %dot_general3A_33 : vector<416x2048xf32>
    %get3A_49 = arith.constant 0 : index
    %get3A_50 = arith.constant 0 : index
    %get3A_51 = vector.load %arg9[%get3A_49, %get3A_50] : memref<416x1xf32, #tpu.memory_space<vmem>>, vector<416x1xf32>
    %mul3A_52 = vector.broadcast %get3A_51 : vector<416x1xf32> to vector<416x2048xf32>
    %mul3A_53 = arith.mulf %dot_general3A_41, %mul3A_52 : vector<416x2048xf32>
    %sub3A_54 = arith.constant 1.000000e+00 : f32
    %sub3A_55 = vector.broadcast %sub3A_54 : f32 to vector<416x2048xf32>
    %sub3A_56 = arith.subf %sub3A_55, %dot_general3A_41 : vector<416x2048xf32>
    %mul3A_57 = arith.mulf %sub3A_56, %add3A_25 : vector<416x2048xf32>
    %add3A_58 = arith.addf %mul3A_53, %mul3A_57 : vector<416x2048xf32>
    %mul3A_59 = arith.mulf %sub3A_48, %add3A_58 : vector<416x2048xf32>
    %add3A_60 = arith.addf %mul3A_46, %mul3A_59 : vector<416x2048xf32>
    %get3A_61 = arith.constant 0 : index
    %get3A_62 = arith.constant 0 : index
    %get3A_63 = vector.load %arg11[%get3A_61, %get3A_62] : memref<32x1xf32, #tpu.memory_space<vmem>>, vector<32x1xf32>
    %broadcast_in_dim3A = vector.shape_cast %get3A_63 : vector<32x1xf32> to vector<32x1xf32>
    %broadcast_in_dim3A_64 = vector.broadcast %broadcast_in_dim3A : vector<32x1xf32> to vector<32x2048xf32>
    %get3A_65 = arith.constant 0 : index
    %get3A_66 = arith.constant 0 : index
    %get3A_67 = vector.load %arg12[%get3A_65, %get3A_66] : memref<416x1xf32, #tpu.memory_space<vmem>>, vector<416x1xf32>
    %add3A_68 = vector.broadcast %get3A_67 : vector<416x1xf32> to vector<416x2048xf32>
    %add3A_69 = arith.addf %add3A_60, %add3A_68 : vector<416x2048xf32>
    %concatenate3A = tpu.concatenate %broadcast_in_dim3A_64, %add3A_69 in 0 : vector<32x2048xf32>, vector<416x2048xf32> -> vector<448x2048xf32>
    %swap3A = arith.constant 0 : index
    %swap3A_70 = arith.constant 0 : index
    %swap3A_71 = vector.load %arg13[%swap3A, %swap3A_70] : memref<448x2048xf32, #tpu.memory_space<vmem>>, vector<448x2048xf32>
    tpu.vector_store %arg13[%swap3A, %swap3A_70], %concatenate3A {strides = array<i32>} : memref<448x2048xf32, #tpu.memory_space<vmem>>, vector<448x2048xf32>,
    return
  }
  func.func @transform_0(%arg0: i32) -> (i32, i32) {
    %c0_i32 = arith.constant 0 : i32
    %c0_i32_0 = arith.constant 0 : i32
    return %c0_i32, %arg0 : i32, i32
  }
  func.func @transform_1(%arg0: i32) -> (i32, i32) {
    %c0_i32 = arith.constant 0 : i32
    %c0_i32_0 = arith.constant 0 : i32
    return %c0_i32, %arg0 : i32, i32
  }
  func.func @transform_2(%arg0: i32) -> (i32, i32) {
    %c0_i32 = arith.constant 0 : i32
    %c0_i32_0 = arith.constant 0 : i32
    return %c0_i32, %arg0 : i32, i32
  }
  func.func @transform_3(%arg0: i32) -> (i32, i32) {
    %c0_i32 = arith.constant 0 : i32
    %c0_i32_0 = arith.constant 0 : i32
    %c0_i32_1 = arith.constant 0 : i32
    return %c0_i32, %c0_i32_0 : i32, i32
  }
  func.func @transform_4(%arg0: i32) -> (i32, i32) {
    %c0_i32 = arith.constant 0 : i32
    %c0_i32_0 = arith.constant 0 : i32
    %c0_i32_1 = arith.constant 0 : i32
    return %c0_i32, %c0_i32_0 : i32, i32
  }
  func.func @transform_5(%arg0: i32) -> (i32, i32) {
    %c0_i32 = arith.constant 0 : i32
    %c0_i32_0 = arith.constant 0 : i32
    %c0_i32_1 = arith.constant 0 : i32
    return %c0_i32, %c0_i32_0 : i32, i32
  }
  func.func @transform_6(%arg0: i32) -> (i32, i32) {
    %c0_i32 = arith.constant 0 : i32
    %c0_i32_0 = arith.constant 0 : i32
    %c0_i32_1 = arith.constant 0 : i32
    return %c0_i32, %c0_i32_0 : i32, i32
  }
  func.func @transform_7(%arg0: i32) -> (i32, i32) {
    %c0_i32 = arith.constant 0 : i32
    %c0_i32_0 = arith.constant 0 : i32
    %c0_i32_1 = arith.constant 0 : i32
    return %c0_i32, %c0_i32_0 : i32, i32
  }
  func.func @transform_8(%arg0: i32) -> (i32, i32) {
    %c0_i32 = arith.constant 0 : i32
    %c0_i32_0 = arith.constant 0 : i32
    %c0_i32_1 = arith.constant 0 : i32
    return %c0_i32, %c0_i32_0 : i32, i32
  }
  func.func @transform_9(%arg0: i32) -> (i32, i32) {
    %c0_i32 = arith.constant 0 : i32
    %c0_i32_0 = arith.constant 0 : i32
    %c0_i32_1 = arith.constant 0 : i32
    return %c0_i32, %c0_i32_0 : i32, i32
  }
  func.func @transform_10(%arg0: i32) -> (i32, i32) {
    %c0_i32 = arith.constant 0 : i32
    %c0_i32_0 = arith.constant 0 : i32
    %c0_i32_1 = arith.constant 0 : i32
    return %c0_i32, %c0_i32_0 : i32, i32
  }
  func.func @transform_11(%arg0: i32) -> (i32, i32) {
    %c0_i32 = arith.constant 0 : i32
    %c0_i32_0 = arith.constant 0 : i32
    %c0_i32_1 = arith.constant 0 : i32
    return %c0_i32, %c0_i32_0 : i32, i32
  }
  func.func @transform_12(%arg0: i32) -> (i32, i32) {
    %c0_i32 = arith.constant 0 : i32
    %c0_i32_0 = arith.constant 0 : i32
    return %c0_i32, %arg0 : i32, i32
  }
}

</mosaic_0001>

<sc_bundles>
// kernel: kernel.4.cloned.1.call-start
scs
__scs_entry_jumppad:
0x0: {  	(pc) =	sbr.rel $0x88, $3  }
0x1: {  	(tag) =	ssettag $0x0;
	lr =	simm.s32 $0x1  }
0x2: {  	[smem:$0x3F94] =	sst lr;
	_ =	strace $0xD0000000  }
0x3: {  	_ = 	snop  }
0x4: {  	_ = 	snop  }
0x5: {  	_ = 	snop  }
0x6: {  	_ = 	snop  }
0x7: {  	_ = 	snop  }
__scs_overlays_trampoline_lowered:
0x8: {  	[smem:$0x3FA3] =	sst s0  }
0x9: {  	[smem:$0x3FA4] =	sst s1  }
0xa: {  	[smem:$0x3FA5] =	sst s2  }
0xb: {  	[smem:$0x3FA6] =	sst s3  }
0xc: {  	[smem:$0x3FA7] =	sst s4  }
0xd: {  	[smem:$0x3FA8] =	sst s5  }
0xe: {  	[smem:$0x3FA9] =	sst s6  }
0xf: {  	[smem:$0x3FAA] =	sst s7  }
0x10: {  	[smem:$0x3FAB] =	sst s8  }
0x11: {  	[smem:$0x3FAC] =	sst s9;
	s0 =	simm.s32 @!p0 $0x0  }
0x12: {  	s1 =	sld [smem:$0x3F92];
	s0 =	simm.s32 @p0 $0x1  }
0x13: {  	[smem:$0x3FAD] =	sst s0;
	s0 =	simm.s32 @!p1 $0x0  }
0x14: {  	s2 =	sld [smem:$0x3F91];
	s0 =	simm.s32 @p1 $0x1  }
0x15: {  	[smem:$0x3FAE] =	sst s0;
	s0 =	simm.s32 @!p2 $0x0  }
0x16: {  	s3 =	sld [smem:$0x3FDB];
	s0 =	simm.s32 @p2 $0x1  }
0x17: {  	s4 =	simm.s32 $0x1BF5;
	[smem:$0x3FB0] =	sst s0  }
0x18: {  	s0 =	sld [smem:$0x3F93];
	_ =	swait.ge [sflag:s4], $0x0  }
0x19: {  	s7 =	sld [smem:$0x3F94]  }
0x1a: {  	s8 =	sadd.s32 $0xFFFFE003, lr  }
0x1b: {  	s9 =	sadd.s32 $0xFFFFFEF7, lr;
	s5 =	simm.s32 $0xFFFFFFFF;
	p2 =	slt.u32 s8, $0xFFFFF086  }
0x1c: {  	p1 =	slt.u32 s9, $0xF7A;
	s5 =	simm.s32 @!p2 $0x0  }
0x1d: {  	s5 =	simm.s32 @p1 $0x1;
	p0 =	seq.s32 s7, s2  }
0x1e: {  	s7 =	smul.u32 @!p0 $0xF7A, s2;
	p2 =	seq.s32 @!p0 s5, $0x0  }
0x1f: {  	s9 =	smul.u32 $0xF7A, s1;
	s8 =	simm.s32 @!p0 $0x1BF5;
	p2 =	por !p2, p0  }
0x20: {  	[sflag:s8] =	ssyncset.s32 @!p0 $0xFFFFF086;
	s6 =	sadd.s32 @!p0 s3, s7;
	s7 =	simm.s32 @!p0 $0x108  }
0x21: {  	s3 =	sadd.s32 s3, s9;
	s6 =	sadd.s32 @!p0 $0x88, s6;
	s7 =	simm.s32 @p2 $0x1082  }
0x22: {  	[simem:s7], [sflag:s8] =	dma.local @!p0 [hbm:s6], $0xF7A  }
0x23: {  	s9 =	sor.u32 $0xD0000000, s2;
	s6 =	simm.s32 $0x108;
	_ =	swait.ge @!p0 [sflag:s8], $0x0  }
0x24: {  	s3 =	sadd.s32 $0x88, s3;
	s6 =	simm.s32 @!p1 $0x1082;
	[sflag:s4] =	ssyncset.s32 $0xFFFFF086  }
0x25: {  	[simem:s6], [sflag:s4] =	dma.local [hbm:s3], $0xF7A  }
0x26: {  	[smem:$0x3F94] =	sst s1;
	(tag) =	ssettag s2;
	_ =	strace s9  }
0x27: {  	s1 =	sld [smem:$0x3FA4]  }
0x28: {  	s2 =	sld [smem:$0x3FA5]  }
0x29: {  	s4 =	sld [smem:$0x3FA7]  }
0x2a: {  	p0 =	seq.s32 s5, $0x0;
	s5 =	sld [smem:$0x3FA8]  }
0x2b: {  	s6 =	sld [smem:$0x3FA9]  }
0x2c: {  	s7 =	sld [smem:$0x3FAA]  }
0x2d: {  	s3 =	simm.s32 $0x108;
	s8 =	sld [smem:$0x3FAB]  }
0x2e: {  	s3 =	simm.s32 @!p0 $0x1082;
	s9 =	sld [smem:$0x3FAC]  }
0x2f: {  	lr =	sadd.s32 s0, s3;
	s0 =	sld [smem:$0x3FA3]  }
0x30: {  	s3 =	sld [smem:$0x3FA6]  }
0x31: {  	[smem:$0x3FAF] =	sst s10  }
0x32: {  	s10 =	sld [smem:$0x3FAD];
	_ =	sdelay $0x3  }
0x33: {  	p0 =	seq.s32 s10, $0x1;
	s10 =	sld [smem:$0x3FAF];
	_ =	sdelay $0x3  }
0x34: {  	[smem:$0x3FAF] =	sst s10  }
0x35: {  	s10 =	sld [smem:$0x3FAE];
	_ =	sdelay $0x3  }
0x36: {  	p1 =	seq.s32 s10, $0x1;
	s10 =	sld [smem:$0x3FAF];
	_ =	sdelay $0x3  }
0x37: {  	[smem:$0x3FAF] =	sst s10  }
0x38: {  	s10 =	sld [smem:$0x3FB0]  }
0x39: {  	_ = 	snop;
	(pc) =	sbr.ind lr, $3  }
0x3a: {  	_ = 	snop  }
0x3b: {  	_ = 	snop  }
0x3c: {  	p2 =	seq.s32 s10, $0x1;
	s10 =	sld [smem:$0x3FAF]  }
0x3d: {  	_ =	shalt  }
0x3e: {  	_ =	shalt  }
0x3f: {  	_ =	shalt  }
0x40: {  	_ =	shalt  }
0x41: {  	_ =	shalt  }
0x42: {  	_ =	shalt  }
0x43: {  	_ =	shalt  }
0x44: {  	_ =	shalt  }
0x45: {  	_ =	shalt  }
0x46: {  	_ =	shalt  }
0x47: {  	_ =	shalt  }
0x48: {  	_ =	shalt  }
0x49: {  	_ =	shalt  }
0x4a: {  	_ =	shalt  }
0x4b: {  	_ =	shalt  }
0x4c: {  	_ =	shalt  }
0x4d: {  	_ =	shalt  }
0x4e: {  	_ =	shalt  }
0x4f: {  	_ =	shalt  }
0x50: {  	_ =	shalt  }
0x51: {  	_ =	shalt  }
0x52: {  	_ =	shalt  }
0x53: {  	_ =	shalt  }
0x54: {  	_ =	shalt  }
0x55: {  	_ =	shalt  }
0x56: {  	_ =	shalt  }
0x57: {  	_ =	shalt  }
0x58: {  	_ =	shalt  }
0x59: {  	_ =	shalt  }
0x5a: {  	_ =	shalt  }
0x5b: {  	_ =	shalt  }
0x5c: {  	_ =	shalt  }
0x5d: {  	_ =	shalt  }
0x5e: {  	_ =	shalt  }
0x5f: {  	_ =	shalt  }
0x60: {  	_ =	shalt  }
0x61: {  	_ =	shalt  }
0x62: {  	_ =	shalt  }
0x63: {  	_ =	shalt  }
0x64: {  	_ =	shalt  }
0x65: {  	_ =	shalt  }
0x66: {  	_ =	shalt  }
0x67: {  	_ =	shalt  }
0x68: {  	_ =	shalt  }
0x69: {  	_ =	shalt  }
0x6a: {  	_ =	shalt  }
0x6b: {  	_ =	shalt  }
0x6c: {  	_ =	shalt  }
0x6d: {  	_ =	shalt  }
0x6e: {  	_ =	shalt  }
0x6f: {  	_ =	shalt  }
0x70: {  	_ =	shalt  }
0x71: {  	_ =	shalt  }
0x72: {  	_ =	shalt  }
0x73: {  	_ =	shalt  }
0x74: {  	_ =	shalt  }
0x75: {  	_ =	shalt  }
0x76: {  	_ =	shalt  }
0x77: {  	_ =	shalt  }
0x78: {  	_ =	shalt  }
0x79: {  	_ =	shalt  }
0x7a: {  	_ =	shalt  }
0x7b: {  	_ =	shalt  }
0x7c: {  	_ =	shalt  }
0x7d: {  	_ =	shalt  }
0x7e: {  	_ =	shalt  }
0x7f: {  	_ =	shalt  }
0x80: {  	_ =	shalt  }
0x81: {  	_ =	shalt  }
0x82: {  	_ =	shalt  }
0x83: {  	_ =	shalt  }
0x84: {  	_ =	shalt  }
0x85: {  	_ =	shalt  }
0x86: {  	_ =	shalt  }
0x87: {  	_ =	shalt  }
.Lfunc_end0:
.L_simem_size_0:
called_computation_lowered:
.L_overlay_start_0:
0x88: {  	s2 =	sld [smem:$0x3FD9]  }
0x89: {  	s3 =	sld [smem:$0x3FFE];
	_ =	sdelay $0x1  }
0x8a: {  	s1 =	srdreg.scid  }
0x8b: {  	s0 =	sand.u32 $0x1, s1  }
0x8c: {  	s17 =	sshll.u32 s0, $0xA;
	s2 =	sadd.s32 s3, s2  }
0x8d: {  	s2 =	sadd.s32 s2, s17  }
0x8e: {  	[smem:$0x3FBB] =	sst s2  }
0x8f: {  	_ = 	snop  }
0x90: {  	s2 =	sld [smem:$0x3FC9]  }
0x91: {  	s18 =	sld [smem:$0x3FC5]  }
0x92: {  	s4 =	sld [smem:$0x3FD0];
	(tm) =	ssettm $0x1  }
0x93: {  	s5 =	sld [smem:$0x3FFB];
	_ =	sdelay $0x3  }
0x94: {  	_ =	strace s5  }
0x95: {  	s5 =	sld [smem:$0x3FFC];
	_ =	sdelay $0x3  }
0x96: {  	_ =	strace s5  }
0x97: {  	s5 =	sld [smem:$0x3FFD];
	_ =	sdelay $0x3  }
0x98: {  	_ =	strace s5  }
0x99: {  	_ =	strace $0x8FFFFFFF  }
0x9a: {  	s19 =	sld [smem:$0x3FDB];
	_ =	sdelay $0x1  }
0x9b: {  	s6 =	simm.s32 $_scs_section_size  }
0x9c: {  	s7 =	simm.s32 $_size__tile_overlayer_lowered;
	s8 =	simm.s32 $_tile_overlayer_lowered  }
0x9d: {  	s22 =	simm.s32 $0x1BFF;
	s21 =	sshll.u32 s8, $0x1;
	s5 =	sadd.s32 s6, s19  }
0x9e: {  	s9 =	simm.s32 $0x0;
	s20 =	sshll.u32 s7, $0x1;
	s7 =	sadd.s32 s21, s5  }
0x9f: {  	[timem:s9], [sflag:s22] =	dma.local [hbm:s7], s20  }
0xa0: {  	_ =	swait.ge [sflag:s22], s20  }
0xa1: {  	s6 =	ssub.s32 $0x0, s20;
	[sflag:s22] =	ssyncset.done $0x0  }
0xa2: {  	[sflag:s22] =	ssyncadd.s32 s6;
	_ =	sdelay $0x1  }
0xa3: {  	s23 =	simm.s32 $0x1B8B  }
0xa4: {  	_ =	swait.ge [sflag:s23], $0x1  }
0xa5: {  	[sflag:s23] =	ssyncset.done $0x0  }
0xa6: {  	s25 =	simm.s32 $0x1B8E;
	s24 =	sld [smem:$0x3FFE];
	[sflag:s23] =	ssyncadd.s32 $0xFFFFFFFF  }
0xa7: {  	s26 =	simm.s32 $execute0_lowered;
	[smem:$0x3FD2] =	sst s25  }
0xa8: {  	s7 =	sshll.u32 s26, $0x1;
	_ =	strace $0x80000046;
	[dreg:$0x1] =	wrdreg $0xFFFFFFFF  }
0xa9: {  	s28 =	simm.s32 $_size_execute0_lowered;
	s5 =	sadd.s32 s5, s7;
	[dreg:$0x0] =	wrdreg $0x0  }
0xaa: {  	s7 =	sshll.u32 s28, $0x1;
	[dreg:$0x2] =	wrdreg s5  }
0xab: {  	[dreg:$0x3] =	wrdreg s7  }
0xac: {  	[dreg:$0x4] =	wrdreg $0xC0  }
0xad: {  	_ =	task [dreg:s9], $0x5FFFF  }
0xae: {  	[dreg:$0x1] =	wrdreg $0xFFFFFFFF  }
0xaf: {  	[dreg:$0x0] =	wrdreg $0x60  }
0xb0: {  	[dreg:$0x2] =	wrdreg s18  }
0xb1: {  	[dreg:$0x3] =	wrdreg s2  }
0xb2: {  	[dreg:$0x4] =	wrdreg s24  }
0xb3: {  	[dreg:$0x5] =	wrdreg s4  }
0xb4: {  	[dreg:$0x6] =	wrdreg $0x9  }
0xb5: {  	_ =	task.clear_ibuf [dreg:s9], $0x7FFFF;
	_ =	strace $0x90000046  }
0xb6: {  	s29 =	simm.s32 $0x9;
	_ =	strace $0x80000048  }
0xb7: {  	_ =	swait.ge [sflag:s29], $0x1  }
0xb8: {  	[sflag:s29] =	ssyncadd.s32 $0xFFFFFFFF  }
0xb9: {  	_ =	strace $0x90000048  }
0xba: {  	_ =	sfence  }
0xbb: {  	s30 =	sld [smem:$0x0];
	_ =	sdelay $0x2  }
0xbc: {  	s31 =	sshll.u32 s1, $0xD;
	s1 =	sshrl.u32 s1, $0x2  }
0xbd: {  	s3 =	sand.u32 $0x4000, s31;
	s1 =	sadd.s32 s1, s30  }
0xbe: {  	s0 =	sor.u32 s3, s0;
	s1 =	sshll.u32 s1, $0x11  }
0xbf: {  	s0 =	sor.u32 s1, s0  }
0xc0: {  	s0 =	sadd.s32 $0x8F2B, s0  }
0xc1: {  	[sflag:s0] =	ssyncadd.remote.s32 $0x1  }
0xc2: {  	_ =	sfence.sel $0xFFFF  }
0xc3: {  	[dreg:$0x0] =	wrdreg $0xFFFFFFFF;
	(pc) =	sbr.abs _section_cstart, $3  }
0xc4: {  	[dreg:$0x1] =	wrdreg $0xFFFFFFFF  }
0xc5: {  	_ =	task.clear_ibuf [dreg:s9], $0x2FFFF;
	_ =	strace $0x9FFFFFFF  }
0xc6: {  	(tm) =	ssettm $0x7FFFFFFF  }
0xc7: {  	_ =	shalt  }
tec
execute0_lowered:
.L_overlay_start_1:
0x0: {  	(tag) =	ssettag $0x1  }
0x1: {  	s0 =	rddreg [dreg:$0x2]  }
0x2: {  	s3 =	rddreg [dreg:$0x3];
	s5 =	simm.s32 $0x0  }
0x3: {  	s4 =	srdreg.scid;
	s1 =	stileid.u32;
	s20 =	simm.s32 $0x80  }
0x4: {  	s21 =	simm.s32 $0x400;
	s22 =	simm.s32 $0x1;
	s23 =	simm.s32 $0x1C700  }
0x5: {  	s24 =	simm.s32 $0x1CF00;
	s25 =	simm.s32 $0x1D700;
	s26 =	simm.s32 $0x1DF00  }
0x6: {  	s28 =	simm.s32 $0x2;
	[smem:$0x7FF] =	sst s5;
	s4 =	sand.u32 $0x1, s4  }
0x7: {  	s7 =	sshll.u32 s1, $0x1;
	s6 =	sadd.s32 $0xC00, s0;
	s29 =	sadd.s32 $0xA00, s0  }
0x8: {  	s10 =	sadd.s32 $0x2C00, s0;
	s11 =	sadd.s32 $0x2000, s3;
	s12 =	sadd.s32 $0x800, s3  }
0x9: {  	s13 =	sadd.s32 $0x1000, s3;
	s14 =	sadd.s32 $0x1800, s3;
	s9 =	ssub.s32 $0x2, s4  }
0xa: {  	s15 =	sadd.s32 $0x2800, s3;
	s16 =	sadd.s32 $0x3000, s3;
	s30 =	sshrl.u32 s9, $0x1  }
0xb: {  	_ =	strace $0x80000047;
	s4 =	sor.u32 s4, s7;
	s7 =	ssub.s32 s9, s30  }
0xc: {  	[dreg:$0x5] =	wrdreg s29;
	s8 =	smul.u32 $0x1A, s4;
	s31 =	smax.u32 s7, $0x1  }
0xd: {  	s1 =	simm.s32 $0x0;
	s9 =	smul.u32 $0xE, s4;
	[dreg:$0x6] =	wrdreg s31  }
.LBB2_1:
0xe: {  	[dreg:$0x7] =	wrdreg s1  }
0xf: {  	s0 =	rddreg [dreg:$0x5];
	s19 =	simm.s32 $0x1E700;
	s29 =	simm.s32 $0x3  }
0x10: {  	[tilespmem:s19], [sflag:$0x3] =	stream.linear.gather [hbm4b:s0+s5], $0x500, $0x38;
	[tilespmem:$0x1EC00] =	vst v63  }
0x11: {  	_ =	swait.ge [sflag:s29], $0x500  }
0x12: {  	[sflag:s29] =	ssyncset.done $0x0  }
0x13: {  	s31 =	simm.s32 $0xFFFFFFFF;
	s30 =	simm.s32 $0x0;
	[sflag:s29] =	ssyncadd.s32 $0xFFFFFB00  }
.LBB2_2:
0x14: {  	s4 =	sadd.s32 s8, s30  }
0x15: {  	s0 =	sshrl.u32 s4, $0x3  }
0x16: {  	s18 =	sshll.u32 s4, $0x7;
	s7 =	smul.u32 $0xC3800, s0  }
0x17: {  	s0 =	sand.u32 $0x380, s18  }
0x18: {  	s7 =	sor.u32 s0, s7  }
0x19: {  	s1 =	rddreg [dreg:$0x0];
	s7 =	sshrl.u32 s7, $0x3  }
0x1a: {  	p0 =	sgt.u32 s30, $0xD;
	s7 =	sadd.s32 s1, s7  }
0x1b: {  	[tilespmem:s5], [sflag:$0x1] =	stream.strided.gather [hbm4b:s7+s20], $0x18700, s21, s20, $0x38;
	[tilespmem:$0x1EC00] =	vst v63  }
0x1c: {  	s29 =	simm.s32 @!p0 $0x80;
	s7 =	sadd.s32 @!p0 s9, s30  }
0x1d: {  	s2 =	simm.s32 @!p0 $0x1C700;
	s17 =	sshll.u32 @!p0 s7, $0xB;
	s19 =	sshll.u32 @!p0 s7, $0x4  }
0x1e: {  	p1 =	slt.u32 @!p0 s7, $0x20;
	s17 =	sand.u32 @!p0 $0xFFFC000, s17;
	s19 =	sand.u32 @!p0 $0x70, s19  }
0x1f: {  	p1 =	por !p1, p0;
	s17 =	sor.u32 @!p0 s19, s17;
	s19 =	sadd.s32 @!p0 $0x340, s7  }
0x20: {  	s1 =	simm.s32 @!p0 $0x400;
	s7 =	smov.u32 @p1 s19;
	s19 =	sadd.s32 @!p0 s6, s17  }
0x21: {  	[tilespmem:s2], [sflag:$0x3] =	stream.strided.gather @!p0 [hbm4b:s19+s29], $0x2000, s1, s29, $0x38;
	[tilespmem:$0x1EC00] =	vst v63  }
0x22: {  	s19 =	sshll.u32 @!p0 s7, $0xE;
	s7 =	sshll.u32 @!p0 s7, $0x7  }
0x23: {  	s18 =	simm.s32 @!p0 $0x3;
	s19 =	sand.u32 @!p0 $0x7FFE0000, s19;
	s7 =	sand.u32 @!p0 $0x380, s7  }
0x24: {  	_ =	swait.ge @!p0 [sflag:s18], $0x2000;
	s7 =	sor.u32 @!p0 s7, s19  }
0x25: {  	[sflag:s18] =	ssyncset.done @!p0 $0x0;
	s7 =	sshrl.u32 @!p0 s7, $0x3  }
0x26: {  	[sflag:s18] =	ssyncadd.s32 @!p0 $0xFFFFE000;
	s19 =	sadd.s32 @!p0 s3, s7  }
0x27: {  	[hbm4b:s19+s29] =	stream.strided.scatter @!p0 [tilespmem:s2], [sflag:$0x3], $0x2000, s1, s29, $0x38;
	[tilespmem:$0x1EC00] =	vst v63  }
0x28: {  	_ =	swait.ge @!p0 [sflag:s18], $0x2000  }
0x29: {  	[sflag:s18] =	ssyncset.done @!p0 $0x0  }
0x2a: {  	s17 =	sadd.s32 @!p0 s17, s10;
	[sflag:s18] =	ssyncadd.s32 @!p0 $0xFFFFE000  }
0x2b: {  	[tilespmem:s2], [sflag:$0x3] =	stream.strided.gather @!p0 [hbm4b:s17+s29], $0x2000, s1, s29, $0x38;
	[tilespmem:$0x1EC00] =	vst v63  }
0x2c: {  	_ =	swait.ge @!p0 [sflag:s18], $0x2000  }
0x2d: {  	s7 =	sadd.s32 @!p0 s7, s11;
	[sflag:s18] =	ssyncset.done @!p0 $0x0  }
0x2e: {  	s19 =	smov.u32 s31;
	s31 =	sshrl.u32 s4, $0x5;
	[sflag:s18] =	ssyncadd.s32 @!p0 $0xFFFFE000  }
0x2f: {  	[hbm4b:s7+s29] =	stream.strided.scatter @!p0 [tilespmem:s2], [sflag:$0x3], $0x2000, s1, s29, $0x38;
	[tilespmem:$0x1EC00] =	vst v63  }
0x30: {  	p1 =	seq.s32 s31, s19;
	_ =	swait.ge @!p0 [sflag:s18], $0x2000  }
0x31: {  	s17 =	simm.s32 @!p1 $0x18700;
	s1 =	sshll.u32 @!p1 s31, $0x4;
	[sflag:s18] =	ssyncset.done @!p0 $0x0  }
0x32: {  	s2 =	sshll.u32 @!p1 s31, $0xB;
	s1 =	sand.u32 @!p1 $0x70, s1;
	s7 =	rddreg [dreg:$0x1]  }
0x33: {  	s2 =	sand.u32 @!p1 $0xFFFC000, s2;
	[sflag:s18] =	ssyncadd.s32 @!p0 $0xFFFFE000;
	s1 =	sadd.s32 @!p1 s7, s1  }
0x34: {  	s7 =	simm.s32 @!p1 $0x400;
	s1 =	sadd.s32 @!p1 s2, s1;
	s2 =	simm.s32 @!p1 $0x80  }
0x35: {  	[tilespmem:s17], [sflag:$0x3] =	stream.strided.gather @!p1 [hbm4b:s1+s2], $0x4000, s7, s2, $0x38;
	[tilespmem:$0x1EC00] =	vst v63  }
0x36: {  	s1 =	simm.s32 @!p1 $0x3  }
0x37: {  	s4 =	sadd.s32 $0x20, s4;
	_ =	swait.ge @!p1 [sflag:s1], $0x4000  }
0x38: {  	v0 =	vmov s4;
	[sflag:s1] =	ssyncset.done @!p1 $0x0  }
0x39: {  	[sflag:s1] =	ssyncadd.s32 @!p1 $0xFFFFC000  }
0x3a: {  	_ =	swait.ge [sflag:s22], $0x18700  }
0x3b: {  	[sflag:s22] =	ssyncset.done $0x0  }
0x3c: {  	s29 =	simm.s32 $0x1E700;
	[sflag:s22] =	ssyncadd.s32 $0xFFFE7900  }
0x3d: {  	s7 =	simm.s32 $0x0;
	v0 =	vld.idx.msk [tilespmem:v0+s29+$0x0], $0xffff  }
0x3e: {  	v1 =	vld [tilespmem:s7+$0x18720]  }
0x3f: {  	v2 =	vld [tilespmem:s7+$0x18740]  }
0x40: {  	v3 =	vld [tilespmem:s7+$0x18750]  }
0x41: {  	v4 =	vld [tilespmem:s7+$0x18730]  }
0x42: {  	v5 =	vld [tilespmem:s7+$0x18710]  }
0x43: {  	v6 =	vld [tilespmem:s7+$0x18760]  }
0x44: {  	v7 =	vld [tilespmem:s7+$0x18700]  }
0x45: {  	v8 =	vld [tilespmem:s7+$0x18770]  }
0x46: {  	v1 =	vld.idx.msk [tilespmem:v1+s5+$0x0], $0xffff  }
0x47: {  	v2 =	vld.idx.msk [tilespmem:v2+s5+$0x0], $0xffff  }
0x48: {  	v3 =	vld.idx.msk [tilespmem:v3+s5+$0x0], $0xffff  }
0x49: {  	v4 =	vld.idx.msk [tilespmem:v4+s5+$0x0], $0xffff  }
0x4a: {  	v5 =	vld.idx.msk [tilespmem:v5+s5+$0x0], $0xffff  }
0x4b: {  	v6 =	vld.idx.msk [tilespmem:v6+s5+$0x0], $0xffff  }
0x4c: {  	v7 =	vld.idx.msk [tilespmem:v7+s5+$0x0], $0xffff;
	v9 =	vadd.f32 v1, v0  }
0x4d: {  	s17 =	simm.s32 $0x80;
	v8 =	vld.idx.msk [tilespmem:v8+s5+$0x0], $0xffff;
	v10 =	vadd.f32 v2, v0  }
0x4e: {  	v1 =	vld [tilespmem:s17+$0x18720];
	[tilespmem:s7+$0x1C720] =	vst v9;
	v9 =	vadd.f32 v3, v0  }
0x4f: {  	v2 =	vld [tilespmem:s17+$0x18740];
	[tilespmem:s7+$0x1C740] =	vst v10;
	v10 =	vadd.f32 v4, v0  }
0x50: {  	v3 =	vld [tilespmem:s17+$0x18750];
	[tilespmem:s7+$0x1C750] =	vst v9;
	v9 =	vadd.f32 v5, v0  }
0x51: {  	v4 =	vld [tilespmem:s17+$0x18730];
	[tilespmem:s7+$0x1C730] =	vst v10;
	v10 =	vadd.f32 v6, v0  }
0x52: {  	v5 =	vld [tilespmem:s17+$0x18710];
	[tilespmem:s7+$0x1C710] =	vst v9;
	v9 =	vadd.f32 v7, v0  }
0x53: {  	v8 =	vadd.f32 v8, v0;
	v6 =	vld [tilespmem:s17+$0x18760];
	[tilespmem:s7+$0x1C760] =	vst v10  }
0x54: {  	s19 =	simm.s32 $0x400;
	v7 =	vld [tilespmem:s17+$0x18700];
	[tilespmem:s7+$0x1C700] =	vst v9  }
.LBB2_3:
0x55: {  	s1 =	sshra.s32 s19, $0x2;
	p0 =	sne.s32 s19, $0x1E00;
	s19 =	sadd.s32 $0x200, s19;
	v9 =	vld [tilespmem:s17+$0x18770];
	[tilespmem:s7+$0x1C770] =	vst v8  }
0x56: {  	s7 =	smov.u32 s17;
	v1 =	vld.idx.msk [tilespmem:v1+s5+$0x0], $0xffff;
	s17 =	smov.u32 s1  }
0x57: {  	v2 =	vld.idx.msk [tilespmem:v2+s5+$0x0], $0xffff  }
0x58: {  	v3 =	vld.idx.msk [tilespmem:v3+s5+$0x0], $0xffff  }
0x59: {  	v4 =	vld.idx.msk [tilespmem:v4+s5+$0x0], $0xffff  }
0x5a: {  	v5 =	vld.idx.msk [tilespmem:v5+s5+$0x0], $0xffff  }
0x5b: {  	v6 =	vld.idx.msk [tilespmem:v6+s5+$0x0], $0xffff  }
0x5c: {  	v8 =	vadd.f32 v1, v0;
	v7 =	vld.idx.msk [tilespmem:v7+s5+$0x0], $0xffff  }
0x5d: {  	v10 =	vadd.f32 v2, v0;
	v9 =	vld.idx.msk [tilespmem:v9+s5+$0x0], $0xffff  }
0x5e: {  	v1 =	vld [tilespmem:s17+$0x18720];
	[tilespmem:s7+$0x1C720] =	vst v8;
	v8 =	vadd.f32 v3, v0  }
0x5f: {  	v11 =	vadd.f32 v4, v0;
	v2 =	vld [tilespmem:s17+$0x18740];
	[tilespmem:s7+$0x1C740] =	vst v10  }
.Ltmp0:
0x60: {  	v10 =	vadd.f32 v5, v0;
	v3 =	vld [tilespmem:s17+$0x18750];
	[tilespmem:s7+$0x1C750] =	vst v8;
	(pc) =	sbr.rel @p0 .LBB2_3-.Ltmp0, $4  }
0x61: {  	v8 =	vadd.f32 v6, v0;
	v4 =	vld [tilespmem:s17+$0x18730];
	[tilespmem:s7+$0x1C730] =	vst v11  }
0x62: {  	v11 =	vadd.f32 v7, v0;
	v5 =	vld [tilespmem:s17+$0x18710];
	[tilespmem:s7+$0x1C710] =	vst v10  }
0x63: {  	v6 =	vld [tilespmem:s17+$0x18760];
	[tilespmem:s7+$0x1C760] =	vst v8;
	v8 =	vadd.f32 v9, v0  }
0x64: {  	v7 =	vld [tilespmem:s17+$0x18700];
	[tilespmem:s7+$0x1C700] =	vst v11  }
0x65: {  	_ =	sdelay $0x2  }
0x66: {  	v9 =	vld [tilespmem:s17+$0x18770];
	[tilespmem:s7+$0x1C770] =	vst v8  }
0x67: {  	v1 =	vld.idx.msk [tilespmem:v1+s5+$0x0], $0xffff  }
0x68: {  	v2 =	vld.idx.msk [tilespmem:v2+s5+$0x0], $0xffff  }
0x69: {  	v3 =	vld.idx.msk [tilespmem:v3+s5+$0x0], $0xffff  }
0x6a: {  	v4 =	vld.idx.msk [tilespmem:v4+s5+$0x0], $0xffff  }
0x6b: {  	v5 =	vld.idx.msk [tilespmem:v5+s5+$0x0], $0xffff  }
0x6c: {  	v6 =	vld.idx.msk [tilespmem:v6+s5+$0x0], $0xffff;
	v1 =	vadd.f32 v1, v0  }
0x6d: {  	v7 =	vld.idx.msk [tilespmem:v7+s5+$0x0], $0xffff;
	v2 =	vadd.f32 v2, v0  }
0x6e: {  	v8 =	vld.idx.msk [tilespmem:v9+s5+$0x0], $0xffff;
	[tilespmem:s17+$0x1C720] =	vst v1;
	v1 =	vadd.f32 v3, v0  }
0x6f: {  	v3 =	vadd.f32 v4, v0;
	[tilespmem:s17+$0x1C740] =	vst v2  }
0x70: {  	v2 =	vadd.f32 v5, v0;
	[tilespmem:s17+$0x1C750] =	vst v1  }
0x71: {  	s4 =	sshll.u32 s4, $0xE;
	[tilespmem:s17+$0x1C730] =	vst v3;
	v1 =	vadd.f32 v6, v0  }
0x72: {  	s1 =	sand.u32 $0x7FFE0000, s4;
	v3 =	vadd.f32 v7, v0;
	[tilespmem:s17+$0x1C710] =	vst v2  }
0x73: {  	s1 =	sor.u32 s0, s1;
	[tilespmem:s17+$0x1C760] =	vst v1;
	v1 =	vadd.f32 v8, v0  }
0x74: {  	s7 =	sshrl.u32 s1, $0x3;
	[tilespmem:s17+$0x1C700] =	vst v3  }
0x75: {  	s19 =	simm.s32 $0x0;
	s1 =	sadd.s32 s3, s7;
	[tilespmem:s17+$0x1C770] =	vst v1  }
0x76: {  	[hbm4b:s1+s20] =	stream.strided.scatter [tilespmem:s23], [sflag:$0x2], $0x800, s21, s20, $0x38;
	[tilespmem:$0x1EC00] =	vst v63  }
0x77: {  	v1 =	vld [tilespmem:s19+$0x18F20]  }
0x78: {  	v2 =	vld [tilespmem:s19+$0x18F40]  }
0x79: {  	v3 =	vld [tilespmem:s19+$0x18F50]  }
0x7a: {  	v4 =	vld [tilespmem:s19+$0x18F30]  }
0x7b: {  	v5 =	vld [tilespmem:s19+$0x18F10]  }
0x7c: {  	v6 =	vld [tilespmem:s19+$0x18F60]  }
0x7d: {  	v7 =	vld [tilespmem:s19+$0x18F00]  }
0x7e: {  	v8 =	vld [tilespmem:s19+$0x18F70]  }
0x7f: {  	v1 =	vld.idx.msk [tilespmem:v1+s5+$0x0], $0xffff  }
0x80: {  	v2 =	vld.idx.msk [tilespmem:v2+s5+$0x0], $0xffff  }
0x81: {  	v3 =	vld.idx.msk [tilespmem:v3+s5+$0x0], $0xffff  }
0x82: {  	v4 =	vld.idx.msk [tilespmem:v4+s5+$0x0], $0xffff  }
0x83: {  	v5 =	vld.idx.msk [tilespmem:v5+s5+$0x0], $0xffff  }
0x84: {  	v6 =	vld.idx.msk [tilespmem:v6+s5+$0x0], $0xffff  }
0x85: {  	v7 =	vld.idx.msk [tilespmem:v7+s5+$0x0], $0xffff;
	v9 =	vadd.f32 v1, v0  }
0x86: {  	s17 =	simm.s32 $0x80;
	v8 =	vld.idx.msk [tilespmem:v8+s5+$0x0], $0xffff;
	v10 =	vadd.f32 v2, v0  }
0x87: {  	v1 =	vld [tilespmem:s17+$0x18F20];
	[tilespmem:s19+$0x1CF20] =	vst v9;
	v9 =	vadd.f32 v3, v0  }
0x88: {  	v2 =	vld [tilespmem:s17+$0x18F40];
	[tilespmem:s19+$0x1CF40] =	vst v10;
	v10 =	vadd.f32 v4, v0  }
0x89: {  	v3 =	vld [tilespmem:s17+$0x18F50];
	[tilespmem:s19+$0x1CF50] =	vst v9;
	v9 =	vadd.f32 v5, v0  }
0x8a: {  	v4 =	vld [tilespmem:s17+$0x18F30];
	[tilespmem:s19+$0x1CF30] =	vst v10;
	v10 =	vadd.f32 v6, v0  }
0x8b: {  	v5 =	vld [tilespmem:s17+$0x18F10];
	[tilespmem:s19+$0x1CF10] =	vst v9;
	v9 =	vadd.f32 v7, v0  }
0x8c: {  	v8 =	vadd.f32 v8, v0;
	v6 =	vld [tilespmem:s17+$0x18F60];
	[tilespmem:s19+$0x1CF60] =	vst v10  }
0x8d: {  	s29 =	simm.s32 $0x400;
	v7 =	vld [tilespmem:s17+$0x18F00];
	[tilespmem:s19+$0x1CF00] =	vst v9  }
.LBB2_5:
0x8e: {  	s1 =	sshra.s32 s29, $0x2;
	p0 =	sne.s32 s29, $0x1E00;
	s29 =	sadd.s32 $0x200, s29;
	v9 =	vld [tilespmem:s17+$0x18F70];
	[tilespmem:s19+$0x1CF70] =	vst v8  }
0x8f: {  	s19 =	smov.u32 s17;
	v1 =	vld.idx.msk [tilespmem:v1+s5+$0x0], $0xffff;
	s17 =	smov.u32 s1  }
0x90: {  	v2 =	vld.idx.msk [tilespmem:v2+s5+$0x0], $0xffff  }
0x91: {  	v3 =	vld.idx.msk [tilespmem:v3+s5+$0x0], $0xffff  }
0x92: {  	v4 =	vld.idx.msk [tilespmem:v4+s5+$0x0], $0xffff  }
0x93: {  	v5 =	vld.idx.msk [tilespmem:v5+s5+$0x0], $0xffff  }
0x94: {  	v6 =	vld.idx.msk [tilespmem:v6+s5+$0x0], $0xffff  }
0x95: {  	v8 =	vadd.f32 v1, v0;
	v7 =	vld.idx.msk [tilespmem:v7+s5+$0x0], $0xffff  }
0x96: {  	v10 =	vadd.f32 v2, v0;
	v9 =	vld.idx.msk [tilespmem:v9+s5+$0x0], $0xffff  }
0x97: {  	v1 =	vld [tilespmem:s17+$0x18F20];
	[tilespmem:s19+$0x1CF20] =	vst v8;
	v8 =	vadd.f32 v3, v0  }
0x98: {  	v11 =	vadd.f32 v4, v0;
	v2 =	vld [tilespmem:s17+$0x18F40];
	[tilespmem:s19+$0x1CF40] =	vst v10  }
.Ltmp1:
0x99: {  	v10 =	vadd.f32 v5, v0;
	v3 =	vld [tilespmem:s17+$0x18F50];
	[tilespmem:s19+$0x1CF50] =	vst v8;
	(pc) =	sbr.rel @p0 .LBB2_5-.Ltmp1, $4  }
0x9a: {  	v8 =	vadd.f32 v6, v0;
	v4 =	vld [tilespmem:s17+$0x18F30];
	[tilespmem:s19+$0x1CF30] =	vst v11  }
0x9b: {  	v11 =	vadd.f32 v7, v0;
	v5 =	vld [tilespmem:s17+$0x18F10];
	[tilespmem:s19+$0x1CF10] =	vst v10  }
0x9c: {  	v6 =	vld [tilespmem:s17+$0x18F60];
	[tilespmem:s19+$0x1CF60] =	vst v8;
	v8 =	vadd.f32 v9, v0  }
0x9d: {  	v7 =	vld [tilespmem:s17+$0x18F00];
	[tilespmem:s19+$0x1CF00] =	vst v11  }
0x9e: {  	_ =	sdelay $0x2  }
0x9f: {  	v9 =	vld [tilespmem:s17+$0x18F70];
	[tilespmem:s19+$0x1CF70] =	vst v8  }
0xa0: {  	v1 =	vld.idx.msk [tilespmem:v1+s5+$0x0], $0xffff  }
0xa1: {  	v2 =	vld.idx.msk [tilespmem:v2+s5+$0x0], $0xffff  }
0xa2: {  	v3 =	vld.idx.msk [tilespmem:v3+s5+$0x0], $0xffff  }
0xa3: {  	v4 =	vld.idx.msk [tilespmem:v4+s5+$0x0], $0xffff  }
0xa4: {  	v5 =	vld.idx.msk [tilespmem:v5+s5+$0x0], $0xffff  }
0xa5: {  	v6 =	vld.idx.msk [tilespmem:v6+s5+$0x0], $0xffff;
	v1 =	vadd.f32 v1, v0  }
0xa6: {  	v7 =	vld.idx.msk [tilespmem:v7+s5+$0x0], $0xffff;
	v2 =	vadd.f32 v2, v0  }
0xa7: {  	v8 =	vld.idx.msk [tilespmem:v9+s5+$0x0], $0xffff;
	[tilespmem:s17+$0x1CF20] =	vst v1;
	v1 =	vadd.f32 v3, v0  }
0xa8: {  	v3 =	vadd.f32 v4, v0;
	[tilespmem:s17+$0x1CF40] =	vst v2  }
0xa9: {  	v2 =	vadd.f32 v5, v0;
	[tilespmem:s17+$0x1CF50] =	vst v1  }
0xaa: {  	[tilespmem:s17+$0x1CF30] =	vst v3;
	v1 =	vadd.f32 v6, v0  }
0xab: {  	v3 =	vadd.f32 v7, v0;
	[tilespmem:s17+$0x1CF10] =	vst v2  }
0xac: {  	[tilespmem:s17+$0x1CF60] =	vst v1;
	v1 =	vadd.f32 v8, v0  }
0xad: {  	[tilespmem:s17+$0x1CF00] =	vst v3  }
0xae: {  	s1 =	sadd.s32 s7, s12;
	s19 =	simm.s32 $0x0;
	[tilespmem:s17+$0x1CF70] =	vst v1  }
0xaf: {  	[hbm4b:s1+s20] =	stream.strided.scatter [tilespmem:s24], [sflag:$0x2], $0x800, s21, s20, $0x38;
	[tilespmem:$0x1EC00] =	vst v63  }
0xb0: {  	v1 =	vld [tilespmem:s19+$0x19720]  }
0xb1: {  	v2 =	vld [tilespmem:s19+$0x19740]  }
0xb2: {  	v3 =	vld [tilespmem:s19+$0x19750]  }
0xb3: {  	v4 =	vld [tilespmem:s19+$0x19730]  }
0xb4: {  	v5 =	vld [tilespmem:s19+$0x19710]  }
0xb5: {  	v6 =	vld [tilespmem:s19+$0x19760]  }
0xb6: {  	v7 =	vld [tilespmem:s19+$0x19700]  }
0xb7: {  	v8 =	vld [tilespmem:s19+$0x19770]  }
0xb8: {  	v1 =	vld.idx.msk [tilespmem:v1+s5+$0x0], $0xffff  }
0xb9: {  	v2 =	vld.idx.msk [tilespmem:v2+s5+$0x0], $0xffff  }
0xba: {  	v3 =	vld.idx.msk [tilespmem:v3+s5+$0x0], $0xffff  }
0xbb: {  	v4 =	vld.idx.msk [tilespmem:v4+s5+$0x0], $0xffff  }
0xbc: {  	v5 =	vld.idx.msk [tilespmem:v5+s5+$0x0], $0xffff  }
0xbd: {  	v6 =	vld.idx.msk [tilespmem:v6+s5+$0x0], $0xffff  }
0xbe: {  	v7 =	vld.idx.msk [tilespmem:v7+s5+$0x0], $0xffff;
	v9 =	vadd.f32 v1, v0  }
0xbf: {  	s17 =	simm.s32 $0x80;
	v8 =	vld.idx.msk [tilespmem:v8+s5+$0x0], $0xffff;
	v10 =	vadd.f32 v2, v0  }
0xc0: {  	v1 =	vld [tilespmem:s17+$0x19720];
	[tilespmem:s19+$0x1D720] =	vst v9;
	v9 =	vadd.f32 v3, v0  }
0xc1: {  	v2 =	vld [tilespmem:s17+$0x19740];
	[tilespmem:s19+$0x1D740] =	vst v10;
	v10 =	vadd.f32 v4, v0  }
0xc2: {  	v3 =	vld [tilespmem:s17+$0x19750];
	[tilespmem:s19+$0x1D750] =	vst v9;
	v9 =	vadd.f32 v5, v0  }
0xc3: {  	v4 =	vld [tilespmem:s17+$0x19730];
	[tilespmem:s19+$0x1D730] =	vst v10;
	v10 =	vadd.f32 v6, v0  }
0xc4: {  	v5 =	vld [tilespmem:s17+$0x19710];
	[tilespmem:s19+$0x1D710] =	vst v9;
	v9 =	vadd.f32 v7, v0  }
0xc5: {  	v8 =	vadd.f32 v8, v0;
	v6 =	vld [tilespmem:s17+$0x19760];
	[tilespmem:s19+$0x1D760] =	vst v10  }
0xc6: {  	s29 =	simm.s32 $0x400;
	v7 =	vld [tilespmem:s17+$0x19700];
	[tilespmem:s19+$0x1D700] =	vst v9  }
.LBB2_7:
0xc7: {  	s1 =	sshra.s32 s29, $0x2;
	p0 =	sne.s32 s29, $0x1E00;
	s29 =	sadd.s32 $0x200, s29;
	v9 =	vld [tilespmem:s17+$0x19770];
	[tilespmem:s19+$0x1D770] =	vst v8  }
0xc8: {  	s19 =	smov.u32 s17;
	v1 =	vld.idx.msk [tilespmem:v1+s5+$0x0], $0xffff;
	s17 =	smov.u32 s1  }
0xc9: {  	v2 =	vld.idx.msk [tilespmem:v2+s5+$0x0], $0xffff  }
0xca: {  	v3 =	vld.idx.msk [tilespmem:v3+s5+$0x0], $0xffff  }
0xcb: {  	v4 =	vld.idx.msk [tilespmem:v4+s5+$0x0], $0xffff  }
0xcc: {  	v5 =	vld.idx.msk [tilespmem:v5+s5+$0x0], $0xffff  }
0xcd: {  	v6 =	vld.idx.msk [tilespmem:v6+s5+$0x0], $0xffff  }
0xce: {  	v8 =	vadd.f32 v1, v0;
	v7 =	vld.idx.msk [tilespmem:v7+s5+$0x0], $0xffff  }
0xcf: {  	v10 =	vadd.f32 v2, v0;
	v9 =	vld.idx.msk [tilespmem:v9+s5+$0x0], $0xffff  }
0xd0: {  	v1 =	vld [tilespmem:s17+$0x19720];
	[tilespmem:s19+$0x1D720] =	vst v8;
	v8 =	vadd.f32 v3, v0  }
0xd1: {  	v11 =	vadd.f32 v4, v0;
	v2 =	vld [tilespmem:s17+$0x19740];
	[tilespmem:s19+$0x1D740] =	vst v10  }
.Ltmp2:
0xd2: {  	v10 =	vadd.f32 v5, v0;
	v3 =	vld [tilespmem:s17+$0x19750];
	[tilespmem:s19+$0x1D750] =	vst v8;
	(pc) =	sbr.rel @p0 .LBB2_7-.Ltmp2, $4  }
0xd3: {  	v8 =	vadd.f32 v6, v0;
	v4 =	vld [tilespmem:s17+$0x19730];
	[tilespmem:s19+$0x1D730] =	vst v11  }
0xd4: {  	v11 =	vadd.f32 v7, v0;
	v5 =	vld [tilespmem:s17+$0x19710];
	[tilespmem:s19+$0x1D710] =	vst v10  }
0xd5: {  	v6 =	vld [tilespmem:s17+$0x19760];
	[tilespmem:s19+$0x1D760] =	vst v8;
	v8 =	vadd.f32 v9, v0  }
0xd6: {  	v7 =	vld [tilespmem:s17+$0x19700];
	[tilespmem:s19+$0x1D700] =	vst v11  }
0xd7: {  	_ =	sdelay $0x2  }
0xd8: {  	v9 =	vld [tilespmem:s17+$0x19770];
	[tilespmem:s19+$0x1D770] =	vst v8  }
0xd9: {  	v1 =	vld.idx.msk [tilespmem:v1+s5+$0x0], $0xffff  }
0xda: {  	v2 =	vld.idx.msk [tilespmem:v2+s5+$0x0], $0xffff  }
0xdb: {  	v3 =	vld.idx.msk [tilespmem:v3+s5+$0x0], $0xffff  }
0xdc: {  	v4 =	vld.idx.msk [tilespmem:v4+s5+$0x0], $0xffff  }
0xdd: {  	v5 =	vld.idx.msk [tilespmem:v5+s5+$0x0], $0xffff  }
0xde: {  	v6 =	vld.idx.msk [tilespmem:v6+s5+$0x0], $0xffff;
	v1 =	vadd.f32 v1, v0  }
0xdf: {  	v7 =	vld.idx.msk [tilespmem:v7+s5+$0x0], $0xffff;
	v2 =	vadd.f32 v2, v0  }
0xe0: {  	v8 =	vld.idx.msk [tilespmem:v9+s5+$0x0], $0xffff;
	[tilespmem:s17+$0x1D720] =	vst v1;
	v1 =	vadd.f32 v3, v0  }
0xe1: {  	v3 =	vadd.f32 v4, v0;
	[tilespmem:s17+$0x1D740] =	vst v2  }
0xe2: {  	v2 =	vadd.f32 v5, v0;
	[tilespmem:s17+$0x1D750] =	vst v1  }
0xe3: {  	[tilespmem:s17+$0x1D730] =	vst v3;
	v1 =	vadd.f32 v6, v0  }
0xe4: {  	v3 =	vadd.f32 v7, v0;
	[tilespmem:s17+$0x1D710] =	vst v2  }
0xe5: {  	[tilespmem:s17+$0x1D760] =	vst v1;
	v1 =	vadd.f32 v8, v0  }
0xe6: {  	[tilespmem:s17+$0x1D700] =	vst v3  }
0xe7: {  	s1 =	sadd.s32 s7, s13;
	s19 =	simm.s32 $0x0;
	[tilespmem:s17+$0x1D770] =	vst v1  }
0xe8: {  	[hbm4b:s1+s20] =	stream.strided.scatter [tilespmem:s25], [sflag:$0x2], $0x800, s21, s20, $0x38;
	[tilespmem:$0x1EC00] =	vst v63  }
0xe9: {  	v1 =	vld [tilespmem:s19+$0x19F20]  }
0xea: {  	v2 =	vld [tilespmem:s19+$0x19F40]  }
0xeb: {  	v3 =	vld [tilespmem:s19+$0x19F50]  }
0xec: {  	v4 =	vld [tilespmem:s19+$0x19F30]  }
0xed: {  	v5 =	vld [tilespmem:s19+$0x19F10]  }
0xee: {  	v6 =	vld [tilespmem:s19+$0x19F60]  }
0xef: {  	v7 =	vld [tilespmem:s19+$0x19F00]  }
0xf0: {  	v8 =	vld [tilespmem:s19+$0x19F70]  }
0xf1: {  	v1 =	vld.idx.msk [tilespmem:v1+s5+$0x0], $0xffff  }
0xf2: {  	v2 =	vld.idx.msk [tilespmem:v2+s5+$0x0], $0xffff  }
0xf3: {  	v3 =	vld.idx.msk [tilespmem:v3+s5+$0x0], $0xffff  }
0xf4: {  	v4 =	vld.idx.msk [tilespmem:v4+s5+$0x0], $0xffff  }
0xf5: {  	v5 =	vld.idx.msk [tilespmem:v5+s5+$0x0], $0xffff  }
0xf6: {  	v6 =	vld.idx.msk [tilespmem:v6+s5+$0x0], $0xffff  }
0xf7: {  	v7 =	vld.idx.msk [tilespmem:v7+s5+$0x0], $0xffff;
	v9 =	vadd.f32 v1, v0  }
0xf8: {  	s17 =	simm.s32 $0x80;
	v8 =	vld.idx.msk [tilespmem:v8+s5+$0x0], $0xffff;
	v10 =	vadd.f32 v2, v0  }
0xf9: {  	v1 =	vld [tilespmem:s17+$0x19F20];
	[tilespmem:s19+$0x1DF20] =	vst v9;
	v9 =	vadd.f32 v3, v0  }
0xfa: {  	v2 =	vld [tilespmem:s17+$0x19F40];
	[tilespmem:s19+$0x1DF40] =	vst v10;
	v10 =	vadd.f32 v4, v0  }
0xfb: {  	v3 =	vld [tilespmem:s17+$0x19F50];
	[tilespmem:s19+$0x1DF50] =	vst v9;
	v9 =	vadd.f32 v5, v0  }
0xfc: {  	v4 =	vld [tilespmem:s17+$0x19F30];
	[tilespmem:s19+$0x1DF30] =	vst v10;
	v10 =	vadd.f32 v6, v0  }
0xfd: {  	v5 =	vld [tilespmem:s17+$0x19F10];
	[tilespmem:s19+$0x1DF10] =	vst v9;
	v9 =	vadd.f32 v7, v0  }
0xfe: {  	v8 =	vadd.f32 v8, v0;
	v6 =	vld [tilespmem:s17+$0x19F60];
	[tilespmem:s19+$0x1DF60] =	vst v10  }
0xff: {  	s29 =	simm.s32 $0x400;
	v7 =	vld [tilespmem:s17+$0x19F00];
	[tilespmem:s19+$0x1DF00] =	vst v9  }
.LBB2_9:
0x100: {  	s1 =	sshra.s32 s29, $0x2;
	p0 =	sne.s32 s29, $0x1E00;
	s29 =	sadd.s32 $0x200, s29;
	v9 =	vld [tilespmem:s17+$0x19F70];
	[tilespmem:s19+$0x1DF70] =	vst v8  }
0x101: {  	s19 =	smov.u32 s17;
	v1 =	vld.idx.msk [tilespmem:v1+s5+$0x0], $0xffff;
	s17 =	smov.u32 s1  }
0x102: {  	v2 =	vld.idx.msk [tilespmem:v2+s5+$0x0], $0xffff  }
0x103: {  	v3 =	vld.idx.msk [tilespmem:v3+s5+$0x0], $0xffff  }
0x104: {  	v4 =	vld.idx.msk [tilespmem:v4+s5+$0x0], $0xffff  }
0x105: {  	v5 =	vld.idx.msk [tilespmem:v5+s5+$0x0], $0xffff  }
0x106: {  	v6 =	vld.idx.msk [tilespmem:v6+s5+$0x0], $0xffff  }
0x107: {  	v8 =	vadd.f32 v1, v0;
	v7 =	vld.idx.msk [tilespmem:v7+s5+$0x0], $0xffff  }
0x108: {  	v10 =	vadd.f32 v2, v0;
	v9 =	vld.idx.msk [tilespmem:v9+s5+$0x0], $0xffff  }
0x109: {  	v1 =	vld [tilespmem:s17+$0x19F20];
	[tilespmem:s19+$0x1DF20] =	vst v8;
	v8 =	vadd.f32 v3, v0  }
0x10a: {  	v11 =	vadd.f32 v4, v0;
	v2 =	vld [tilespmem:s17+$0x19F40];
	[tilespmem:s19+$0x1DF40] =	vst v10  }
.Ltmp3:
0x10b: {  	v10 =	vadd.f32 v5, v0;
	v3 =	vld [tilespmem:s17+$0x19F50];
	[tilespmem:s19+$0x1DF50] =	vst v8;
	(pc) =	sbr.rel @p0 .LBB2_9-.Ltmp3, $4  }
0x10c: {  	v8 =	vadd.f32 v6, v0;
	v4 =	vld [tilespmem:s17+$0x19F30];
	[tilespmem:s19+$0x1DF30] =	vst v11  }
0x10d: {  	v11 =	vadd.f32 v7, v0;
	v5 =	vld [tilespmem:s17+$0x19F10];
	[tilespmem:s19+$0x1DF10] =	vst v10  }
0x10e: {  	v6 =	vld [tilespmem:s17+$0x19F60];
	[tilespmem:s19+$0x1DF60] =	vst v8;
	v8 =	vadd.f32 v9, v0  }
0x10f: {  	v7 =	vld [tilespmem:s17+$0x19F00];
	[tilespmem:s19+$0x1DF00] =	vst v11  }
0x110: {  	_ =	sdelay $0x2  }
0x111: {  	v9 =	vld [tilespmem:s17+$0x19F70];
	[tilespmem:s19+$0x1DF70] =	vst v8  }
0x112: {  	v1 =	vld.idx.msk [tilespmem:v1+s5+$0x0], $0xffff  }
0x113: {  	v2 =	vld.idx.msk [tilespmem:v2+s5+$0x0], $0xffff  }
0x114: {  	v3 =	vld.idx.msk [tilespmem:v3+s5+$0x0], $0xffff  }
0x115: {  	v4 =	vld.idx.msk [tilespmem:v4+s5+$0x0], $0xffff  }
0x116: {  	v5 =	vld.idx.msk [tilespmem:v5+s5+$0x0], $0xffff  }
0x117: {  	v6 =	vld.idx.msk [tilespmem:v6+s5+$0x0], $0xffff;
	v1 =	vadd.f32 v1, v0  }
0x118: {  	v7 =	vld.idx.msk [tilespmem:v7+s5+$0x0], $0xffff;
	v2 =	vadd.f32 v2, v0  }
0x119: {  	v8 =	vld.idx.msk [tilespmem:v9+s5+$0x0], $0xffff;
	[tilespmem:s17+$0x1DF20] =	vst v1;
	v1 =	vadd.f32 v3, v0  }
0x11a: {  	v3 =	vadd.f32 v4, v0;
	[tilespmem:s17+$0x1DF40] =	vst v2  }
0x11b: {  	v2 =	vadd.f32 v5, v0;
	[tilespmem:s17+$0x1DF50] =	vst v1  }
0x11c: {  	[tilespmem:s17+$0x1DF30] =	vst v3;
	v1 =	vadd.f32 v6, v0  }
0x11d: {  	v3 =	vadd.f32 v7, v0;
	[tilespmem:s17+$0x1DF10] =	vst v2  }
0x11e: {  	[tilespmem:s17+$0x1DF60] =	vst v1;
	v1 =	vadd.f32 v8, v0  }
0x11f: {  	[tilespmem:s17+$0x1DF00] =	vst v3  }
0x120: {  	s1 =	sadd.s32 s7, s14;
	[tilespmem:s17+$0x1DF70] =	vst v1  }
0x121: {  	[hbm4b:s1+s20] =	stream.strided.scatter [tilespmem:s26], [sflag:$0x2], $0x800, s21, s20, $0x38;
	[tilespmem:$0x1EC00] =	vst v63  }
0x122: {  	_ =	swait.ge [sflag:s28], $0x800  }
0x123: {  	[sflag:s28] =	ssyncset.done $0x0  }
0x124: {  	s19 =	simm.s32 $0x0;
	[sflag:s28] =	ssyncadd.s32 $0xFFFFF800  }
0x125: {  	v1 =	vld [tilespmem:s19+$0x1A720]  }
0x126: {  	v2 =	vld [tilespmem:s19+$0x1A740]  }
0x127: {  	v3 =	vld [tilespmem:s19+$0x1A750]  }
0x128: {  	v4 =	vld [tilespmem:s19+$0x1A730]  }
0x129: {  	v5 =	vld [tilespmem:s19+$0x1A710]  }
0x12a: {  	v6 =	vld [tilespmem:s19+$0x1A760]  }
0x12b: {  	v7 =	vld [tilespmem:s19+$0x1A700]  }
0x12c: {  	v8 =	vld [tilespmem:s19+$0x1A770]  }
0x12d: {  	v1 =	vld.idx.msk [tilespmem:v1+s5+$0x0], $0xffff  }
0x12e: {  	v2 =	vld.idx.msk [tilespmem:v2+s5+$0x0], $0xffff  }
0x12f: {  	v3 =	vld.idx.msk [tilespmem:v3+s5+$0x0], $0xffff  }
0x130: {  	v4 =	vld.idx.msk [tilespmem:v4+s5+$0x0], $0xffff  }
0x131: {  	v5 =	vld.idx.msk [tilespmem:v5+s5+$0x0], $0xffff  }
0x132: {  	v6 =	vld.idx.msk [tilespmem:v6+s5+$0x0], $0xffff  }
0x133: {  	v7 =	vld.idx.msk [tilespmem:v7+s5+$0x0], $0xffff;
	v9 =	vadd.f32 v1, v0  }
0x134: {  	s17 =	simm.s32 $0x80;
	v8 =	vld.idx.msk [tilespmem:v8+s5+$0x0], $0xffff;
	v10 =	vadd.f32 v2, v0  }
0x135: {  	v1 =	vld [tilespmem:s17+$0x1A720];
	[tilespmem:s19+$0x1C720] =	vst v9;
	v9 =	vadd.f32 v3, v0  }
0x136: {  	v2 =	vld [tilespmem:s17+$0x1A740];
	[tilespmem:s19+$0x1C740] =	vst v10;
	v10 =	vadd.f32 v4, v0  }
0x137: {  	v3 =	vld [tilespmem:s17+$0x1A750];
	[tilespmem:s19+$0x1C750] =	vst v9;
	v9 =	vadd.f32 v5, v0  }
0x138: {  	v4 =	vld [tilespmem:s17+$0x1A730];
	[tilespmem:s19+$0x1C730] =	vst v10;
	v10 =	vadd.f32 v6, v0  }
0x139: {  	v5 =	vld [tilespmem:s17+$0x1A710];
	[tilespmem:s19+$0x1C710] =	vst v9;
	v9 =	vadd.f32 v7, v0  }
0x13a: {  	v8 =	vadd.f32 v8, v0;
	v6 =	vld [tilespmem:s17+$0x1A760];
	[tilespmem:s19+$0x1C760] =	vst v10  }
0x13b: {  	s29 =	simm.s32 $0x400;
	v7 =	vld [tilespmem:s17+$0x1A700];
	[tilespmem:s19+$0x1C700] =	vst v9  }
.LBB2_11:
0x13c: {  	s1 =	sshra.s32 s29, $0x2;
	p0 =	sne.s32 s29, $0x1E00;
	s29 =	sadd.s32 $0x200, s29;
	v9 =	vld [tilespmem:s17+$0x1A770];
	[tilespmem:s19+$0x1C770] =	vst v8  }
0x13d: {  	s19 =	smov.u32 s17;
	v1 =	vld.idx.msk [tilespmem:v1+s5+$0x0], $0xffff;
	s17 =	smov.u32 s1  }
0x13e: {  	v2 =	vld.idx.msk [tilespmem:v2+s5+$0x0], $0xffff  }
0x13f: {  	v3 =	vld.idx.msk [tilespmem:v3+s5+$0x0], $0xffff  }
0x140: {  	v4 =	vld.idx.msk [tilespmem:v4+s5+$0x0], $0xffff  }
0x141: {  	v5 =	vld.idx.msk [tilespmem:v5+s5+$0x0], $0xffff  }
0x142: {  	v6 =	vld.idx.msk [tilespmem:v6+s5+$0x0], $0xffff  }
0x143: {  	v8 =	vadd.f32 v1, v0;
	v7 =	vld.idx.msk [tilespmem:v7+s5+$0x0], $0xffff  }
0x144: {  	v10 =	vadd.f32 v2, v0;
	v9 =	vld.idx.msk [tilespmem:v9+s5+$0x0], $0xffff  }
0x145: {  	v1 =	vld [tilespmem:s17+$0x1A720];
	[tilespmem:s19+$0x1C720] =	vst v8;
	v8 =	vadd.f32 v3, v0  }
0x146: {  	v11 =	vadd.f32 v4, v0;
	v2 =	vld [tilespmem:s17+$0x1A740];
	[tilespmem:s19+$0x1C740] =	vst v10  }
.Ltmp4:
0x147: {  	v10 =	vadd.f32 v5, v0;
	v3 =	vld [tilespmem:s17+$0x1A750];
	[tilespmem:s19+$0x1C750] =	vst v8;
	(pc) =	sbr.rel @p0 .LBB2_11-.Ltmp4, $4  }
0x148: {  	v8 =	vadd.f32 v6, v0;
	v4 =	vld [tilespmem:s17+$0x1A730];
	[tilespmem:s19+$0x1C730] =	vst v11  }
0x149: {  	v11 =	vadd.f32 v7, v0;
	v5 =	vld [tilespmem:s17+$0x1A710];
	[tilespmem:s19+$0x1C710] =	vst v10  }
0x14a: {  	v6 =	vld [tilespmem:s17+$0x1A760];
	[tilespmem:s19+$0x1C760] =	vst v8;
	v8 =	vadd.f32 v9, v0  }
0x14b: {  	v7 =	vld [tilespmem:s17+$0x1A700];
	[tilespmem:s19+$0x1C700] =	vst v11  }
0x14c: {  	_ =	sdelay $0x2  }
0x14d: {  	v9 =	vld [tilespmem:s17+$0x1A770];
	[tilespmem:s19+$0x1C770] =	vst v8  }
0x14e: {  	v1 =	vld.idx.msk [tilespmem:v1+s5+$0x0], $0xffff  }
0x14f: {  	v2 =	vld.idx.msk [tilespmem:v2+s5+$0x0], $0xffff  }
0x150: {  	v3 =	vld.idx.msk [tilespmem:v3+s5+$0x0], $0xffff  }
0x151: {  	v4 =	vld.idx.msk [tilespmem:v4+s5+$0x0], $0xffff  }
0x152: {  	v5 =	vld.idx.msk [tilespmem:v5+s5+$0x0], $0xffff  }
0x153: {  	v6 =	vld.idx.msk [tilespmem:v6+s5+$0x0], $0xffff;
	v1 =	vadd.f32 v1, v0  }
0x154: {  	v7 =	vld.idx.msk [tilespmem:v7+s5+$0x0], $0xffff;
	v2 =	vadd.f32 v2, v0  }
0x155: {  	v8 =	vld.idx.msk [tilespmem:v9+s5+$0x0], $0xffff;
	[tilespmem:s17+$0x1C720] =	vst v1;
	v1 =	vadd.f32 v3, v0  }
0x156: {  	v3 =	vadd.f32 v4, v0;
	[tilespmem:s17+$0x1C740] =	vst v2  }
0x157: {  	v2 =	vadd.f32 v5, v0;
	[tilespmem:s17+$0x1C750] =	vst v1  }
0x158: {  	[tilespmem:s17+$0x1C730] =	vst v3;
	v1 =	vadd.f32 v6, v0  }
0x159: {  	v3 =	vadd.f32 v7, v0;
	[tilespmem:s17+$0x1C710] =	vst v2  }
0x15a: {  	[tilespmem:s17+$0x1C760] =	vst v1;
	v1 =	vadd.f32 v8, v0  }
0x15b: {  	[tilespmem:s17+$0x1C700] =	vst v3  }
0x15c: {  	s1 =	sadd.s32 s7, s11;
	[tilespmem:s17+$0x1C770] =	vst v1  }
0x15d: {  	[hbm4b:s1+s20] =	stream.strided.scatter [tilespmem:s23], [sflag:$0x2], $0x800, s21, s20, $0x38;
	[tilespmem:$0x1EC00] =	vst v63  }
0x15e: {  	_ =	swait.ge [sflag:s28], $0x800  }
0x15f: {  	[sflag:s28] =	ssyncset.done $0x0  }
0x160: {  	s19 =	simm.s32 $0x0;
	[sflag:s28] =	ssyncadd.s32 $0xFFFFF800  }
0x161: {  	v1 =	vld [tilespmem:s19+$0x1AF20]  }
0x162: {  	v2 =	vld [tilespmem:s19+$0x1AF40]  }
0x163: {  	v3 =	vld [tilespmem:s19+$0x1AF50]  }
0x164: {  	v4 =	vld [tilespmem:s19+$0x1AF30]  }
0x165: {  	v5 =	vld [tilespmem:s19+$0x1AF10]  }
0x166: {  	v6 =	vld [tilespmem:s19+$0x1AF60]  }
0x167: {  	v7 =	vld [tilespmem:s19+$0x1AF00]  }
0x168: {  	v8 =	vld [tilespmem:s19+$0x1AF70]  }
0x169: {  	v1 =	vld.idx.msk [tilespmem:v1+s5+$0x0], $0xffff  }
0x16a: {  	v2 =	vld.idx.msk [tilespmem:v2+s5+$0x0], $0xffff  }
0x16b: {  	v3 =	vld.idx.msk [tilespmem:v3+s5+$0x0], $0xffff  }
0x16c: {  	v4 =	vld.idx.msk [tilespmem:v4+s5+$0x0], $0xffff  }
0x16d: {  	v5 =	vld.idx.msk [tilespmem:v5+s5+$0x0], $0xffff  }
0x16e: {  	v6 =	vld.idx.msk [tilespmem:v6+s5+$0x0], $0xffff  }
0x16f: {  	v7 =	vld.idx.msk [tilespmem:v7+s5+$0x0], $0xffff;
	v9 =	vadd.f32 v1, v0  }
0x170: {  	s17 =	simm.s32 $0x80;
	v8 =	vld.idx.msk [tilespmem:v8+s5+$0x0], $0xffff;
	v10 =	vadd.f32 v2, v0  }
0x171: {  	v1 =	vld [tilespmem:s17+$0x1AF20];
	[tilespmem:s19+$0x1CF20] =	vst v9;
	v9 =	vadd.f32 v3, v0  }
0x172: {  	v2 =	vld [tilespmem:s17+$0x1AF40];
	[tilespmem:s19+$0x1CF40] =	vst v10;
	v10 =	vadd.f32 v4, v0  }
0x173: {  	v3 =	vld [tilespmem:s17+$0x1AF50];
	[tilespmem:s19+$0x1CF50] =	vst v9;
	v9 =	vadd.f32 v5, v0  }
0x174: {  	v4 =	vld [tilespmem:s17+$0x1AF30];
	[tilespmem:s19+$0x1CF30] =	vst v10;
	v10 =	vadd.f32 v6, v0  }
0x175: {  	v5 =	vld [tilespmem:s17+$0x1AF10];
	[tilespmem:s19+$0x1CF10] =	vst v9;
	v9 =	vadd.f32 v7, v0  }
0x176: {  	v8 =	vadd.f32 v8, v0;
	v6 =	vld [tilespmem:s17+$0x1AF60];
	[tilespmem:s19+$0x1CF60] =	vst v10  }
0x177: {  	s29 =	simm.s32 $0x400;
	v7 =	vld [tilespmem:s17+$0x1AF00];
	[tilespmem:s19+$0x1CF00] =	vst v9  }
.LBB2_13:
0x178: {  	s1 =	sshra.s32 s29, $0x2;
	p0 =	sne.s32 s29, $0x1E00;
	s29 =	sadd.s32 $0x200, s29;
	v9 =	vld [tilespmem:s17+$0x1AF70];
	[tilespmem:s19+$0x1CF70] =	vst v8  }
0x179: {  	s19 =	smov.u32 s17;
	v1 =	vld.idx.msk [tilespmem:v1+s5+$0x0], $0xffff;
	s17 =	smov.u32 s1  }
0x17a: {  	v2 =	vld.idx.msk [tilespmem:v2+s5+$0x0], $0xffff  }
0x17b: {  	v3 =	vld.idx.msk [tilespmem:v3+s5+$0x0], $0xffff  }
0x17c: {  	v4 =	vld.idx.msk [tilespmem:v4+s5+$0x0], $0xffff  }
0x17d: {  	v5 =	vld.idx.msk [tilespmem:v5+s5+$0x0], $0xffff  }
0x17e: {  	v6 =	vld.idx.msk [tilespmem:v6+s5+$0x0], $0xffff  }
0x17f: {  	v8 =	vadd.f32 v1, v0;
	v7 =	vld.idx.msk [tilespmem:v7+s5+$0x0], $0xffff  }
0x180: {  	v10 =	vadd.f32 v2, v0;
	v9 =	vld.idx.msk [tilespmem:v9+s5+$0x0], $0xffff  }
0x181: {  	v1 =	vld [tilespmem:s17+$0x1AF20];
	[tilespmem:s19+$0x1CF20] =	vst v8;
	v8 =	vadd.f32 v3, v0  }
0x182: {  	v11 =	vadd.f32 v4, v0;
	v2 =	vld [tilespmem:s17+$0x1AF40];
	[tilespmem:s19+$0x1CF40] =	vst v10  }
.Ltmp5:
0x183: {  	v10 =	vadd.f32 v5, v0;
	v3 =	vld [tilespmem:s17+$0x1AF50];
	[tilespmem:s19+$0x1CF50] =	vst v8;
	(pc) =	sbr.rel @p0 .LBB2_13-.Ltmp5, $4  }
0x184: {  	v8 =	vadd.f32 v6, v0;
	v4 =	vld [tilespmem:s17+$0x1AF30];
	[tilespmem:s19+$0x1CF30] =	vst v11  }
0x185: {  	v11 =	vadd.f32 v7, v0;
	v5 =	vld [tilespmem:s17+$0x1AF10];
	[tilespmem:s19+$0x1CF10] =	vst v10  }
0x186: {  	v6 =	vld [tilespmem:s17+$0x1AF60];
	[tilespmem:s19+$0x1CF60] =	vst v8;
	v8 =	vadd.f32 v9, v0  }
0x187: {  	v7 =	vld [tilespmem:s17+$0x1AF00];
	[tilespmem:s19+$0x1CF00] =	vst v11  }
0x188: {  	_ =	sdelay $0x2  }
0x189: {  	v9 =	vld [tilespmem:s17+$0x1AF70];
	[tilespmem:s19+$0x1CF70] =	vst v8  }
0x18a: {  	v1 =	vld.idx.msk [tilespmem:v1+s5+$0x0], $0xffff  }
0x18b: {  	v2 =	vld.idx.msk [tilespmem:v2+s5+$0x0], $0xffff  }
0x18c: {  	v3 =	vld.idx.msk [tilespmem:v3+s5+$0x0], $0xffff  }
0x18d: {  	v4 =	vld.idx.msk [tilespmem:v4+s5+$0x0], $0xffff  }
0x18e: {  	v5 =	vld.idx.msk [tilespmem:v5+s5+$0x0], $0xffff  }
0x18f: {  	v6 =	vld.idx.msk [tilespmem:v6+s5+$0x0], $0xffff;
	v1 =	vadd.f32 v1, v0  }
0x190: {  	v7 =	vld.idx.msk [tilespmem:v7+s5+$0x0], $0xffff;
	v2 =	vadd.f32 v2, v0  }
0x191: {  	v8 =	vld.idx.msk [tilespmem:v9+s5+$0x0], $0xffff;
	[tilespmem:s17+$0x1CF20] =	vst v1;
	v1 =	vadd.f32 v3, v0  }
0x192: {  	v3 =	vadd.f32 v4, v0;
	[tilespmem:s17+$0x1CF40] =	vst v2  }
0x193: {  	v2 =	vadd.f32 v5, v0;
	[tilespmem:s17+$0x1CF50] =	vst v1  }
0x194: {  	[tilespmem:s17+$0x1CF30] =	vst v3;
	v1 =	vadd.f32 v6, v0  }
0x195: {  	v3 =	vadd.f32 v7, v0;
	[tilespmem:s17+$0x1CF10] =	vst v2  }
0x196: {  	[tilespmem:s17+$0x1CF60] =	vst v1;
	v1 =	vadd.f32 v8, v0  }
0x197: {  	[tilespmem:s17+$0x1CF00] =	vst v3  }
0x198: {  	s1 =	sadd.s32 s7, s15;
	[tilespmem:s17+$0x1CF70] =	vst v1  }
0x199: {  	[hbm4b:s1+s20] =	stream.strided.scatter [tilespmem:s24], [sflag:$0x2], $0x800, s21, s20, $0x38;
	[tilespmem:$0x1EC00] =	vst v63  }
0x19a: {  	_ =	swait.ge [sflag:s28], $0x800  }
0x19b: {  	[sflag:s28] =	ssyncset.done $0x0  }
0x19c: {  	s19 =	simm.s32 $0x0;
	[sflag:s28] =	ssyncadd.s32 $0xFFFFF800  }
0x19d: {  	v1 =	vld [tilespmem:s19+$0x1B720]  }
0x19e: {  	v2 =	vld [tilespmem:s19+$0x1B740]  }
0x19f: {  	v3 =	vld [tilespmem:s19+$0x1B750]  }
0x1a0: {  	v4 =	vld [tilespmem:s19+$0x1B730]  }
0x1a1: {  	v5 =	vld [tilespmem:s19+$0x1B710]  }
0x1a2: {  	v6 =	vld [tilespmem:s19+$0x1B760]  }
0x1a3: {  	v7 =	vld [tilespmem:s19+$0x1B700]  }
0x1a4: {  	v8 =	vld [tilespmem:s19+$0x1B770]  }
0x1a5: {  	v1 =	vld.idx.msk [tilespmem:v1+s5+$0x0], $0xffff  }
0x1a6: {  	v2 =	vld.idx.msk [tilespmem:v2+s5+$0x0], $0xffff  }
0x1a7: {  	v3 =	vld.idx.msk [tilespmem:v3+s5+$0x0], $0xffff  }
0x1a8: {  	v4 =	vld.idx.msk [tilespmem:v4+s5+$0x0], $0xffff  }
0x1a9: {  	v5 =	vld.idx.msk [tilespmem:v5+s5+$0x0], $0xffff  }
0x1aa: {  	v6 =	vld.idx.msk [tilespmem:v6+s5+$0x0], $0xffff  }
0x1ab: {  	v7 =	vld.idx.msk [tilespmem:v7+s5+$0x0], $0xffff;
	v9 =	vadd.f32 v1, v0  }
0x1ac: {  	s17 =	simm.s32 $0x80;
	v8 =	vld.idx.msk [tilespmem:v8+s5+$0x0], $0xffff;
	v10 =	vadd.f32 v2, v0  }
0x1ad: {  	v1 =	vld [tilespmem:s17+$0x1B720];
	[tilespmem:s19+$0x1D720] =	vst v9;
	v9 =	vadd.f32 v3, v0  }
0x1ae: {  	v2 =	vld [tilespmem:s17+$0x1B740];
	[tilespmem:s19+$0x1D740] =	vst v10;
	v10 =	vadd.f32 v4, v0  }
0x1af: {  	v3 =	vld [tilespmem:s17+$0x1B750];
	[tilespmem:s19+$0x1D750] =	vst v9;
	v9 =	vadd.f32 v5, v0  }
0x1b0: {  	v4 =	vld [tilespmem:s17+$0x1B730];
	[tilespmem:s19+$0x1D730] =	vst v10;
	v10 =	vadd.f32 v6, v0  }
0x1b1: {  	v5 =	vld [tilespmem:s17+$0x1B710];
	[tilespmem:s19+$0x1D710] =	vst v9;
	v9 =	vadd.f32 v7, v0  }
0x1b2: {  	v8 =	vadd.f32 v8, v0;
	v6 =	vld [tilespmem:s17+$0x1B760];
	[tilespmem:s19+$0x1D760] =	vst v10  }
0x1b3: {  	s29 =	simm.s32 $0x400;
	v7 =	vld [tilespmem:s17+$0x1B700];
	[tilespmem:s19+$0x1D700] =	vst v9  }
.LBB2_15:
0x1b4: {  	s1 =	sshra.s32 s29, $0x2;
	p0 =	sne.s32 s29, $0x1E00;
	s29 =	sadd.s32 $0x200, s29;
	v9 =	vld [tilespmem:s17+$0x1B770];
	[tilespmem:s19+$0x1D770] =	vst v8  }
0x1b5: {  	s19 =	smov.u32 s17;
	v1 =	vld.idx.msk [tilespmem:v1+s5+$0x0], $0xffff;
	s17 =	smov.u32 s1  }
0x1b6: {  	v2 =	vld.idx.msk [tilespmem:v2+s5+$0x0], $0xffff  }
0x1b7: {  	v3 =	vld.idx.msk [tilespmem:v3+s5+$0x0], $0xffff  }
0x1b8: {  	v4 =	vld.idx.msk [tilespmem:v4+s5+$0x0], $0xffff  }
0x1b9: {  	v5 =	vld.idx.msk [tilespmem:v5+s5+$0x0], $0xffff  }
0x1ba: {  	v6 =	vld.idx.msk [tilespmem:v6+s5+$0x0], $0xffff  }
0x1bb: {  	v8 =	vadd.f32 v1, v0;
	v7 =	vld.idx.msk [tilespmem:v7+s5+$0x0], $0xffff  }
0x1bc: {  	v10 =	vadd.f32 v2, v0;
	v9 =	vld.idx.msk [tilespmem:v9+s5+$0x0], $0xffff  }
0x1bd: {  	v1 =	vld [tilespmem:s17+$0x1B720];
	[tilespmem:s19+$0x1D720] =	vst v8;
	v8 =	vadd.f32 v3, v0  }
0x1be: {  	v11 =	vadd.f32 v4, v0;
	v2 =	vld [tilespmem:s17+$0x1B740];
	[tilespmem:s19+$0x1D740] =	vst v10  }
.Ltmp6:
0x1bf: {  	v10 =	vadd.f32 v5, v0;
	v3 =	vld [tilespmem:s17+$0x1B750];
	[tilespmem:s19+$0x1D750] =	vst v8;
	(pc) =	sbr.rel @p0 .LBB2_15-.Ltmp6, $4  }
0x1c0: {  	v8 =	vadd.f32 v6, v0;
	v4 =	vld [tilespmem:s17+$0x1B730];
	[tilespmem:s19+$0x1D730] =	vst v11  }
0x1c1: {  	v11 =	vadd.f32 v7, v0;
	v5 =	vld [tilespmem:s17+$0x1B710];
	[tilespmem:s19+$0x1D710] =	vst v10  }
0x1c2: {  	v6 =	vld [tilespmem:s17+$0x1B760];
	[tilespmem:s19+$0x1D760] =	vst v8;
	v8 =	vadd.f32 v9, v0  }
0x1c3: {  	v7 =	vld [tilespmem:s17+$0x1B700];
	[tilespmem:s19+$0x1D700] =	vst v11  }
0x1c4: {  	_ =	sdelay $0x2  }
0x1c5: {  	v9 =	vld [tilespmem:s17+$0x1B770];
	[tilespmem:s19+$0x1D770] =	vst v8  }
0x1c6: {  	v1 =	vld.idx.msk [tilespmem:v1+s5+$0x0], $0xffff  }
0x1c7: {  	v2 =	vld.idx.msk [tilespmem:v2+s5+$0x0], $0xffff  }
0x1c8: {  	v3 =	vld.idx.msk [tilespmem:v3+s5+$0x0], $0xffff  }
0x1c9: {  	v4 =	vld.idx.msk [tilespmem:v4+s5+$0x0], $0xffff  }
0x1ca: {  	v5 =	vld.idx.msk [tilespmem:v5+s5+$0x0], $0xffff  }
0x1cb: {  	v6 =	vld.idx.msk [tilespmem:v6+s5+$0x0], $0xffff;
	v1 =	vadd.f32 v1, v0  }
0x1cc: {  	v7 =	vld.idx.msk [tilespmem:v7+s5+$0x0], $0xffff;
	v2 =	vadd.f32 v2, v0  }
0x1cd: {  	v8 =	vld.idx.msk [tilespmem:v9+s5+$0x0], $0xffff;
	[tilespmem:s17+$0x1D720] =	vst v1;
	v1 =	vadd.f32 v3, v0  }
0x1ce: {  	v3 =	vadd.f32 v4, v0;
	[tilespmem:s17+$0x1D740] =	vst v2  }
0x1cf: {  	v2 =	vadd.f32 v5, v0;
	[tilespmem:s17+$0x1D750] =	vst v1  }
0x1d0: {  	[tilespmem:s17+$0x1D730] =	vst v3;
	v1 =	vadd.f32 v6, v0  }
0x1d1: {  	v3 =	vadd.f32 v7, v0;
	[tilespmem:s17+$0x1D710] =	vst v2  }
0x1d2: {  	[tilespmem:s17+$0x1D760] =	vst v1;
	v1 =	vadd.f32 v8, v0  }
0x1d3: {  	[tilespmem:s17+$0x1D700] =	vst v3  }
0x1d4: {  	s1 =	sadd.s32 s7, s16;
	[tilespmem:s17+$0x1D770] =	vst v1  }
0x1d5: {  	[hbm4b:s1+s20] =	stream.strided.scatter [tilespmem:s25], [sflag:$0x2], $0x800, s21, s20, $0x38;
	[tilespmem:$0x1EC00] =	vst v63  }
0x1d6: {  	_ =	swait.ge [sflag:s28], $0x800  }
0x1d7: {  	[sflag:s28] =	ssyncset.done $0x0  }
0x1d8: {  	s17 =	simm.s32 $0x0;
	[sflag:s28] =	ssyncadd.s32 $0xFFFFF800  }
0x1d9: {  	v1 =	vld [tilespmem:s17+$0x1BF20]  }
0x1da: {  	v2 =	vld [tilespmem:s17+$0x1BF40]  }
0x1db: {  	v3 =	vld [tilespmem:s17+$0x1BF50]  }
0x1dc: {  	v4 =	vld [tilespmem:s17+$0x1BF30]  }
0x1dd: {  	v5 =	vld [tilespmem:s17+$0x1BF10]  }
0x1de: {  	v6 =	vld [tilespmem:s17+$0x1BF60]  }
0x1df: {  	v7 =	vld [tilespmem:s17+$0x1BF00]  }
0x1e0: {  	v8 =	vld [tilespmem:s17+$0x1BF70]  }
0x1e1: {  	v1 =	vld.idx.msk [tilespmem:v1+s5+$0x0], $0xffff  }
0x1e2: {  	v2 =	vld.idx.msk [tilespmem:v2+s5+$0x0], $0xffff  }
0x1e3: {  	v3 =	vld.idx.msk [tilespmem:v3+s5+$0x0], $0xffff  }
0x1e4: {  	v4 =	vld.idx.msk [tilespmem:v4+s5+$0x0], $0xffff  }
0x1e5: {  	v5 =	vld.idx.msk [tilespmem:v5+s5+$0x0], $0xffff  }
0x1e6: {  	v6 =	vld.idx.msk [tilespmem:v6+s5+$0x0], $0xffff  }
0x1e7: {  	v7 =	vld.idx.msk [tilespmem:v7+s5+$0x0], $0xffff;
	v9 =	vadd.f32 v1, v0  }
0x1e8: {  	s7 =	simm.s32 $0x80;
	v8 =	vld.idx.msk [tilespmem:v8+s5+$0x0], $0xffff;
	v10 =	vadd.f32 v2, v0  }
0x1e9: {  	v1 =	vld [tilespmem:s7+$0x1BF20];
	[tilespmem:s17+$0x1DF20] =	vst v9;
	v9 =	vadd.f32 v3, v0  }
0x1ea: {  	v2 =	vld [tilespmem:s7+$0x1BF40];
	[tilespmem:s17+$0x1DF40] =	vst v10;
	v10 =	vadd.f32 v4, v0  }
0x1eb: {  	v3 =	vld [tilespmem:s7+$0x1BF50];
	[tilespmem:s17+$0x1DF50] =	vst v9;
	v9 =	vadd.f32 v5, v0  }
0x1ec: {  	v4 =	vld [tilespmem:s7+$0x1BF30];
	[tilespmem:s17+$0x1DF30] =	vst v10;
	v10 =	vadd.f32 v6, v0  }
0x1ed: {  	v5 =	vld [tilespmem:s7+$0x1BF10];
	[tilespmem:s17+$0x1DF10] =	vst v9;
	v9 =	vadd.f32 v7, v0  }
0x1ee: {  	v8 =	vadd.f32 v8, v0;
	v6 =	vld [tilespmem:s7+$0x1BF60];
	[tilespmem:s17+$0x1DF60] =	vst v10  }
0x1ef: {  	s19 =	simm.s32 $0x400;
	v7 =	vld [tilespmem:s7+$0x1BF00];
	[tilespmem:s17+$0x1DF00] =	vst v9  }
.LBB2_17:
0x1f0: {  	s1 =	sshra.s32 s19, $0x2;
	p0 =	sne.s32 s19, $0x1E00;
	s19 =	sadd.s32 $0x200, s19;
	v9 =	vld [tilespmem:s7+$0x1BF70];
	[tilespmem:s17+$0x1DF70] =	vst v8  }
0x1f1: {  	s17 =	smov.u32 s7;
	v1 =	vld.idx.msk [tilespmem:v1+s5+$0x0], $0xffff;
	s7 =	smov.u32 s1  }
0x1f2: {  	v2 =	vld.idx.msk [tilespmem:v2+s5+$0x0], $0xffff  }
0x1f3: {  	v3 =	vld.idx.msk [tilespmem:v3+s5+$0x0], $0xffff  }
0x1f4: {  	v4 =	vld.idx.msk [tilespmem:v4+s5+$0x0], $0xffff  }
0x1f5: {  	v5 =	vld.idx.msk [tilespmem:v5+s5+$0x0], $0xffff  }
0x1f6: {  	v6 =	vld.idx.msk [tilespmem:v6+s5+$0x0], $0xffff  }
0x1f7: {  	v8 =	vadd.f32 v1, v0;
	v7 =	vld.idx.msk [tilespmem:v7+s5+$0x0], $0xffff  }
0x1f8: {  	v10 =	vadd.f32 v2, v0;
	v9 =	vld.idx.msk [tilespmem:v9+s5+$0x0], $0xffff  }
0x1f9: {  	v1 =	vld [tilespmem:s7+$0x1BF20];
	[tilespmem:s17+$0x1DF20] =	vst v8;
	v8 =	vadd.f32 v3, v0  }
0x1fa: {  	v11 =	vadd.f32 v4, v0;
	v2 =	vld [tilespmem:s7+$0x1BF40];
	[tilespmem:s17+$0x1DF40] =	vst v10  }
.Ltmp7:
0x1fb: {  	v10 =	vadd.f32 v5, v0;
	v3 =	vld [tilespmem:s7+$0x1BF50];
	[tilespmem:s17+$0x1DF50] =	vst v8;
	(pc) =	sbr.rel @p0 .LBB2_17-.Ltmp7, $4  }
0x1fc: {  	v8 =	vadd.f32 v6, v0;
	v4 =	vld [tilespmem:s7+$0x1BF30];
	[tilespmem:s17+$0x1DF30] =	vst v11  }
0x1fd: {  	v11 =	vadd.f32 v7, v0;
	v5 =	vld [tilespmem:s7+$0x1BF10];
	[tilespmem:s17+$0x1DF10] =	vst v10  }
0x1fe: {  	v6 =	vld [tilespmem:s7+$0x1BF60];
	[tilespmem:s17+$0x1DF60] =	vst v8;
	v8 =	vadd.f32 v9, v0  }
0x1ff: {  	v7 =	vld [tilespmem:s7+$0x1BF00];
	[tilespmem:s17+$0x1DF00] =	vst v11  }
0x200: {  	_ =	sdelay $0x2  }
0x201: {  	v9 =	vld [tilespmem:s7+$0x1BF70];
	[tilespmem:s17+$0x1DF70] =	vst v8  }
0x202: {  	v1 =	vld.idx.msk [tilespmem:v1+s5+$0x0], $0xffff  }
0x203: {  	v2 =	vld.idx.msk [tilespmem:v2+s5+$0x0], $0xffff  }
0x204: {  	v3 =	vld.idx.msk [tilespmem:v3+s5+$0x0], $0xffff  }
0x205: {  	v4 =	vld.idx.msk [tilespmem:v4+s5+$0x0], $0xffff  }
0x206: {  	v5 =	vld.idx.msk [tilespmem:v5+s5+$0x0], $0xffff  }
0x207: {  	v6 =	vld.idx.msk [tilespmem:v6+s5+$0x0], $0xffff;
	v1 =	vadd.f32 v1, v0  }
0x208: {  	v7 =	vld.idx.msk [tilespmem:v7+s5+$0x0], $0xffff;
	v2 =	vadd.f32 v2, v0  }
0x209: {  	v58 =	vadd.f32 v3, v0;
	v8 =	vld.idx.msk [tilespmem:v9+s5+$0x0], $0xffff;
	[tilespmem:s7+$0x1DF20] =	vst v1  }
0x20a: {  	v59 =	vadd.f32 v4, v0;
	[tilespmem:s7+$0x1DF40] =	vst v2  }
0x20b: {  	v60 =	vadd.f32 v5, v0;
	[tilespmem:s7+$0x1DF50] =	vst v58  }
0x20c: {  	[tilespmem:s7+$0x1DF30] =	vst v59;
	v61 =	vadd.f32 v6, v0  }
0x20d: {  	s0 =	sor.u32 s0, s4;
	v62 =	vadd.f32 v7, v0;
	[tilespmem:s7+$0x1DF10] =	vst v60  }
0x20e: {  	s0 =	sshrl.u32 s0, $0x3;
	[tilespmem:s7+$0x1DF60] =	vst v61;
	v63 =	vadd.f32 v8, v0  }
0x20f: {  	s0 =	sor.u32 $0x3800, s0;
	[tilespmem:s7+$0x1DF00] =	vst v62  }
0x210: {  	s0 =	sadd.s32 s3, s0;
	[tilespmem:s7+$0x1DF70] =	vst v63  }
0x211: {  	[hbm4b:s0+s20] =	stream.strided.scatter [tilespmem:s26], [sflag:$0x2], $0x800, s21, s20, $0x38;
	[tilespmem:$0x1EC00] =	vst v63  }
0x212: {  	_ =	swait.ge [sflag:s28], $0x800  }
0x213: {  	[sflag:s28] =	ssyncset.done $0x0  }
0x214: {  	[sflag:s28] =	ssyncadd.s32 $0xFFFFF800  }
0x215: {  	_ =	swait.ge [sflag:s28], $0x800  }
0x216: {  	[sflag:s28] =	ssyncset.done $0x0  }
0x217: {  	s30 =	sadd.s32 $0x1, s30;
	[sflag:s28] =	ssyncadd.s32 $0xFFFFF800  }
0x218: {  	p0 =	sne.s32 s30, $0x1A;
	_ =	swait.ge [sflag:s28], $0x800  }
.Ltmp8:
0x219: {  	[sflag:s28] =	ssyncset.done $0x0;
	(pc) =	sbr.rel @p0 .LBB2_2-.Ltmp8, $4  }
0x21a: {  	[sflag:s28] =	ssyncadd.s32 $0xFFFFF800  }
0x21b: {  	_ =	swait.ge [sflag:s28], $0x800  }
0x21c: {  	[sflag:s28] =	ssyncset.done $0x0  }
0x21d: {  	[sflag:s28] =	ssyncadd.s32 $0xFFFFF800  }
0x21e: {  	s1 =	rddreg [dreg:$0x7]  }
0x21f: {  	s0 =	rddreg [dreg:$0x6];
	s1 =	sadd.s32 $0x1, s1  }
0x220: {  	p0 =	sne.s32 s1, s0  }
.Ltmp9:
0x221: {  	_ = 	snop;
	(pc) =	sbr.rel @p0 .LBB2_1-.Ltmp9, $1  }
0x222: {  	_ =	sdelay $0x3  }
0x223: {  	_ =	sfence.sel $0x180000  }
0x224: {  	[bflag:$0x0] =	sbarrier.arrive $0xFFFF  }
0x225: {  	_ =	strace $0x90000047  }
0x226: {  	s0 =	stileid.u32;
	[bflag:$0x2] =	sbarrier.arrive $0xFFFF  }
0x227: {  	p0 =	sne.s32 s0, $0x0;
	s0 =	rddreg [dreg:$0x4]  }
0x228: {  	s0 =	sadd.s32 @!p0 $0x100000, s0  }
0x229: {  	[sflag:s0] =	ssyncadd.tile.s32 @!p0 $0x1;
	_ =	shalt  }
.Lfunc_end2:
_tile_overlayer_lowered:
.L_overlay_start_2:
0x22a: {  	(tag) =	ssettag $0x2  }
0x22b: {  	s0 =	rddreg [dreg:$0x0];
	s2 =	stileid.u32  }
0x22c: {  	s1 =	rddreg [dreg:$0x1];
	p0 =	sne.s32 s2, $0x0  }
0x22d: {  	s3 =	rddreg [dreg:$0x2];
	[bflag:$0x3] =	sbarrier.arrive $0xFFFF;
	s2 =	simm.s32 @!p0 $0x1C03  }
0x22e: {  	[timem:s3], [sflag:s2] =	dma.local @!p0 [hbm:s0], s1  }
0x22f: {  	s0 =	simm.s32 @!p0 $0x3  }
0x230: {  	_ =	swait.ge @!p0 [sflag:s0], s1  }
0x231: {  	s1 =	ssub.s32 @!p0 $0x0, s1;
	[sflag:s0] =	ssyncset.done @!p0 $0x0  }
0x232: {  	[sflag:s0] =	ssyncadd.s32 @!p0 s1  }
0x233: {  	[bflag:$0x3] =	sbarrier.arrive $0xFFFF  }
0x234: {  	_ =	shalt  }

</sc_bundles>
